<compile_context>
chip_gen: v7x
topology: tpu7x:2x2x1
jax: 0.10.2.dev20260603
libtpu: 0.0.44.dev20260713+nightly
codegen_flags: <defaults>
</compile_context>

<pallas_src>
import functools

import jax
import jax.numpy as jnp
from jax import lax
from jax.experimental import pallas as pl
from jax.experimental.pallas import tpu as pltpu
from jax.experimental.pallas import tpu_sc as plsc

_EPS = 1e-5
_BN = 400


def _gather_rows_sc(table, idx):
    e = idx.shape[0]
    d = table.shape[1]
    info = plsc.get_sparse_core_info()
    nw = info.num_cores * info.num_subcores
    per_w = e // nw
    chunk = 400
    n_ch = per_w // chunk
    mesh = plsc.VectorSubcoreMesh(core_axis_name="c", subcore_axis_name="s")

    @functools.partial(
        pl.kernel,
        mesh=mesh,
        out_type=jax.ShapeDtypeStruct((e, d), table.dtype),
        scratch_types=[
            pltpu.VMEM((chunk,), jnp.int32),
            pltpu.VMEM((chunk,), jnp.int32),
            pltpu.VMEM((chunk, d), table.dtype),
            pltpu.VMEM((chunk, d), table.dtype),
            pltpu.SemaphoreType.DMA,
            pltpu.SemaphoreType.DMA,
        ],
    )
    def gather_kernel(table_hbm, idx_hbm, out_hbm, idx_v0, idx_v1,
                      rows_v0, rows_v1, sem_g, sem_s):
        wid = lax.axis_index("s") * info.num_cores + lax.axis_index("c")
        base = wid * per_w
        idx_v = [idx_v0, idx_v1]
        rows_v = [rows_v0, rows_v1]

        pltpu.sync_copy(idx_hbm.at[pl.ds(base, chunk)], idx_v[0])
        pltpu.async_copy(table_hbm.at[idx_v[0]], rows_v[0], sem_g)
        scatter_live = [False, False]
        for t in range(n_ch):
            bsl = t % 2
            if t + 1 < n_ch:
                nsl = (t + 1) % 2
                pltpu.sync_copy(idx_hbm.at[pl.ds(base + (t + 1) * chunk, chunk)],
                                idx_v[nsl])
                if scatter_live[nsl]:
                    pltpu.make_async_copy(rows_v[nsl],
                                          out_hbm.at[pl.ds(base, chunk)],
                                          sem_s).wait()
                    scatter_live[nsl] = False
                pltpu.async_copy(table_hbm.at[idx_v[nsl]], rows_v[nsl], sem_g)
            pltpu.make_async_copy(table_hbm.at[idx_v[bsl]], rows_v[bsl],
                                  sem_g).wait()
            pltpu.async_copy(rows_v[bsl],
                             out_hbm.at[pl.ds(base + t * chunk, chunk)], sem_s)
            scatter_live[bsl] = True
        for sl in range(2):
            if scatter_live[sl]:
                pltpu.make_async_copy(rows_v[sl],
                                      out_hbm.at[pl.ds(base, chunk)], sem_s).wait()

    return gather_kernel(table, idx)


def _build_lhs(atom_ref, af_ref, nf_ref, bn, m, dd, dn):
    be = bn * m
    atom_bf = atom_ref[...].astype(jnp.bfloat16)
    atom_rep = jnp.broadcast_to(atom_bf[:, None, :], (bn, m, dd))
    return jnp.concatenate(
        [atom_rep.reshape(be, dd),
         af_ref[...].astype(jnp.bfloat16),
         nf_ref[...].reshape(be, dn)], axis=1)


def _stats_tc(atom_fea, af_h, nbr_fea, w_cat, node_off):
    n, dd = atom_fea.shape
    eh = af_h.shape[0]
    m = nbr_fea.shape[1]
    dn = nbr_fea.shape[2]
    dout = w_cat.shape[1]
    bn = _BN
    be = bn * m
    nbh = eh // be
    ob = node_off // bn

    def body(atom_ref, afg_ref, nf_ref, w_ref, out_ref, sum_ref, ssq_ref):
        i = pl.program_id(0)

        @pl.when(i == 0)
        def _init():
            sum_ref[...] = jnp.zeros_like(sum_ref)
            ssq_ref[...] = jnp.zeros_like(ssq_ref)

        lhs = _build_lhs(atom_ref, afg_ref, nf_ref, bn, m, dd, dn)
        z = jnp.dot(lhs, w_ref[...], preferred_element_type=jnp.float32)
        zf = z.astype(jnp.bfloat16)
        ones_row = jnp.ones((8, be), dtype=jnp.bfloat16)
        sum_ref[...] += jnp.dot(ones_row, zf,
                                preferred_element_type=jnp.float32)[:1]
        ssq_ref[...] += jnp.dot(ones_row, zf * zf,
                                preferred_element_type=jnp.float32)[:1]

        @pl.when(i == nbh - 1)
        def _emit():
            out_ref[0:1, :] = sum_ref[...]
            out_ref[1:2, :] = ssq_ref[...]

    return pl.pallas_call(
        body,
        grid=(nbh,),
        in_specs=[
            pl.BlockSpec((bn, dd), lambda i: (ob + i, 0)),
            pl.BlockSpec((be, dd), lambda i: (i, 0)),
            pl.BlockSpec((bn, m, dn), lambda i: (ob + i, 0, 0)),
            pl.BlockSpec((2 * dd + dn, dout), lambda i: (0, 0)),
        ],
        out_specs=pl.BlockSpec((2, dout), lambda i: (0, 0)),
        out_shape=jax.ShapeDtypeStruct((2, dout), jnp.float32),
        scratch_shapes=[
            pltpu.VMEM((1, dout), jnp.float32),
            pltpu.VMEM((1, dout), jnp.float32),
        ],
    )(atom_fea, af_h, nbr_fea, w_cat)


def _apply_tc(atom_fea, af_a, af_b, nbr_fea, w_cat, g1, b1, stats_a, stats_b):
    n, dd = atom_fea.shape
    e = af_a.shape[0] + af_b.shape[0]
    m = nbr_fea.shape[1]
    dn = nbr_fea.shape[2]
    dout = w_cat.shape[1]
    bn = _BN
    be = bn * m
    nb = n // bn
    nba = af_a.shape[0] // be

    def body(atom_ref, afa_ref, afb_ref, nf_ref, w_ref, g1_ref, b1_ref,
             sa_ref, sb_ref, msg_ref, wsc_ref, sh_ref):
        i = pl.program_id(0)

        @pl.when(i == 0)
        def _finalize():
            cnt = jnp.float32(e)
            tot = sa_ref[...] + sb_ref[...]
            mu = tot[0:1, :] / cnt
            var = tot[1:2, :] / cnt - mu * mu
            inv = lax.rsqrt(var + _EPS)
            sc = g1_ref[...] * inv
            sh_ref[...] = b1_ref[...] - mu * sc
            wsc_ref[...] = (w_ref[...].astype(jnp.float32)
                            * sc).astype(jnp.bfloat16)

        def gate(af_ref):
            lhs = _build_lhs(atom_ref, af_ref, nf_ref, bn, m, dd, dn)
            zn = jnp.dot(lhs, wsc_ref[...],
                         preferred_element_type=jnp.float32) + sh_ref[...]
            f = jax.nn.sigmoid(zn[:, :dd])
            c = jax.nn.softplus(zn[:, dd:])
            msg_ref[...] = jnp.sum((f * c).reshape(bn, m, dd), axis=1)

        @pl.when(i < nba)
        def _half_a():
            gate(afa_ref)

        @pl.when(i >= nba)
        def _half_b():
            gate(afb_ref)

    return pl.pallas_call(
        body,
        grid=(nb,),
        in_specs=[
            pl.BlockSpec((bn, dd), lambda i: (i, 0)),
            pl.BlockSpec((be, dd), lambda i: (jnp.minimum(i, nba - 1), 0)),
            pl.BlockSpec((be, dd), lambda i: (jnp.maximum(i - nba, 0), 0)),
            pl.BlockSpec((bn, m, dn), lambda i: (i, 0, 0)),
            pl.BlockSpec((2 * dd + dn, dout), lambda i: (0, 0)),
            pl.BlockSpec((1, dout), lambda i: (0, 0)),
            pl.BlockSpec((1, dout), lambda i: (0, 0)),
            pl.BlockSpec((2, dout), lambda i: (0, 0)),
            pl.BlockSpec((2, dout), lambda i: (0, 0)),
        ],
        out_specs=pl.BlockSpec((bn, dd), lambda i: (i, 0)),
        out_shape=jax.ShapeDtypeStruct((n, dd), jnp.float32),
        scratch_shapes=[
            pltpu.VMEM((2 * dd + dn, dout), jnp.bfloat16),
            pltpu.VMEM((1, dout), jnp.float32),
        ],
    )(atom_fea, af_a, af_b, nbr_fea, w_cat, g1, b1, stats_a, stats_b)


def _bn2_residual(atom_fea, msg, g2, b2):
    n, dd = atom_fea.shape

    def body(atom_ref, msg_ref, g2_ref, b2_ref, out_ref):
        msgv = msg_ref[...]
        cnt = jnp.float32(n)
        mu = jnp.sum(msgv, axis=0, keepdims=True) / cnt
        zc = msgv - mu
        var = jnp.sum(zc * zc, axis=0, keepdims=True) / cnt
        inv = lax.rsqrt(var + _EPS)
        zn = zc * (g2_ref[...] * inv) + b2_ref[...]
        out_ref[...] = atom_ref[...] + jax.nn.softplus(zn)

    return pl.pallas_call(
        body,
        out_shape=jax.ShapeDtypeStruct((n, dd), jnp.float32),
    )(atom_fea, msg, g2, b2)


def kernel(atom_fea, nbr_fea, nbr_idx, W_full, b_full,
           bn1_gamma, bn1_beta, bn2_gamma, bn2_beta):
    n, m = nbr_idx.shape
    d = atom_fea.shape[1]
    idx_flat = nbr_idx.reshape(-1).astype(jnp.int32)
    na = (n * 13) // 25
    ea = na * m
    af_a = _gather_rows_sc(atom_fea, idx_flat[:ea])
    af_b = _gather_rows_sc(atom_fea, idx_flat[ea:])
    del b_full
    nbr16 = nbr_fea.astype(jnp.bfloat16)
    w16 = W_full.astype(jnp.bfloat16)
    stats_a = _stats_tc(atom_fea, af_a, nbr16, w16, 0)
    stats_b = _stats_tc(atom_fea, af_b, nbr16, w16, na)
    msg = _apply_tc(atom_fea, af_a, af_b, nbr16, w16,
                    bn1_gamma.reshape(1, -1), bn1_beta.reshape(1, -1),
                    stats_a, stats_b)
    return _bn2_residual(atom_fea, msg, bn2_gamma.reshape(1, -1),
                         bn2_beta.reshape(1, -1))

# --- scband reference (transcript-rebuilt; emitter-appended) ---
"""Pipeline reference for scband-cgcnnconv-27908697489524 (READ-ONLY COPY).

The authoritative reference and input builder live on the scoring server;
editing this copy changes nothing except your own understanding.
"""

import jax, jax.numpy as jnp
import numpy as np

N = 10000
M = 32
ATOM_FEA_LEN = 128
NBR_FEA_LEN = 16
EPS = 1e-5


def setup_inputs(seed: int = 0) -> dict:
    key = jax.random.key(seed)
    k1, k2, k3, k4, k5 = jax.random.split(key, 5)
    atom_fea = jax.random.normal(k1, (N, ATOM_FEA_LEN), dtype=jnp.float32)
    nbr_fea = jax.random.normal(k2, (N, M, NBR_FEA_LEN), dtype=jnp.float32)
    nbr_idx = jax.random.randint(k3, (N, M), 0, N, dtype=jnp.int64)
    in_dim = 2 * ATOM_FEA_LEN + NBR_FEA_LEN
    out_dim = 2 * ATOM_FEA_LEN
    bound = 1.0 / np.sqrt(in_dim)
    W_full = jax.random.uniform(k4, (in_dim, out_dim), dtype=jnp.float32, minval=-bound, maxval=bound)
    b_full = jax.random.uniform(k5, (out_dim,), dtype=jnp.float32, minval=-bound, maxval=bound)
    bn1_gamma = jnp.ones((out_dim,), dtype=jnp.float32)
    bn1_beta = jnp.zeros((out_dim,), dtype=jnp.float32)
    bn2_gamma = jnp.ones((ATOM_FEA_LEN,), dtype=jnp.float32)
    bn2_beta = jnp.zeros((ATOM_FEA_LEN,), dtype=jnp.float32)
    return {
        'atom_fea': atom_fea,
        'nbr_fea': nbr_fea,
        'nbr_idx': nbr_idx,
        'W_full': W_full,
        'b_full': b_full,
        'bn1_gamma': bn1_gamma,
        'bn1_beta': bn1_beta,
        'bn2_gamma': bn2_gamma,
        'bn2_beta': bn2_beta,
    }


def _batchnorm(x, gamma, beta):
    # PyTorch BatchNorm1d in training mode: biased variance over the batch dim
    mean = jnp.mean(x, axis=0)
    var = jnp.var(x, axis=0)
    return (x - mean) / jnp.sqrt(var + EPS) * gamma + beta


def reference(atom_fea, nbr_fea, nbr_idx, W_full, b_full, bn1_gamma, bn1_beta, bn2_gamma, bn2_beta):
    n, m = nbr_idx.shape
    d = atom_fea.shape[-1]
    # gather neighbor atom features: [N, M, d]
    atom_nbr_fea = jnp.take(atom_fea, nbr_idx, axis=0)
    atom_fea_expand = jnp.broadcast_to(atom_fea[:, None, :], (n, m, d))
    total_fea = jnp.concatenate([atom_fea_expand, atom_nbr_fea, nbr_fea], axis=2)
    total_fea = total_fea @ W_full + b_full
    flat = total_fea.reshape(-1, total_fea.shape[-1])
    flat = _batchnorm(flat, bn1_gamma, bn1_beta)
    total_fea = flat.reshape(n, m, -1)
    filter_fea, core_fea = jnp.split(total_fea, 2, axis=2)
    filter_fea = jax.nn.sigmoid(filter_fea)
    core_fea = jax.nn.softplus(core_fea)
    nbr_msg = jnp.sum(filter_fea * core_fea, axis=1)
    nbr_msg = _batchnorm(nbr_msg, bn2_gamma, bn2_beta)
    return atom_fea + jax.nn.softplus(nbr_msg)

if __name__ == "__main__":
    import jax
    _d = setup_inputs()
    print(jax.jit(kernel)(*tuple(_d.values())))

</pallas_src>

<mosaic_0001>
#map = affine_map<(d0, d1) -> (0, 0)>
#map1 = affine_map<(d0, d1) -> (0)>
module attributes {stable_mosaic.version = 14 : i64} {
  func.func @gather_kernel(%arg0: i32, %arg1: i32, %arg2: memref<10000x128xf32, #tpu.memory_space<hbm>>, %arg3: memref<166400xi32, #tpu.memory_space<hbm>>, %arg4: memref<166400x128xf32, #tpu.memory_space<hbm>>, %arg5: memref<400xi32, #tpu.memory_space<vmem>>, %arg6: memref<400xi32, #tpu.memory_space<vmem>>, %arg7: memref<400x128xf32, #tpu.memory_space<vmem>>, %arg8: memref<400x128xf32, #tpu.memory_space<vmem>>, %arg9: memref<!tpu.dma_semaphore, #tpu.memory_space<semaphore_mem>>, %arg10: memref<!tpu.dma_semaphore, #tpu.memory_space<semaphore_mem>>) attributes {dimension_semantics = [#tpu.dimension_semantics<core_parallel>, #tpu.dimension_semantics<subcore_parallel>], iteration_bounds = array<i64: 2, 16>, scalar_prefetch = 0 : i64, scratch_operands = 6 : i64, tpu.core_type = #tpu.core_type<sc_vector_subcore>, window_params = [{transform_indices = #map}, {transform_indices = #map1}, {transform_indices = #map}]} {
    %mul3A = arith.constant 2 : i32
    %mul3A_0 = arith.muli %arg1, %mul3A : i32
    %add3A = arith.addi %mul3A_0, %arg0 : i32
    %mul3A_1 = arith.constant 5200 : i32
    %mul3A_2 = arith.muli %add3A, %mul3A_1 : i32
    "tpu.region"() ({
      %run_scoped3A = tpu.sem_alloc : memref<!tpu.dma_semaphore, #tpu.memory_space<semaphore_mem>>
      %dma_start3A_233 = tpu.memref_slice %arg3[%mul3A_2] : memref<166400xi32, #tpu.memory_space<hbm>> -> memref<400xi32, #tpu.memory_space<hbm>>
      %dma_start3A_234 = tpu.memref_slice %arg3[%mul3A_2] : memref<166400xi32, #tpu.memory_space<hbm>> -> memref<400xi32, #tpu.memory_space<hbm>>
      tpu.enqueue_dma source(%dma_start3A_234 : memref<400xi32, #tpu.memory_space<hbm>>) target(%arg5 : memref<400xi32, #tpu.memory_space<vmem>>) target_semaphore(%run_scoped3A : memref<!tpu.dma_semaphore, #tpu.memory_space<semaphore_mem>>)
      %dma_wait3A_235 = tpu.memref_slice %arg3[%mul3A_2] : memref<166400xi32, #tpu.memory_space<hbm>> -> memref<400xi32, #tpu.memory_space<hbm>>
      %dma_wait3A_236 = tpu.memref_slice %arg3[%mul3A_2] : memref<166400xi32, #tpu.memory_space<hbm>> -> memref<400xi32, #tpu.memory_space<hbm>>
      tpu.wait_dma2 semaphore(%run_scoped3A : memref<!tpu.dma_semaphore, #tpu.memory_space<semaphore_mem>>) src(%dma_wait3A_236 : memref<400xi32, #tpu.memory_space<hbm>>) dst(%arg5 : memref<400xi32, #tpu.memory_space<vmem>>)
      tpu.yield
    }) : () -> ()
    %dma_start3A = arith.constant 0 : i32
    %dma_start3A_3 = arith.constant 0 : i32
    %dma_start3A_4 = tpu.memref_slice %arg2[%dma_start3A, %dma_start3A_3] : memref<10000x128xf32, #tpu.memory_space<hbm>> -> memref<10000x128xf32, #tpu.memory_space<hbm>>
    tpu.enqueue_indirect_dma source(%dma_start3A_4 : memref<10000x128xf32, #tpu.memory_space<hbm>>) target(%arg7 : memref<400x128xf32, #tpu.memory_space<vmem>>) offsets(%arg5 : memref<400xi32, #tpu.memory_space<vmem>>) semaphore(%arg9 : memref<!tpu.dma_semaphore, #tpu.memory_space<semaphore_mem>>)
    %add3A_5 = arith.constant 400 : i32
    %add3A_6 = arith.addi %mul3A_2, %add3A_5 : i32
    "tpu.region"() ({
      %run_scoped3A = tpu.sem_alloc : memref<!tpu.dma_semaphore, #tpu.memory_space<semaphore_mem>>
      %dma_start3A_233 = tpu.memref_slice %arg3[%add3A_6] : memref<166400xi32, #tpu.memory_space<hbm>> -> memref<400xi32, #tpu.memory_space<hbm>>
      %dma_start3A_234 = tpu.memref_slice %arg3[%add3A_6] : memref<166400xi32, #tpu.memory_space<hbm>> -> memref<400xi32, #tpu.memory_space<hbm>>
      tpu.enqueue_dma source(%dma_start3A_234 : memref<400xi32, #tpu.memory_space<hbm>>) target(%arg6 : memref<400xi32, #tpu.memory_space<vmem>>) target_semaphore(%run_scoped3A : memref<!tpu.dma_semaphore, #tpu.memory_space<semaphore_mem>>)
      %dma_wait3A_235 = tpu.memref_slice %arg3[%add3A_6] : memref<166400xi32, #tpu.memory_space<hbm>> -> memref<400xi32, #tpu.memory_space<hbm>>
      %dma_wait3A_236 = tpu.memref_slice %arg3[%add3A_6] : memref<166400xi32, #tpu.memory_space<hbm>> -> memref<400xi32, #tpu.memory_space<hbm>>
      tpu.wait_dma2 semaphore(%run_scoped3A : memref<!tpu.dma_semaphore, #tpu.memory_space<semaphore_mem>>) src(%dma_wait3A_236 : memref<400xi32, #tpu.memory_space<hbm>>) dst(%arg6 : memref<400xi32, #tpu.memory_space<vmem>>)
      tpu.yield
    }) : () -> ()
    %dma_start3A_7 = arith.constant 0 : i32
    %dma_start3A_8 = arith.constant 0 : i32
    %dma_start3A_9 = tpu.memref_slice %arg2[%dma_start3A_7, %dma_start3A_8] : memref<10000x128xf32, #tpu.memory_space<hbm>> -> memref<10000x128xf32, #tpu.memory_space<hbm>>
    tpu.enqueue_indirect_dma source(%dma_start3A_9 : memref<10000x128xf32, #tpu.memory_space<hbm>>) target(%arg8 : memref<400x128xf32, #tpu.memory_space<vmem>>) offsets(%arg6 : memref<400xi32, #tpu.memory_space<vmem>>) semaphore(%arg9 : memref<!tpu.dma_semaphore, #tpu.memory_space<semaphore_mem>>)
    %dma_wait3A = arith.constant 0 : i32
    %dma_wait3A_10 = arith.constant 0 : i32
    %dma_wait3A_11 = tpu.memref_slice %arg2[%dma_wait3A, %dma_wait3A_10] : memref<10000x128xf32, #tpu.memory_space<hbm>> -> memref<10000x128xf32, #tpu.memory_space<hbm>>
    tpu.wait_indirect_dma semaphore(%arg9 : memref<!tpu.dma_semaphore, #tpu.memory_space<semaphore_mem>>) src(%dma_wait3A_11 : memref<10000x128xf32, #tpu.memory_space<hbm>>) dst(%arg7 : memref<400x128xf32, #tpu.memory_space<vmem>>)
    %add3A_12 = arith.constant 0 : i32
    %add3A_13 = arith.addi %mul3A_2, %add3A_12 : i32
    %dma_start3A_14 = arith.constant 0 : i32
    %dma_start3A_15 = tpu.memref_slice %arg4[%add3A_13, %dma_start3A_14] : memref<166400x128xf32, #tpu.memory_space<hbm>> -> memref<400x128xf32, #tpu.memory_space<hbm>>
    %dma_start3A_16 = arith.constant 0 : i32
    %dma_start3A_17 = tpu.memref_slice %arg4[%add3A_13, %dma_start3A_16] : memref<166400x128xf32, #tpu.memory_space<hbm>> -> memref<400x128xf32, #tpu.memory_space<hbm>>
    tpu.enqueue_dma source(%arg7 : memref<400x128xf32, #tpu.memory_space<vmem>>) target(%dma_start3A_17 : memref<400x128xf32, #tpu.memory_space<hbm>>) target_semaphore(%arg10 : memref<!tpu.dma_semaphore, #tpu.memory_space<semaphore_mem>>)
    %add3A_18 = arith.constant 800 : i32
    %add3A_19 = arith.addi %mul3A_2, %add3A_18 : i32
    "tpu.region"() ({
      %run_scoped3A = tpu.sem_alloc : memref<!tpu.dma_semaphore, #tpu.memory_space<semaphore_mem>>
      %dma_start3A_233 = tpu.memref_slice %arg3[%add3A_19] : memref<166400xi32, #tpu.memory_space<hbm>> -> memref<400xi32, #tpu.memory_space<hbm>>
      %dma_start3A_234 = tpu.memref_slice %arg3[%add3A_19] : memref<166400xi32, #tpu.memory_space<hbm>> -> memref<400xi32, #tpu.memory_space<hbm>>
      tpu.enqueue_dma source(%dma_start3A_234 : memref<400xi32, #tpu.memory_space<hbm>>) target(%arg5 : memref<400xi32, #tpu.memory_space<vmem>>) target_semaphore(%run_scoped3A : memref<!tpu.dma_semaphore, #tpu.memory_space<semaphore_mem>>)
      %dma_wait3A_235 = tpu.memref_slice %arg3[%add3A_19] : memref<166400xi32, #tpu.memory_space<hbm>> -> memref<400xi32, #tpu.memory_space<hbm>>
      %dma_wait3A_236 = tpu.memref_slice %arg3[%add3A_19] : memref<166400xi32, #tpu.memory_space<hbm>> -> memref<400xi32, #tpu.memory_space<hbm>>
      tpu.wait_dma2 semaphore(%run_scoped3A : memref<!tpu.dma_semaphore, #tpu.memory_space<semaphore_mem>>) src(%dma_wait3A_236 : memref<400xi32, #tpu.memory_space<hbm>>) dst(%arg5 : memref<400xi32, #tpu.memory_space<vmem>>)
      tpu.yield
    }) : () -> ()
    %dma_wait3A_20 = arith.constant 0 : i32
    %dma_wait3A_21 = tpu.memref_slice %arg4[%mul3A_2, %dma_wait3A_20] : memref<166400x128xf32, #tpu.memory_space<hbm>> -> memref<400x128xf32, #tpu.memory_space<hbm>>
    %dma_wait3A_22 = arith.constant 0 : i32
    %dma_wait3A_23 = tpu.memref_slice %arg4[%mul3A_2, %dma_wait3A_22] : memref<166400x128xf32, #tpu.memory_space<hbm>> -> memref<400x128xf32, #tpu.memory_space<hbm>>
    tpu.wait_dma2 semaphore(%arg10 : memref<!tpu.dma_semaphore, #tpu.memory_space<semaphore_mem>>) src(%arg7 : memref<400x128xf32, #tpu.memory_space<vmem>>) dst(%dma_wait3A_23 : memref<400x128xf32, #tpu.memory_space<hbm>>)
    %dma_start3A_24 = arith.constant 0 : i32
    %dma_start3A_25 = arith.constant 0 : i32
    %dma_start3A_26 = tpu.memref_slice %arg2[%dma_start3A_24, %dma_start3A_25] : memref<10000x128xf32, #tpu.memory_space<hbm>> -> memref<10000x128xf32, #tpu.memory_space<hbm>>
    tpu.enqueue_indirect_dma source(%dma_start3A_26 : memref<10000x128xf32, #tpu.memory_space<hbm>>) target(%arg7 : memref<400x128xf32, #tpu.memory_space<vmem>>) offsets(%arg5 : memref<400xi32, #tpu.memory_space<vmem>>) semaphore(%arg9 : memref<!tpu.dma_semaphore, #tpu.memory_space<semaphore_mem>>)
    %dma_wait3A_27 = arith.constant 0 : i32
    %dma_wait3A_28 = arith.constant 0 : i32
    %dma_wait3A_29 = tpu.memref_slice %arg2[%dma_wait3A_27, %dma_wait3A_28] : memref<10000x128xf32, #tpu.memory_space<hbm>> -> memref<10000x128xf32, #tpu.memory_space<hbm>>
    tpu.wait_indirect_dma semaphore(%arg9 : memref<!tpu.dma_semaphore, #tpu.memory_space<semaphore_mem>>) src(%dma_wait3A_29 : memref<10000x128xf32, #tpu.memory_space<hbm>>) dst(%arg8 : memref<400x128xf32, #tpu.memory_space<vmem>>)
    %add3A_30 = arith.constant 400 : i32
    %add3A_31 = arith.addi %mul3A_2, %add3A_30 : i32
    %dma_start3A_32 = arith.constant 0 : i32
    %dma_start3A_33 = tpu.memref_slice %arg4[%add3A_31, %dma_start3A_32] : memref<166400x128xf32, #tpu.memory_space<hbm>> -> memref<400x128xf32, #tpu.memory_space<hbm>>
    %dma_start3A_34 = arith.constant 0 : i32
    %dma_start3A_35 = tpu.memref_slice %arg4[%add3A_31, %dma_start3A_34] : memref<166400x128xf32, #tpu.memory_space<hbm>> -> memref<400x128xf32, #tpu.memory_space<hbm>>
    tpu.enqueue_dma source(%arg8 : memref<400x128xf32, #tpu.memory_space<vmem>>) target(%dma_start3A_35 : memref<400x128xf32, #tpu.memory_space<hbm>>) target_semaphore(%arg10 : memref<!tpu.dma_semaphore, #tpu.memory_space<semaphore_mem>>)
    %add3A_36 = arith.constant 1200 : i32
    %add3A_37 = arith.addi %mul3A_2, %add3A_36 : i32
    "tpu.region"() ({
      %run_scoped3A = tpu.sem_alloc : memref<!tpu.dma_semaphore, #tpu.memory_space<semaphore_mem>>
      %dma_start3A_233 = tpu.memref_slice %arg3[%add3A_37] : memref<166400xi32, #tpu.memory_space<hbm>> -> memref<400xi32, #tpu.memory_space<hbm>>
      %dma_start3A_234 = tpu.memref_slice %arg3[%add3A_37] : memref<166400xi32, #tpu.memory_space<hbm>> -> memref<400xi32, #tpu.memory_space<hbm>>
      tpu.enqueue_dma source(%dma_start3A_234 : memref<400xi32, #tpu.memory_space<hbm>>) target(%arg6 : memref<400xi32, #tpu.memory_space<vmem>>) target_semaphore(%run_scoped3A : memref<!tpu.dma_semaphore, #tpu.memory_space<semaphore_mem>>)
      %dma_wait3A_235 = tpu.memref_slice %arg3[%add3A_37] : memref<166400xi32, #tpu.memory_space<hbm>> -> memref<400xi32, #tpu.memory_space<hbm>>
      %dma_wait3A_236 = tpu.memref_slice %arg3[%add3A_37] : memref<166400xi32, #tpu.memory_space<hbm>> -> memref<400xi32, #tpu.memory_space<hbm>>
      tpu.wait_dma2 semaphore(%run_scoped3A : memref<!tpu.dma_semaphore, #tpu.memory_space<semaphore_mem>>) src(%dma_wait3A_236 : memref<400xi32, #tpu.memory_space<hbm>>) dst(%arg6 : memref<400xi32, #tpu.memory_space<vmem>>)
      tpu.yield
    }) : () -> ()
    %dma_wait3A_38 = arith.constant 0 : i32
    %dma_wait3A_39 = tpu.memref_slice %arg4[%mul3A_2, %dma_wait3A_38] : memref<166400x128xf32, #tpu.memory_space<hbm>> -> memref<400x128xf32, #tpu.memory_space<hbm>>
    %dma_wait3A_40 = arith.constant 0 : i32
    %dma_wait3A_41 = tpu.memref_slice %arg4[%mul3A_2, %dma_wait3A_40] : memref<166400x128xf32, #tpu.memory_space<hbm>> -> memref<400x128xf32, #tpu.memory_space<hbm>>
    tpu.wait_dma2 semaphore(%arg10 : memref<!tpu.dma_semaphore, #tpu.memory_space<semaphore_mem>>) src(%arg8 : memref<400x128xf32, #tpu.memory_space<vmem>>) dst(%dma_wait3A_41 : memref<400x128xf32, #tpu.memory_space<hbm>>)
    %dma_start3A_42 = arith.constant 0 : i32
    %dma_start3A_43 = arith.constant 0 : i32
    %dma_start3A_44 = tpu.memref_slice %arg2[%dma_start3A_42, %dma_start3A_43] : memref<10000x128xf32, #tpu.memory_space<hbm>> -> memref<10000x128xf32, #tpu.memory_space<hbm>>
    tpu.enqueue_indirect_dma source(%dma_start3A_44 : memref<10000x128xf32, #tpu.memory_space<hbm>>) target(%arg8 : memref<400x128xf32, #tpu.memory_space<vmem>>) offsets(%arg6 : memref<400xi32, #tpu.memory_space<vmem>>) semaphore(%arg9 : memref<!tpu.dma_semaphore, #tpu.memory_space<semaphore_mem>>)
    %dma_wait3A_45 = arith.constant 0 : i32
    %dma_wait3A_46 = arith.constant 0 : i32
    %dma_wait3A_47 = tpu.memref_slice %arg2[%dma_wait3A_45, %dma_wait3A_46] : memref<10000x128xf32, #tpu.memory_space<hbm>> -> memref<10000x128xf32, #tpu.memory_space<hbm>>
    tpu.wait_indirect_dma semaphore(%arg9 : memref<!tpu.dma_semaphore, #tpu.memory_space<semaphore_mem>>) src(%dma_wait3A_47 : memref<10000x128xf32, #tpu.memory_space<hbm>>) dst(%arg7 : memref<400x128xf32, #tpu.memory_space<vmem>>)
    %add3A_48 = arith.constant 800 : i32
    %add3A_49 = arith.addi %mul3A_2, %add3A_48 : i32
    %dma_start3A_50 = arith.constant 0 : i32
    %dma_start3A_51 = tpu.memref_slice %arg4[%add3A_49, %dma_start3A_50] : memref<166400x128xf32, #tpu.memory_space<hbm>> -> memref<400x128xf32, #tpu.memory_space<hbm>>
    %dma_start3A_52 = arith.constant 0 : i32
    %dma_start3A_53 = tpu.memref_slice %arg4[%add3A_49, %dma_start3A_52] : memref<166400x128xf32, #tpu.memory_space<hbm>> -> memref<400x128xf32, #tpu.memory_space<hbm>>
    tpu.enqueue_dma source(%arg7 : memref<400x128xf32, #tpu.memory_space<vmem>>) target(%dma_start3A_53 : memref<400x128xf32, #tpu.memory_space<hbm>>) target_semaphore(%arg10 : memref<!tpu.dma_semaphore, #tpu.memory_space<semaphore_mem>>)
    %add3A_54 = arith.constant 1600 : i32
    %add3A_55 = arith.addi %mul3A_2, %add3A_54 : i32
    "tpu.region"() ({
      %run_scoped3A = tpu.sem_alloc : memref<!tpu.dma_semaphore, #tpu.memory_space<semaphore_mem>>
      %dma_start3A_233 = tpu.memref_slice %arg3[%add3A_55] : memref<166400xi32, #tpu.memory_space<hbm>> -> memref<400xi32, #tpu.memory_space<hbm>>
      %dma_start3A_234 = tpu.memref_slice %arg3[%add3A_55] : memref<166400xi32, #tpu.memory_space<hbm>> -> memref<400xi32, #tpu.memory_space<hbm>>
      tpu.enqueue_dma source(%dma_start3A_234 : memref<400xi32, #tpu.memory_space<hbm>>) target(%arg5 : memref<400xi32, #tpu.memory_space<vmem>>) target_semaphore(%run_scoped3A : memref<!tpu.dma_semaphore, #tpu.memory_space<semaphore_mem>>)
      %dma_wait3A_235 = tpu.memref_slice %arg3[%add3A_55] : memref<166400xi32, #tpu.memory_space<hbm>> -> memref<400xi32, #tpu.memory_space<hbm>>
      %dma_wait3A_236 = tpu.memref_slice %arg3[%add3A_55] : memref<166400xi32, #tpu.memory_space<hbm>> -> memref<400xi32, #tpu.memory_space<hbm>>
      tpu.wait_dma2 semaphore(%run_scoped3A : memref<!tpu.dma_semaphore, #tpu.memory_space<semaphore_mem>>) src(%dma_wait3A_236 : memref<400xi32, #tpu.memory_space<hbm>>) dst(%arg5 : memref<400xi32, #tpu.memory_space<vmem>>)
      tpu.yield
    }) : () -> ()
    %dma_wait3A_56 = arith.constant 0 : i32
    %dma_wait3A_57 = tpu.memref_slice %arg4[%mul3A_2, %dma_wait3A_56] : memref<166400x128xf32, #tpu.memory_space<hbm>> -> memref<400x128xf32, #tpu.memory_space<hbm>>
    %dma_wait3A_58 = arith.constant 0 : i32
    %dma_wait3A_59 = tpu.memref_slice %arg4[%mul3A_2, %dma_wait3A_58] : memref<166400x128xf32, #tpu.memory_space<hbm>> -> memref<400x128xf32, #tpu.memory_space<hbm>>
    tpu.wait_dma2 semaphore(%arg10 : memref<!tpu.dma_semaphore, #tpu.memory_space<semaphore_mem>>) src(%arg7 : memref<400x128xf32, #tpu.memory_space<vmem>>) dst(%dma_wait3A_59 : memref<400x128xf32, #tpu.memory_space<hbm>>)
    %dma_start3A_60 = arith.constant 0 : i32
    %dma_start3A_61 = arith.constant 0 : i32
    %dma_start3A_62 = tpu.memref_slice %arg2[%dma_start3A_60, %dma_start3A_61] : memref<10000x128xf32, #tpu.memory_space<hbm>> -> memref<10000x128xf32, #tpu.memory_space<hbm>>
    tpu.enqueue_indirect_dma source(%dma_start3A_62 : memref<10000x128xf32, #tpu.memory_space<hbm>>) target(%arg7 : memref<400x128xf32, #tpu.memory_space<vmem>>) offsets(%arg5 : memref<400xi32, #tpu.memory_space<vmem>>) semaphore(%arg9 : memref<!tpu.dma_semaphore, #tpu.memory_space<semaphore_mem>>)
    %dma_wait3A_63 = arith.constant 0 : i32
    %dma_wait3A_64 = arith.constant 0 : i32
    %dma_wait3A_65 = tpu.memref_slice %arg2[%dma_wait3A_63, %dma_wait3A_64] : memref<10000x128xf32, #tpu.memory_space<hbm>> -> memref<10000x128xf32, #tpu.memory_space<hbm>>
    tpu.wait_indirect_dma semaphore(%arg9 : memref<!tpu.dma_semaphore, #tpu.memory_space<semaphore_mem>>) src(%dma_wait3A_65 : memref<10000x128xf32, #tpu.memory_space<hbm>>) dst(%arg8 : memref<400x128xf32, #tpu.memory_space<vmem>>)
    %add3A_66 = arith.constant 1200 : i32
    %add3A_67 = arith.addi %mul3A_2, %add3A_66 : i32
    %dma_start3A_68 = arith.constant 0 : i32
    %dma_start3A_69 = tpu.memref_slice %arg4[%add3A_67, %dma_start3A_68] : memref<166400x128xf32, #tpu.memory_space<hbm>> -> memref<400x128xf32, #tpu.memory_space<hbm>>
    %dma_start3A_70 = arith.constant 0 : i32
    %dma_start3A_71 = tpu.memref_slice %arg4[%add3A_67, %dma_start3A_70] : memref<166400x128xf32, #tpu.memory_space<hbm>> -> memref<400x128xf32, #tpu.memory_space<hbm>>
    tpu.enqueue_dma source(%arg8 : memref<400x128xf32, #tpu.memory_space<vmem>>) target(%dma_start3A_71 : memref<400x128xf32, #tpu.memory_space<hbm>>) target_semaphore(%arg10 : memref<!tpu.dma_semaphore, #tpu.memory_space<semaphore_mem>>)
    %add3A_72 = arith.constant 2000 : i32
    %add3A_73 = arith.addi %mul3A_2, %add3A_72 : i32
    "tpu.region"() ({
      %run_scoped3A = tpu.sem_alloc : memref<!tpu.dma_semaphore, #tpu.memory_space<semaphore_mem>>
      %dma_start3A_233 = tpu.memref_slice %arg3[%add3A_73] : memref<166400xi32, #tpu.memory_space<hbm>> -> memref<400xi32, #tpu.memory_space<hbm>>
      %dma_start3A_234 = tpu.memref_slice %arg3[%add3A_73] : memref<166400xi32, #tpu.memory_space<hbm>> -> memref<400xi32, #tpu.memory_space<hbm>>
      tpu.enqueue_dma source(%dma_start3A_234 : memref<400xi32, #tpu.memory_space<hbm>>) target(%arg6 : memref<400xi32, #tpu.memory_space<vmem>>) target_semaphore(%run_scoped3A : memref<!tpu.dma_semaphore, #tpu.memory_space<semaphore_mem>>)
      %dma_wait3A_235 = tpu.memref_slice %arg3[%add3A_73] : memref<166400xi32, #tpu.memory_space<hbm>> -> memref<400xi32, #tpu.memory_space<hbm>>
      %dma_wait3A_236 = tpu.memref_slice %arg3[%add3A_73] : memref<166400xi32, #tpu.memory_space<hbm>> -> memref<400xi32, #tpu.memory_space<hbm>>
      tpu.wait_dma2 semaphore(%run_scoped3A : memref<!tpu.dma_semaphore, #tpu.memory_space<semaphore_mem>>) src(%dma_wait3A_236 : memref<400xi32, #tpu.memory_space<hbm>>) dst(%arg6 : memref<400xi32, #tpu.memory_space<vmem>>)
      tpu.yield
    }) : () -> ()
    %dma_wait3A_74 = arith.constant 0 : i32
    %dma_wait3A_75 = tpu.memref_slice %arg4[%mul3A_2, %dma_wait3A_74] : memref<166400x128xf32, #tpu.memory_space<hbm>> -> memref<400x128xf32, #tpu.memory_space<hbm>>
    %dma_wait3A_76 = arith.constant 0 : i32
    %dma_wait3A_77 = tpu.memref_slice %arg4[%mul3A_2, %dma_wait3A_76] : memref<166400x128xf32, #tpu.memory_space<hbm>> -> memref<400x128xf32, #tpu.memory_space<hbm>>
    tpu.wait_dma2 semaphore(%arg10 : memref<!tpu.dma_semaphore, #tpu.memory_space<semaphore_mem>>) src(%arg8 : memref<400x128xf32, #tpu.memory_space<vmem>>) dst(%dma_wait3A_77 : memref<400x128xf32, #tpu.memory_space<hbm>>)
    %dma_start3A_78 = arith.constant 0 : i32
    %dma_start3A_79 = arith.constant 0 : i32
    %dma_start3A_80 = tpu.memref_slice %arg2[%dma_start3A_78, %dma_start3A_79] : memref<10000x128xf32, #tpu.memory_space<hbm>> -> memref<10000x128xf32, #tpu.memory_space<hbm>>
    tpu.enqueue_indirect_dma source(%dma_start3A_80 : memref<10000x128xf32, #tpu.memory_space<hbm>>) target(%arg8 : memref<400x128xf32, #tpu.memory_space<vmem>>) offsets(%arg6 : memref<400xi32, #tpu.memory_space<vmem>>) semaphore(%arg9 : memref<!tpu.dma_semaphore, #tpu.memory_space<semaphore_mem>>)
    %dma_wait3A_81 = arith.constant 0 : i32
    %dma_wait3A_82 = arith.constant 0 : i32
    %dma_wait3A_83 = tpu.memref_slice %arg2[%dma_wait3A_81, %dma_wait3A_82] : memref<10000x128xf32, #tpu.memory_space<hbm>> -> memref<10000x128xf32, #tpu.memory_space<hbm>>
    tpu.wait_indirect_dma semaphore(%arg9 : memref<!tpu.dma_semaphore, #tpu.memory_space<semaphore_mem>>) src(%dma_wait3A_83 : memref<10000x128xf32, #tpu.memory_space<hbm>>) dst(%arg7 : memref<400x128xf32, #tpu.memory_space<vmem>>)
    %add3A_84 = arith.constant 1600 : i32
    %add3A_85 = arith.addi %mul3A_2, %add3A_84 : i32
    %dma_start3A_86 = arith.constant 0 : i32
    %dma_start3A_87 = tpu.memref_slice %arg4[%add3A_85, %dma_start3A_86] : memref<166400x128xf32, #tpu.memory_space<hbm>> -> memref<400x128xf32, #tpu.memory_space<hbm>>
    %dma_start3A_88 = arith.constant 0 : i32
    %dma_start3A_89 = tpu.memref_slice %arg4[%add3A_85, %dma_start3A_88] : memref<166400x128xf32, #tpu.memory_space<hbm>> -> memref<400x128xf32, #tpu.memory_space<hbm>>
    tpu.enqueue_dma source(%arg7 : memref<400x128xf32, #tpu.memory_space<vmem>>) target(%dma_start3A_89 : memref<400x128xf32, #tpu.memory_space<hbm>>) target_semaphore(%arg10 : memref<!tpu.dma_semaphore, #tpu.memory_space<semaphore_mem>>)
    %add3A_90 = arith.constant 2400 : i32
    %add3A_91 = arith.addi %mul3A_2, %add3A_90 : i32
    "tpu.region"() ({
      %run_scoped3A = tpu.sem_alloc : memref<!tpu.dma_semaphore, #tpu.memory_space<semaphore_mem>>
      %dma_start3A_233 = tpu.memref_slice %arg3[%add3A_91] : memref<166400xi32, #tpu.memory_space<hbm>> -> memref<400xi32, #tpu.memory_space<hbm>>
      %dma_start3A_234 = tpu.memref_slice %arg3[%add3A_91] : memref<166400xi32, #tpu.memory_space<hbm>> -> memref<400xi32, #tpu.memory_space<hbm>>
      tpu.enqueue_dma source(%dma_start3A_234 : memref<400xi32, #tpu.memory_space<hbm>>) target(%arg5 : memref<400xi32, #tpu.memory_space<vmem>>) target_semaphore(%run_scoped3A : memref<!tpu.dma_semaphore, #tpu.memory_space<semaphore_mem>>)
      %dma_wait3A_235 = tpu.memref_slice %arg3[%add3A_91] : memref<166400xi32, #tpu.memory_space<hbm>> -> memref<400xi32, #tpu.memory_space<hbm>>
      %dma_wait3A_236 = tpu.memref_slice %arg3[%add3A_91] : memref<166400xi32, #tpu.memory_space<hbm>> -> memref<400xi32, #tpu.memory_space<hbm>>
      tpu.wait_dma2 semaphore(%run_scoped3A : memref<!tpu.dma_semaphore, #tpu.memory_space<semaphore_mem>>) src(%dma_wait3A_236 : memref<400xi32, #tpu.memory_space<hbm>>) dst(%arg5 : memref<400xi32, #tpu.memory_space<vmem>>)
      tpu.yield
    }) : () -> ()
    %dma_wait3A_92 = arith.constant 0 : i32
    %dma_wait3A_93 = tpu.memref_slice %arg4[%mul3A_2, %dma_wait3A_92] : memref<166400x128xf32, #tpu.memory_space<hbm>> -> memref<400x128xf32, #tpu.memory_space<hbm>>
    %dma_wait3A_94 = arith.constant 0 : i32
    %dma_wait3A_95 = tpu.memref_slice %arg4[%mul3A_2, %dma_wait3A_94] : memref<166400x128xf32, #tpu.memory_space<hbm>> -> memref<400x128xf32, #tpu.memory_space<hbm>>
    tpu.wait_dma2 semaphore(%arg10 : memref<!tpu.dma_semaphore, #tpu.memory_space<semaphore_mem>>) src(%arg7 : memref<400x128xf32, #tpu.memory_space<vmem>>) dst(%dma_wait3A_95 : memref<400x128xf32, #tpu.memory_space<hbm>>)
    %dma_start3A_96 = arith.constant 0 : i32
    %dma_start3A_97 = arith.constant 0 : i32
    %dma_start3A_98 = tpu.memref_slice %arg2[%dma_start3A_96, %dma_start3A_97] : memref<10000x128xf32, #tpu.memory_space<hbm>> -> memref<10000x128xf32, #tpu.memory_space<hbm>>
    tpu.enqueue_indirect_dma source(%dma_start3A_98 : memref<10000x128xf32, #tpu.memory_space<hbm>>) target(%arg7 : memref<400x128xf32, #tpu.memory_space<vmem>>) offsets(%arg5 : memref<400xi32, #tpu.memory_space<vmem>>) semaphore(%arg9 : memref<!tpu.dma_semaphore, #tpu.memory_space<semaphore_mem>>)
    %dma_wait3A_99 = arith.constant 0 : i32
    %dma_wait3A_100 = arith.constant 0 : i32
    %dma_wait3A_101 = tpu.memref_slice %arg2[%dma_wait3A_99, %dma_wait3A_100] : memref<10000x128xf32, #tpu.memory_space<hbm>> -> memref<10000x128xf32, #tpu.memory_space<hbm>>
    tpu.wait_indirect_dma semaphore(%arg9 : memref<!tpu.dma_semaphore, #tpu.memory_space<semaphore_mem>>) src(%dma_wait3A_101 : memref<10000x128xf32, #tpu.memory_space<hbm>>) dst(%arg8 : memref<400x128xf32, #tpu.memory_space<vmem>>)
    %add3A_102 = arith.constant 2000 : i32
    %add3A_103 = arith.addi %mul3A_2, %add3A_102 : i32
    %dma_start3A_104 = arith.constant 0 : i32
    %dma_start3A_105 = tpu.memref_slice %arg4[%add3A_103, %dma_start3A_104] : memref<166400x128xf32, #tpu.memory_space<hbm>> -> memref<400x128xf32, #tpu.memory_space<hbm>>
    %dma_start3A_106 = arith.constant 0 : i32
    %dma_start3A_107 = tpu.memref_slice %arg4[%add3A_103, %dma_start3A_106] : memref<166400x128xf32, #tpu.memory_space<hbm>> -> memref<400x128xf32, #tpu.memory_space<hbm>>
    tpu.enqueue_dma source(%arg8 : memref<400x128xf32, #tpu.memory_space<vmem>>) target(%dma_start3A_107 : memref<400x128xf32, #tpu.memory_space<hbm>>) target_semaphore(%arg10 : memref<!tpu.dma_semaphore, #tpu.memory_space<semaphore_mem>>)
    %add3A_108 = arith.constant 2800 : i32
    %add3A_109 = arith.addi %mul3A_2, %add3A_108 : i32
    "tpu.region"() ({
      %run_scoped3A = tpu.sem_alloc : memref<!tpu.dma_semaphore, #tpu.memory_space<semaphore_mem>>
      %dma_start3A_233 = tpu.memref_slice %arg3[%add3A_109] : memref<166400xi32, #tpu.memory_space<hbm>> -> memref<400xi32, #tpu.memory_space<hbm>>
      %dma_start3A_234 = tpu.memref_slice %arg3[%add3A_109] : memref<166400xi32, #tpu.memory_space<hbm>> -> memref<400xi32, #tpu.memory_space<hbm>>
      tpu.enqueue_dma source(%dma_start3A_234 : memref<400xi32, #tpu.memory_space<hbm>>) target(%arg6 : memref<400xi32, #tpu.memory_space<vmem>>) target_semaphore(%run_scoped3A : memref<!tpu.dma_semaphore, #tpu.memory_space<semaphore_mem>>)
      %dma_wait3A_235 = tpu.memref_slice %arg3[%add3A_109] : memref<166400xi32, #tpu.memory_space<hbm>> -> memref<400xi32, #tpu.memory_space<hbm>>
      %dma_wait3A_236 = tpu.memref_slice %arg3[%add3A_109] : memref<166400xi32, #tpu.memory_space<hbm>> -> memref<400xi32, #tpu.memory_space<hbm>>
      tpu.wait_dma2 semaphore(%run_scoped3A : memref<!tpu.dma_semaphore, #tpu.memory_space<semaphore_mem>>) src(%dma_wait3A_236 : memref<400xi32, #tpu.memory_space<hbm>>) dst(%arg6 : memref<400xi32, #tpu.memory_space<vmem>>)
      tpu.yield
    }) : () -> ()
    %dma_wait3A_110 = arith.constant 0 : i32
    %dma_wait3A_111 = tpu.memref_slice %arg4[%mul3A_2, %dma_wait3A_110] : memref<166400x128xf32, #tpu.memory_space<hbm>> -> memref<400x128xf32, #tpu.memory_space<hbm>>
    %dma_wait3A_112 = arith.constant 0 : i32
    %dma_wait3A_113 = tpu.memref_slice %arg4[%mul3A_2, %dma_wait3A_112] : memref<166400x128xf32, #tpu.memory_space<hbm>> -> memref<400x128xf32, #tpu.memory_space<hbm>>
    tpu.wait_dma2 semaphore(%arg10 : memref<!tpu.dma_semaphore, #tpu.memory_space<semaphore_mem>>) src(%arg8 : memref<400x128xf32, #tpu.memory_space<vmem>>) dst(%dma_wait3A_113 : memref<400x128xf32, #tpu.memory_space<hbm>>)
    %dma_start3A_114 = arith.constant 0 : i32
    %dma_start3A_115 = arith.constant 0 : i32
    %dma_start3A_116 = tpu.memref_slice %arg2[%dma_start3A_114, %dma_start3A_115] : memref<10000x128xf32, #tpu.memory_space<hbm>> -> memref<10000x128xf32, #tpu.memory_space<hbm>>
    tpu.enqueue_indirect_dma source(%dma_start3A_116 : memref<10000x128xf32, #tpu.memory_space<hbm>>) target(%arg8 : memref<400x128xf32, #tpu.memory_space<vmem>>) offsets(%arg6 : memref<400xi32, #tpu.memory_space<vmem>>) semaphore(%arg9 : memref<!tpu.dma_semaphore, #tpu.memory_space<semaphore_mem>>)
    %dma_wait3A_117 = arith.constant 0 : i32
    %dma_wait3A_118 = arith.constant 0 : i32
    %dma_wait3A_119 = tpu.memref_slice %arg2[%dma_wait3A_117, %dma_wait3A_118] : memref<10000x128xf32, #tpu.memory_space<hbm>> -> memref<10000x128xf32, #tpu.memory_space<hbm>>
    tpu.wait_indirect_dma semaphore(%arg9 : memref<!tpu.dma_semaphore, #tpu.memory_space<semaphore_mem>>) src(%dma_wait3A_119 : memref<10000x128xf32, #tpu.memory_space<hbm>>) dst(%arg7 : memref<400x128xf32, #tpu.memory_space<vmem>>)
    %add3A_120 = arith.constant 2400 : i32
    %add3A_121 = arith.addi %mul3A_2, %add3A_120 : i32
    %dma_start3A_122 = arith.constant 0 : i32
    %dma_start3A_123 = tpu.memref_slice %arg4[%add3A_121, %dma_start3A_122] : memref<166400x128xf32, #tpu.memory_space<hbm>> -> memref<400x128xf32, #tpu.memory_space<hbm>>
    %dma_start3A_124 = arith.constant 0 : i32
    %dma_start3A_125 = tpu.memref_slice %arg4[%add3A_121, %dma_start3A_124] : memref<166400x128xf32, #tpu.memory_space<hbm>> -> memref<400x128xf32, #tpu.memory_space<hbm>>
    tpu.enqueue_dma source(%arg7 : memref<400x128xf32, #tpu.memory_space<vmem>>) target(%dma_start3A_125 : memref<400x128xf32, #tpu.memory_space<hbm>>) target_semaphore(%arg10 : memref<!tpu.dma_semaphore, #tpu.memory_space<semaphore_mem>>)
    %add3A_126 = arith.constant 3200 : i32
    %add3A_127 = arith.addi %mul3A_2, %add3A_126 : i32
    "tpu.region"() ({
      %run_scoped3A = tpu.sem_alloc : memref<!tpu.dma_semaphore, #tpu.memory_space<semaphore_mem>>
      %dma_start3A_233 = tpu.memref_slice %arg3[%add3A_127] : memref<166400xi32, #tpu.memory_space<hbm>> -> memref<400xi32, #tpu.memory_space<hbm>>
      %dma_start3A_234 = tpu.memref_slice %arg3[%add3A_127] : memref<166400xi32, #tpu.memory_space<hbm>> -> memref<400xi32, #tpu.memory_space<hbm>>
      tpu.enqueue_dma source(%dma_start3A_234 : memref<400xi32, #tpu.memory_space<hbm>>) target(%arg5 : memref<400xi32, #tpu.memory_space<vmem>>) target_semaphore(%run_scoped3A : memref<!tpu.dma_semaphore, #tpu.memory_space<semaphore_mem>>)
      %dma_wait3A_235 = tpu.memref_slice %arg3[%add3A_127] : memref<166400xi32, #tpu.memory_space<hbm>> -> memref<400xi32, #tpu.memory_space<hbm>>
      %dma_wait3A_236 = tpu.memref_slice %arg3[%add3A_127] : memref<166400xi32, #tpu.memory_space<hbm>> -> memref<400xi32, #tpu.memory_space<hbm>>
      tpu.wait_dma2 semaphore(%run_scoped3A : memref<!tpu.dma_semaphore, #tpu.memory_space<semaphore_mem>>) src(%dma_wait3A_236 : memref<400xi32, #tpu.memory_space<hbm>>) dst(%arg5 : memref<400xi32, #tpu.memory_space<vmem>>)
      tpu.yield
    }) : () -> ()
    %dma_wait3A_128 = arith.constant 0 : i32
    %dma_wait3A_129 = tpu.memref_slice %arg4[%mul3A_2, %dma_wait3A_128] : memref<166400x128xf32, #tpu.memory_space<hbm>> -> memref<400x128xf32, #tpu.memory_space<hbm>>
    %dma_wait3A_130 = arith.constant 0 : i32
    %dma_wait3A_131 = tpu.memref_slice %arg4[%mul3A_2, %dma_wait3A_130] : memref<166400x128xf32, #tpu.memory_space<hbm>> -> memref<400x128xf32, #tpu.memory_space<hbm>>
    tpu.wait_dma2 semaphore(%arg10 : memref<!tpu.dma_semaphore, #tpu.memory_space<semaphore_mem>>) src(%arg7 : memref<400x128xf32, #tpu.memory_space<vmem>>) dst(%dma_wait3A_131 : memref<400x128xf32, #tpu.memory_space<hbm>>)
    %dma_start3A_132 = arith.constant 0 : i32
    %dma_start3A_133 = arith.constant 0 : i32
    %dma_start3A_134 = tpu.memref_slice %arg2[%dma_start3A_132, %dma_start3A_133] : memref<10000x128xf32, #tpu.memory_space<hbm>> -> memref<10000x128xf32, #tpu.memory_space<hbm>>
    tpu.enqueue_indirect_dma source(%dma_start3A_134 : memref<10000x128xf32, #tpu.memory_space<hbm>>) target(%arg7 : memref<400x128xf32, #tpu.memory_space<vmem>>) offsets(%arg5 : memref<400xi32, #tpu.memory_space<vmem>>) semaphore(%arg9 : memref<!tpu.dma_semaphore, #tpu.memory_space<semaphore_mem>>)
    %dma_wait3A_135 = arith.constant 0 : i32
    %dma_wait3A_136 = arith.constant 0 : i32
    %dma_wait3A_137 = tpu.memref_slice %arg2[%dma_wait3A_135, %dma_wait3A_136] : memref<10000x128xf32, #tpu.memory_space<hbm>> -> memref<10000x128xf32, #tpu.memory_space<hbm>>
    tpu.wait_indirect_dma semaphore(%arg9 : memref<!tpu.dma_semaphore, #tpu.memory_space<semaphore_mem>>) src(%dma_wait3A_137 : memref<10000x128xf32, #tpu.memory_space<hbm>>) dst(%arg8 : memref<400x128xf32, #tpu.memory_space<vmem>>)
    %add3A_138 = arith.constant 2800 : i32
    %add3A_139 = arith.addi %mul3A_2, %add3A_138 : i32
    %dma_start3A_140 = arith.constant 0 : i32
    %dma_start3A_141 = tpu.memref_slice %arg4[%add3A_139, %dma_start3A_140] : memref<166400x128xf32, #tpu.memory_space<hbm>> -> memref<400x128xf32, #tpu.memory_space<hbm>>
    %dma_start3A_142 = arith.constant 0 : i32
    %dma_start3A_143 = tpu.memref_slice %arg4[%add3A_139, %dma_start3A_142] : memref<166400x128xf32, #tpu.memory_space<hbm>> -> memref<400x128xf32, #tpu.memory_space<hbm>>
    tpu.enqueue_dma source(%arg8 : memref<400x128xf32, #tpu.memory_space<vmem>>) target(%dma_start3A_143 : memref<400x128xf32, #tpu.memory_space<hbm>>) target_semaphore(%arg10 : memref<!tpu.dma_semaphore, #tpu.memory_space<semaphore_mem>>)
    %add3A_144 = arith.constant 3600 : i32
    %add3A_145 = arith.addi %mul3A_2, %add3A_144 : i32
    "tpu.region"() ({
      %run_scoped3A = tpu.sem_alloc : memref<!tpu.dma_semaphore, #tpu.memory_space<semaphore_mem>>
      %dma_start3A_233 = tpu.memref_slice %arg3[%add3A_145] : memref<166400xi32, #tpu.memory_space<hbm>> -> memref<400xi32, #tpu.memory_space<hbm>>
      %dma_start3A_234 = tpu.memref_slice %arg3[%add3A_145] : memref<166400xi32, #tpu.memory_space<hbm>> -> memref<400xi32, #tpu.memory_space<hbm>>
      tpu.enqueue_dma source(%dma_start3A_234 : memref<400xi32, #tpu.memory_space<hbm>>) target(%arg6 : memref<400xi32, #tpu.memory_space<vmem>>) target_semaphore(%run_scoped3A : memref<!tpu.dma_semaphore, #tpu.memory_space<semaphore_mem>>)
      %dma_wait3A_235 = tpu.memref_slice %arg3[%add3A_145] : memref<166400xi32, #tpu.memory_space<hbm>> -> memref<400xi32, #tpu.memory_space<hbm>>
      %dma_wait3A_236 = tpu.memref_slice %arg3[%add3A_145] : memref<166400xi32, #tpu.memory_space<hbm>> -> memref<400xi32, #tpu.memory_space<hbm>>
      tpu.wait_dma2 semaphore(%run_scoped3A : memref<!tpu.dma_semaphore, #tpu.memory_space<semaphore_mem>>) src(%dma_wait3A_236 : memref<400xi32, #tpu.memory_space<hbm>>) dst(%arg6 : memref<400xi32, #tpu.memory_space<vmem>>)
      tpu.yield
    }) : () -> ()
    %dma_wait3A_146 = arith.constant 0 : i32
    %dma_wait3A_147 = tpu.memref_slice %arg4[%mul3A_2, %dma_wait3A_146] : memref<166400x128xf32, #tpu.memory_space<hbm>> -> memref<400x128xf32, #tpu.memory_space<hbm>>
    %dma_wait3A_148 = arith.constant 0 : i32
    %dma_wait3A_149 = tpu.memref_slice %arg4[%mul3A_2, %dma_wait3A_148] : memref<166400x128xf32, #tpu.memory_space<hbm>> -> memref<400x128xf32, #tpu.memory_space<hbm>>
    tpu.wait_dma2 semaphore(%arg10 : memref<!tpu.dma_semaphore, #tpu.memory_space<semaphore_mem>>) src(%arg8 : memref<400x128xf32, #tpu.memory_space<vmem>>) dst(%dma_wait3A_149 : memref<400x128xf32, #tpu.memory_space<hbm>>)
    %dma_start3A_150 = arith.constant 0 : i32
    %dma_start3A_151 = arith.constant 0 : i32
    %dma_start3A_152 = tpu.memref_slice %arg2[%dma_start3A_150, %dma_start3A_151] : memref<10000x128xf32, #tpu.memory_space<hbm>> -> memref<10000x128xf32, #tpu.memory_space<hbm>>
    tpu.enqueue_indirect_dma source(%dma_start3A_152 : memref<10000x128xf32, #tpu.memory_space<hbm>>) target(%arg8 : memref<400x128xf32, #tpu.memory_space<vmem>>) offsets(%arg6 : memref<400xi32, #tpu.memory_space<vmem>>) semaphore(%arg9 : memref<!tpu.dma_semaphore, #tpu.memory_space<semaphore_mem>>)
    %dma_wait3A_153 = arith.constant 0 : i32
    %dma_wait3A_154 = arith.constant 0 : i32
    %dma_wait3A_155 = tpu.memref_slice %arg2[%dma_wait3A_153, %dma_wait3A_154] : memref<10000x128xf32, #tpu.memory_space<hbm>> -> memref<10000x128xf32, #tpu.memory_space<hbm>>
    tpu.wait_indirect_dma semaphore(%arg9 : memref<!tpu.dma_semaphore, #tpu.memory_space<semaphore_mem>>) src(%dma_wait3A_155 : memref<10000x128xf32, #tpu.memory_space<hbm>>) dst(%arg7 : memref<400x128xf32, #tpu.memory_space<vmem>>)
    %add3A_156 = arith.constant 3200 : i32
    %add3A_157 = arith.addi %mul3A_2, %add3A_156 : i32
    %dma_start3A_158 = arith.constant 0 : i32
    %dma_start3A_159 = tpu.memref_slice %arg4[%add3A_157, %dma_start3A_158] : memref<166400x128xf32, #tpu.memory_space<hbm>> -> memref<400x128xf32, #tpu.memory_space<hbm>>
    %dma_start3A_160 = arith.constant 0 : i32
    %dma_start3A_161 = tpu.memref_slice %arg4[%add3A_157, %dma_start3A_160] : memref<166400x128xf32, #tpu.memory_space<hbm>> -> memref<400x128xf32, #tpu.memory_space<hbm>>
    tpu.enqueue_dma source(%arg7 : memref<400x128xf32, #tpu.memory_space<vmem>>) target(%dma_start3A_161 : memref<400x128xf32, #tpu.memory_space<hbm>>) target_semaphore(%arg10 : memref<!tpu.dma_semaphore, #tpu.memory_space<semaphore_mem>>)
    %add3A_162 = arith.constant 4000 : i32
    %add3A_163 = arith.addi %mul3A_2, %add3A_162 : i32
    "tpu.region"() ({
      %run_scoped3A = tpu.sem_alloc : memref<!tpu.dma_semaphore, #tpu.memory_space<semaphore_mem>>
      %dma_start3A_233 = tpu.memref_slice %arg3[%add3A_163] : memref<166400xi32, #tpu.memory_space<hbm>> -> memref<400xi32, #tpu.memory_space<hbm>>
      %dma_start3A_234 = tpu.memref_slice %arg3[%add3A_163] : memref<166400xi32, #tpu.memory_space<hbm>> -> memref<400xi32, #tpu.memory_space<hbm>>
      tpu.enqueue_dma source(%dma_start3A_234 : memref<400xi32, #tpu.memory_space<hbm>>) target(%arg5 : memref<400xi32, #tpu.memory_space<vmem>>) target_semaphore(%run_scoped3A : memref<!tpu.dma_semaphore, #tpu.memory_space<semaphore_mem>>)
      %dma_wait3A_235 = tpu.memref_slice %arg3[%add3A_163] : memref<166400xi32, #tpu.memory_space<hbm>> -> memref<400xi32, #tpu.memory_space<hbm>>
      %dma_wait3A_236 = tpu.memref_slice %arg3[%add3A_163] : memref<166400xi32, #tpu.memory_space<hbm>> -> memref<400xi32, #tpu.memory_space<hbm>>
      tpu.wait_dma2 semaphore(%run_scoped3A : memref<!tpu.dma_semaphore, #tpu.memory_space<semaphore_mem>>) src(%dma_wait3A_236 : memref<400xi32, #tpu.memory_space<hbm>>) dst(%arg5 : memref<400xi32, #tpu.memory_space<vmem>>)
      tpu.yield
    }) : () -> ()
    %dma_wait3A_164 = arith.constant 0 : i32
    %dma_wait3A_165 = tpu.memref_slice %arg4[%mul3A_2, %dma_wait3A_164] : memref<166400x128xf32, #tpu.memory_space<hbm>> -> memref<400x128xf32, #tpu.memory_space<hbm>>
    %dma_wait3A_166 = arith.constant 0 : i32
    %dma_wait3A_167 = tpu.memref_slice %arg4[%mul3A_2, %dma_wait3A_166] : memref<166400x128xf32, #tpu.memory_space<hbm>> -> memref<400x128xf32, #tpu.memory_space<hbm>>
    tpu.wait_dma2 semaphore(%arg10 : memref<!tpu.dma_semaphore, #tpu.memory_space<semaphore_mem>>) src(%arg7 : memref<400x128xf32, #tpu.memory_space<vmem>>) dst(%dma_wait3A_167 : memref<400x128xf32, #tpu.memory_space<hbm>>)
    %dma_start3A_168 = arith.constant 0 : i32
    %dma_start3A_169 = arith.constant 0 : i32
    %dma_start3A_170 = tpu.memref_slice %arg2[%dma_start3A_168, %dma_start3A_169] : memref<10000x128xf32, #tpu.memory_space<hbm>> -> memref<10000x128xf32, #tpu.memory_space<hbm>>
    tpu.enqueue_indirect_dma source(%dma_start3A_170 : memref<10000x128xf32, #tpu.memory_space<hbm>>) target(%arg7 : memref<400x128xf32, #tpu.memory_space<vmem>>) offsets(%arg5 : memref<400xi32, #tpu.memory_space<vmem>>) semaphore(%arg9 : memref<!tpu.dma_semaphore, #tpu.memory_space<semaphore_mem>>)
    %dma_wait3A_171 = arith.constant 0 : i32
    %dma_wait3A_172 = arith.constant 0 : i32
    %dma_wait3A_173 = tpu.memref_slice %arg2[%dma_wait3A_171, %dma_wait3A_172] : memref<10000x128xf32, #tpu.memory_space<hbm>> -> memref<10000x128xf32, #tpu.memory_space<hbm>>
    tpu.wait_indirect_dma semaphore(%arg9 : memref<!tpu.dma_semaphore, #tpu.memory_space<semaphore_mem>>) src(%dma_wait3A_173 : memref<10000x128xf32, #tpu.memory_space<hbm>>) dst(%arg8 : memref<400x128xf32, #tpu.memory_space<vmem>>)
    %add3A_174 = arith.constant 3600 : i32
    %add3A_175 = arith.addi %mul3A_2, %add3A_174 : i32
    %dma_start3A_176 = arith.constant 0 : i32
    %dma_start3A_177 = tpu.memref_slice %arg4[%add3A_175, %dma_start3A_176] : memref<166400x128xf32, #tpu.memory_space<hbm>> -> memref<400x128xf32, #tpu.memory_space<hbm>>
    %dma_start3A_178 = arith.constant 0 : i32
    %dma_start3A_179 = tpu.memref_slice %arg4[%add3A_175, %dma_start3A_178] : memref<166400x128xf32, #tpu.memory_space<hbm>> -> memref<400x128xf32, #tpu.memory_space<hbm>>
    tpu.enqueue_dma source(%arg8 : memref<400x128xf32, #tpu.memory_space<vmem>>) target(%dma_start3A_179 : memref<400x128xf32, #tpu.memory_space<hbm>>) target_semaphore(%arg10 : memref<!tpu.dma_semaphore, #tpu.memory_space<semaphore_mem>>)
    %add3A_180 = arith.constant 4400 : i32
    %add3A_181 = arith.addi %mul3A_2, %add3A_180 : i32
    "tpu.region"() ({
      %run_scoped3A = tpu.sem_alloc : memref<!tpu.dma_semaphore, #tpu.memory_space<semaphore_mem>>
      %dma_start3A_233 = tpu.memref_slice %arg3[%add3A_181] : memref<166400xi32, #tpu.memory_space<hbm>> -> memref<400xi32, #tpu.memory_space<hbm>>
      %dma_start3A_234 = tpu.memref_slice %arg3[%add3A_181] : memref<166400xi32, #tpu.memory_space<hbm>> -> memref<400xi32, #tpu.memory_space<hbm>>
      tpu.enqueue_dma source(%dma_start3A_234 : memref<400xi32, #tpu.memory_space<hbm>>) target(%arg6 : memref<400xi32, #tpu.memory_space<vmem>>) target_semaphore(%run_scoped3A : memref<!tpu.dma_semaphore, #tpu.memory_space<semaphore_mem>>)
      %dma_wait3A_235 = tpu.memref_slice %arg3[%add3A_181] : memref<166400xi32, #tpu.memory_space<hbm>> -> memref<400xi32, #tpu.memory_space<hbm>>
      %dma_wait3A_236 = tpu.memref_slice %arg3[%add3A_181] : memref<166400xi32, #tpu.memory_space<hbm>> -> memref<400xi32, #tpu.memory_space<hbm>>
      tpu.wait_dma2 semaphore(%run_scoped3A : memref<!tpu.dma_semaphore, #tpu.memory_space<semaphore_mem>>) src(%dma_wait3A_236 : memref<400xi32, #tpu.memory_space<hbm>>) dst(%arg6 : memref<400xi32, #tpu.memory_space<vmem>>)
      tpu.yield
    }) : () -> ()
    %dma_wait3A_182 = arith.constant 0 : i32
    %dma_wait3A_183 = tpu.memref_slice %arg4[%mul3A_2, %dma_wait3A_182] : memref<166400x128xf32, #tpu.memory_space<hbm>> -> memref<400x128xf32, #tpu.memory_space<hbm>>
    %dma_wait3A_184 = arith.constant 0 : i32
    %dma_wait3A_185 = tpu.memref_slice %arg4[%mul3A_2, %dma_wait3A_184] : memref<166400x128xf32, #tpu.memory_space<hbm>> -> memref<400x128xf32, #tpu.memory_space<hbm>>
    tpu.wait_dma2 semaphore(%arg10 : memref<!tpu.dma_semaphore, #tpu.memory_space<semaphore_mem>>) src(%arg8 : memref<400x128xf32, #tpu.memory_space<vmem>>) dst(%dma_wait3A_185 : memref<400x128xf32, #tpu.memory_space<hbm>>)
    %dma_start3A_186 = arith.constant 0 : i32
    %dma_start3A_187 = arith.constant 0 : i32
    %dma_start3A_188 = tpu.memref_slice %arg2[%dma_start3A_186, %dma_start3A_187] : memref<10000x128xf32, #tpu.memory_space<hbm>> -> memref<10000x128xf32, #tpu.memory_space<hbm>>
    tpu.enqueue_indirect_dma source(%dma_start3A_188 : memref<10000x128xf32, #tpu.memory_space<hbm>>) target(%arg8 : memref<400x128xf32, #tpu.memory_space<vmem>>) offsets(%arg6 : memref<400xi32, #tpu.memory_space<vmem>>) semaphore(%arg9 : memref<!tpu.dma_semaphore, #tpu.memory_space<semaphore_mem>>)
    %dma_wait3A_189 = arith.constant 0 : i32
    %dma_wait3A_190 = arith.constant 0 : i32
    %dma_wait3A_191 = tpu.memref_slice %arg2[%dma_wait3A_189, %dma_wait3A_190] : memref<10000x128xf32, #tpu.memory_space<hbm>> -> memref<10000x128xf32, #tpu.memory_space<hbm>>
    tpu.wait_indirect_dma semaphore(%arg9 : memref<!tpu.dma_semaphore, #tpu.memory_space<semaphore_mem>>) src(%dma_wait3A_191 : memref<10000x128xf32, #tpu.memory_space<hbm>>) dst(%arg7 : memref<400x128xf32, #tpu.memory_space<vmem>>)
    %add3A_192 = arith.constant 4000 : i32
    %add3A_193 = arith.addi %mul3A_2, %add3A_192 : i32
    %dma_start3A_194 = arith.constant 0 : i32
    %dma_start3A_195 = tpu.memref_slice %arg4[%add3A_193, %dma_start3A_194] : memref<166400x128xf32, #tpu.memory_space<hbm>> -> memref<400x128xf32, #tpu.memory_space<hbm>>
    %dma_start3A_196 = arith.constant 0 : i32
    %dma_start3A_197 = tpu.memref_slice %arg4[%add3A_193, %dma_start3A_196] : memref<166400x128xf32, #tpu.memory_space<hbm>> -> memref<400x128xf32, #tpu.memory_space<hbm>>
    tpu.enqueue_dma source(%arg7 : memref<400x128xf32, #tpu.memory_space<vmem>>) target(%dma_start3A_197 : memref<400x128xf32, #tpu.memory_space<hbm>>) target_semaphore(%arg10 : memref<!tpu.dma_semaphore, #tpu.memory_space<semaphore_mem>>)
    %add3A_198 = arith.constant 4800 : i32
    %add3A_199 = arith.addi %mul3A_2, %add3A_198 : i32
    "tpu.region"() ({
      %run_scoped3A = tpu.sem_alloc : memref<!tpu.dma_semaphore, #tpu.memory_space<semaphore_mem>>
      %dma_start3A_233 = tpu.memref_slice %arg3[%add3A_199] : memref<166400xi32, #tpu.memory_space<hbm>> -> memref<400xi32, #tpu.memory_space<hbm>>
      %dma_start3A_234 = tpu.memref_slice %arg3[%add3A_199] : memref<166400xi32, #tpu.memory_space<hbm>> -> memref<400xi32, #tpu.memory_space<hbm>>
      tpu.enqueue_dma source(%dma_start3A_234 : memref<400xi32, #tpu.memory_space<hbm>>) target(%arg5 : memref<400xi32, #tpu.memory_space<vmem>>) target_semaphore(%run_scoped3A : memref<!tpu.dma_semaphore, #tpu.memory_space<semaphore_mem>>)
      %dma_wait3A_235 = tpu.memref_slice %arg3[%add3A_199] : memref<166400xi32, #tpu.memory_space<hbm>> -> memref<400xi32, #tpu.memory_space<hbm>>
      %dma_wait3A_236 = tpu.memref_slice %arg3[%add3A_199] : memref<166400xi32, #tpu.memory_space<hbm>> -> memref<400xi32, #tpu.memory_space<hbm>>
      tpu.wait_dma2 semaphore(%run_scoped3A : memref<!tpu.dma_semaphore, #tpu.memory_space<semaphore_mem>>) src(%dma_wait3A_236 : memref<400xi32, #tpu.memory_space<hbm>>) dst(%arg5 : memref<400xi32, #tpu.memory_space<vmem>>)
      tpu.yield
    }) : () -> ()
    %dma_wait3A_200 = arith.constant 0 : i32
    %dma_wait3A_201 = tpu.memref_slice %arg4[%mul3A_2, %dma_wait3A_200] : memref<166400x128xf32, #tpu.memory_space<hbm>> -> memref<400x128xf32, #tpu.memory_space<hbm>>
    %dma_wait3A_202 = arith.constant 0 : i32
    %dma_wait3A_203 = tpu.memref_slice %arg4[%mul3A_2, %dma_wait3A_202] : memref<166400x128xf32, #tpu.memory_space<hbm>> -> memref<400x128xf32, #tpu.memory_space<hbm>>
    tpu.wait_dma2 semaphore(%arg10 : memref<!tpu.dma_semaphore, #tpu.memory_space<semaphore_mem>>) src(%arg7 : memref<400x128xf32, #tpu.memory_space<vmem>>) dst(%dma_wait3A_203 : memref<400x128xf32, #tpu.memory_space<hbm>>)
    %dma_start3A_204 = arith.constant 0 : i32
    %dma_start3A_205 = arith.constant 0 : i32
    %dma_start3A_206 = tpu.memref_slice %arg2[%dma_start3A_204, %dma_start3A_205] : memref<10000x128xf32, #tpu.memory_space<hbm>> -> memref<10000x128xf32, #tpu.memory_space<hbm>>
    tpu.enqueue_indirect_dma source(%dma_start3A_206 : memref<10000x128xf32, #tpu.memory_space<hbm>>) target(%arg7 : memref<400x128xf32, #tpu.memory_space<vmem>>) offsets(%arg5 : memref<400xi32, #tpu.memory_space<vmem>>) semaphore(%arg9 : memref<!tpu.dma_semaphore, #tpu.memory_space<semaphore_mem>>)
    %dma_wait3A_207 = arith.constant 0 : i32
    %dma_wait3A_208 = arith.constant 0 : i32
    %dma_wait3A_209 = tpu.memref_slice %arg2[%dma_wait3A_207, %dma_wait3A_208] : memref<10000x128xf32, #tpu.memory_space<hbm>> -> memref<10000x128xf32, #tpu.memory_space<hbm>>
    tpu.wait_indirect_dma semaphore(%arg9 : memref<!tpu.dma_semaphore, #tpu.memory_space<semaphore_mem>>) src(%dma_wait3A_209 : memref<10000x128xf32, #tpu.memory_space<hbm>>) dst(%arg8 : memref<400x128xf32, #tpu.memory_space<vmem>>)
    %add3A_210 = arith.constant 4400 : i32
    %add3A_211 = arith.addi %mul3A_2, %add3A_210 : i32
    %dma_start3A_212 = arith.constant 0 : i32
    %dma_start3A_213 = tpu.memref_slice %arg4[%add3A_211, %dma_start3A_212] : memref<166400x128xf32, #tpu.memory_space<hbm>> -> memref<400x128xf32, #tpu.memory_space<hbm>>
    %dma_start3A_214 = arith.constant 0 : i32
    %dma_start3A_215 = tpu.memref_slice %arg4[%add3A_211, %dma_start3A_214] : memref<166400x128xf32, #tpu.memory_space<hbm>> -> memref<400x128xf32, #tpu.memory_space<hbm>>
    tpu.enqueue_dma source(%arg8 : memref<400x128xf32, #tpu.memory_space<vmem>>) target(%dma_start3A_215 : memref<400x128xf32, #tpu.memory_space<hbm>>) target_semaphore(%arg10 : memref<!tpu.dma_semaphore, #tpu.memory_space<semaphore_mem>>)
    %dma_wait3A_216 = arith.constant 0 : i32
    %dma_wait3A_217 = arith.constant 0 : i32
    %dma_wait3A_218 = tpu.memref_slice %arg2[%dma_wait3A_216, %dma_wait3A_217] : memref<10000x128xf32, #tpu.memory_space<hbm>> -> memref<10000x128xf32, #tpu.memory_space<hbm>>
    tpu.wait_indirect_dma semaphore(%arg9 : memref<!tpu.dma_semaphore, #tpu.memory_space<semaphore_mem>>) src(%dma_wait3A_218 : memref<10000x128xf32, #tpu.memory_space<hbm>>) dst(%arg7 : memref<400x128xf32, #tpu.memory_space<vmem>>)
    %add3A_219 = arith.constant 4800 : i32
    %add3A_220 = arith.addi %mul3A_2, %add3A_219 : i32
    %dma_start3A_221 = arith.constant 0 : i32
    %dma_start3A_222 = tpu.memref_slice %arg4[%add3A_220, %dma_start3A_221] : memref<166400x128xf32, #tpu.memory_space<hbm>> -> memref<400x128xf32, #tpu.memory_space<hbm>>
    %dma_start3A_223 = arith.constant 0 : i32
    %dma_start3A_224 = tpu.memref_slice %arg4[%add3A_220, %dma_start3A_223] : memref<166400x128xf32, #tpu.memory_space<hbm>> -> memref<400x128xf32, #tpu.memory_space<hbm>>
    tpu.enqueue_dma source(%arg7 : memref<400x128xf32, #tpu.memory_space<vmem>>) target(%dma_start3A_224 : memref<400x128xf32, #tpu.memory_space<hbm>>) target_semaphore(%arg10 : memref<!tpu.dma_semaphore, #tpu.memory_space<semaphore_mem>>)
    %dma_wait3A_225 = arith.constant 0 : i32
    %dma_wait3A_226 = tpu.memref_slice %arg4[%mul3A_2, %dma_wait3A_225] : memref<166400x128xf32, #tpu.memory_space<hbm>> -> memref<400x128xf32, #tpu.memory_space<hbm>>
    %dma_wait3A_227 = arith.constant 0 : i32
    %dma_wait3A_228 = tpu.memref_slice %arg4[%mul3A_2, %dma_wait3A_227] : memref<166400x128xf32, #tpu.memory_space<hbm>> -> memref<400x128xf32, #tpu.memory_space<hbm>>
    tpu.wait_dma2 semaphore(%arg10 : memref<!tpu.dma_semaphore, #tpu.memory_space<semaphore_mem>>) src(%arg7 : memref<400x128xf32, #tpu.memory_space<vmem>>) dst(%dma_wait3A_228 : memref<400x128xf32, #tpu.memory_space<hbm>>)
    %dma_wait3A_229 = arith.constant 0 : i32
    %dma_wait3A_230 = tpu.memref_slice %arg4[%mul3A_2, %dma_wait3A_229] : memref<166400x128xf32, #tpu.memory_space<hbm>> -> memref<400x128xf32, #tpu.memory_space<hbm>>
    %dma_wait3A_231 = arith.constant 0 : i32
    %dma_wait3A_232 = tpu.memref_slice %arg4[%mul3A_2, %dma_wait3A_231] : memref<166400x128xf32, #tpu.memory_space<hbm>> -> memref<400x128xf32, #tpu.memory_space<hbm>>
    tpu.wait_dma2 semaphore(%arg10 : memref<!tpu.dma_semaphore, #tpu.memory_space<semaphore_mem>>) src(%arg8 : memref<400x128xf32, #tpu.memory_space<vmem>>) dst(%dma_wait3A_232 : memref<400x128xf32, #tpu.memory_space<hbm>>)
    return
  }
}

#map = affine_map<(d0, d1) -> (0, 0)>
#map1 = affine_map<(d0, d1) -> (0)>
module attributes {stable_mosaic.version = 14 : i64} {
  func.func @gather_kernel(%arg0: i32, %arg1: i32, %arg2: memref<10000x128xf32, #tpu.memory_space<hbm>>, %arg3: memref<153600xi32, #tpu.memory_space<hbm>>, %arg4: memref<153600x128xf32, #tpu.memory_space<hbm>>, %arg5: memref<400xi32, #tpu.memory_space<vmem>>, %arg6: memref<400xi32, #tpu.memory_space<vmem>>, %arg7: memref<400x128xf32, #tpu.memory_space<vmem>>, %arg8: memref<400x128xf32, #tpu.memory_space<vmem>>, %arg9: memref<!tpu.dma_semaphore, #tpu.memory_space<semaphore_mem>>, %arg10: memref<!tpu.dma_semaphore, #tpu.memory_space<semaphore_mem>>) attributes {dimension_semantics = [#tpu.dimension_semantics<core_parallel>, #tpu.dimension_semantics<subcore_parallel>], iteration_bounds = array<i64: 2, 16>, scalar_prefetch = 0 : i64, scratch_operands = 6 : i64, tpu.core_type = #tpu.core_type<sc_vector_subcore>, window_params = [{transform_indices = #map}, {transform_indices = #map1}, {transform_indices = #map}]} {
    %mul3A = arith.constant 2 : i32
    %mul3A_0 = arith.muli %arg1, %mul3A : i32
    %add3A = arith.addi %mul3A_0, %arg0 : i32
    %mul3A_1 = arith.constant 4800 : i32
    %mul3A_2 = arith.muli %add3A, %mul3A_1 : i32
    "tpu.region"() ({
      %run_scoped3A = tpu.sem_alloc : memref<!tpu.dma_semaphore, #tpu.memory_space<semaphore_mem>>
      %dma_start3A_215 = tpu.memref_slice %arg3[%mul3A_2] : memref<153600xi32, #tpu.memory_space<hbm>> -> memref<400xi32, #tpu.memory_space<hbm>>
      %dma_start3A_216 = tpu.memref_slice %arg3[%mul3A_2] : memref<153600xi32, #tpu.memory_space<hbm>> -> memref<400xi32, #tpu.memory_space<hbm>>
      tpu.enqueue_dma source(%dma_start3A_216 : memref<400xi32, #tpu.memory_space<hbm>>) target(%arg5 : memref<400xi32, #tpu.memory_space<vmem>>) target_semaphore(%run_scoped3A : memref<!tpu.dma_semaphore, #tpu.memory_space<semaphore_mem>>)
      %dma_wait3A_217 = tpu.memref_slice %arg3[%mul3A_2] : memref<153600xi32, #tpu.memory_space<hbm>> -> memref<400xi32, #tpu.memory_space<hbm>>
      %dma_wait3A_218 = tpu.memref_slice %arg3[%mul3A_2] : memref<153600xi32, #tpu.memory_space<hbm>> -> memref<400xi32, #tpu.memory_space<hbm>>
      tpu.wait_dma2 semaphore(%run_scoped3A : memref<!tpu.dma_semaphore, #tpu.memory_space<semaphore_mem>>) src(%dma_wait3A_218 : memref<400xi32, #tpu.memory_space<hbm>>) dst(%arg5 : memref<400xi32, #tpu.memory_space<vmem>>)
      tpu.yield
    }) : () -> ()
    %dma_start3A = arith.constant 0 : i32
    %dma_start3A_3 = arith.constant 0 : i32
    %dma_start3A_4 = tpu.memref_slice %arg2[%dma_start3A, %dma_start3A_3] : memref<10000x128xf32, #tpu.memory_space<hbm>> -> memref<10000x128xf32, #tpu.memory_space<hbm>>
    tpu.enqueue_indirect_dma source(%dma_start3A_4 : memref<10000x128xf32, #tpu.memory_space<hbm>>) target(%arg7 : memref<400x128xf32, #tpu.memory_space<vmem>>) offsets(%arg5 : memref<400xi32, #tpu.memory_space<vmem>>) semaphore(%arg9 : memref<!tpu.dma_semaphore, #tpu.memory_space<semaphore_mem>>)
    %add3A_5 = arith.constant 400 : i32
    %add3A_6 = arith.addi %mul3A_2, %add3A_5 : i32
    "tpu.region"() ({
      %run_scoped3A = tpu.sem_alloc : memref<!tpu.dma_semaphore, #tpu.memory_space<semaphore_mem>>
      %dma_start3A_215 = tpu.memref_slice %arg3[%add3A_6] : memref<153600xi32, #tpu.memory_space<hbm>> -> memref<400xi32, #tpu.memory_space<hbm>>
      %dma_start3A_216 = tpu.memref_slice %arg3[%add3A_6] : memref<153600xi32, #tpu.memory_space<hbm>> -> memref<400xi32, #tpu.memory_space<hbm>>
      tpu.enqueue_dma source(%dma_start3A_216 : memref<400xi32, #tpu.memory_space<hbm>>) target(%arg6 : memref<400xi32, #tpu.memory_space<vmem>>) target_semaphore(%run_scoped3A : memref<!tpu.dma_semaphore, #tpu.memory_space<semaphore_mem>>)
      %dma_wait3A_217 = tpu.memref_slice %arg3[%add3A_6] : memref<153600xi32, #tpu.memory_space<hbm>> -> memref<400xi32, #tpu.memory_space<hbm>>
      %dma_wait3A_218 = tpu.memref_slice %arg3[%add3A_6] : memref<153600xi32, #tpu.memory_space<hbm>> -> memref<400xi32, #tpu.memory_space<hbm>>
      tpu.wait_dma2 semaphore(%run_scoped3A : memref<!tpu.dma_semaphore, #tpu.memory_space<semaphore_mem>>) src(%dma_wait3A_218 : memref<400xi32, #tpu.memory_space<hbm>>) dst(%arg6 : memref<400xi32, #tpu.memory_space<vmem>>)
      tpu.yield
    }) : () -> ()
    %dma_start3A_7 = arith.constant 0 : i32
    %dma_start3A_8 = arith.constant 0 : i32
    %dma_start3A_9 = tpu.memref_slice %arg2[%dma_start3A_7, %dma_start3A_8] : memref<10000x128xf32, #tpu.memory_space<hbm>> -> memref<10000x128xf32, #tpu.memory_space<hbm>>
    tpu.enqueue_indirect_dma source(%dma_start3A_9 : memref<10000x128xf32, #tpu.memory_space<hbm>>) target(%arg8 : memref<400x128xf32, #tpu.memory_space<vmem>>) offsets(%arg6 : memref<400xi32, #tpu.memory_space<vmem>>) semaphore(%arg9 : memref<!tpu.dma_semaphore, #tpu.memory_space<semaphore_mem>>)
    %dma_wait3A = arith.constant 0 : i32
    %dma_wait3A_10 = arith.constant 0 : i32
    %dma_wait3A_11 = tpu.memref_slice %arg2[%dma_wait3A, %dma_wait3A_10] : memref<10000x128xf32, #tpu.memory_space<hbm>> -> memref<10000x128xf32, #tpu.memory_space<hbm>>
    tpu.wait_indirect_dma semaphore(%arg9 : memref<!tpu.dma_semaphore, #tpu.memory_space<semaphore_mem>>) src(%dma_wait3A_11 : memref<10000x128xf32, #tpu.memory_space<hbm>>) dst(%arg7 : memref<400x128xf32, #tpu.memory_space<vmem>>)
    %add3A_12 = arith.constant 0 : i32
    %add3A_13 = arith.addi %mul3A_2, %add3A_12 : i32
    %dma_start3A_14 = arith.constant 0 : i32
    %dma_start3A_15 = tpu.memref_slice %arg4[%add3A_13, %dma_start3A_14] : memref<153600x128xf32, #tpu.memory_space<hbm>> -> memref<400x128xf32, #tpu.memory_space<hbm>>
    %dma_start3A_16 = arith.constant 0 : i32
    %dma_start3A_17 = tpu.memref_slice %arg4[%add3A_13, %dma_start3A_16] : memref<153600x128xf32, #tpu.memory_space<hbm>> -> memref<400x128xf32, #tpu.memory_space<hbm>>
    tpu.enqueue_dma source(%arg7 : memref<400x128xf32, #tpu.memory_space<vmem>>) target(%dma_start3A_17 : memref<400x128xf32, #tpu.memory_space<hbm>>) target_semaphore(%arg10 : memref<!tpu.dma_semaphore, #tpu.memory_space<semaphore_mem>>)
    %add3A_18 = arith.constant 800 : i32
    %add3A_19 = arith.addi %mul3A_2, %add3A_18 : i32
    "tpu.region"() ({
      %run_scoped3A = tpu.sem_alloc : memref<!tpu.dma_semaphore, #tpu.memory_space<semaphore_mem>>
      %dma_start3A_215 = tpu.memref_slice %arg3[%add3A_19] : memref<153600xi32, #tpu.memory_space<hbm>> -> memref<400xi32, #tpu.memory_space<hbm>>
      %dma_start3A_216 = tpu.memref_slice %arg3[%add3A_19] : memref<153600xi32, #tpu.memory_space<hbm>> -> memref<400xi32, #tpu.memory_space<hbm>>
      tpu.enqueue_dma source(%dma_start3A_216 : memref<400xi32, #tpu.memory_space<hbm>>) target(%arg5 : memref<400xi32, #tpu.memory_space<vmem>>) target_semaphore(%run_scoped3A : memref<!tpu.dma_semaphore, #tpu.memory_space<semaphore_mem>>)
      %dma_wait3A_217 = tpu.memref_slice %arg3[%add3A_19] : memref<153600xi32, #tpu.memory_space<hbm>> -> memref<400xi32, #tpu.memory_space<hbm>>
      %dma_wait3A_218 = tpu.memref_slice %arg3[%add3A_19] : memref<153600xi32, #tpu.memory_space<hbm>> -> memref<400xi32, #tpu.memory_space<hbm>>
      tpu.wait_dma2 semaphore(%run_scoped3A : memref<!tpu.dma_semaphore, #tpu.memory_space<semaphore_mem>>) src(%dma_wait3A_218 : memref<400xi32, #tpu.memory_space<hbm>>) dst(%arg5 : memref<400xi32, #tpu.memory_space<vmem>>)
      tpu.yield
    }) : () -> ()
    %dma_wait3A_20 = arith.constant 0 : i32
    %dma_wait3A_21 = tpu.memref_slice %arg4[%mul3A_2, %dma_wait3A_20] : memref<153600x128xf32, #tpu.memory_space<hbm>> -> memref<400x128xf32, #tpu.memory_space<hbm>>
    %dma_wait3A_22 = arith.constant 0 : i32
    %dma_wait3A_23 = tpu.memref_slice %arg4[%mul3A_2, %dma_wait3A_22] : memref<153600x128xf32, #tpu.memory_space<hbm>> -> memref<400x128xf32, #tpu.memory_space<hbm>>
    tpu.wait_dma2 semaphore(%arg10 : memref<!tpu.dma_semaphore, #tpu.memory_space<semaphore_mem>>) src(%arg7 : memref<400x128xf32, #tpu.memory_space<vmem>>) dst(%dma_wait3A_23 : memref<400x128xf32, #tpu.memory_space<hbm>>)
    %dma_start3A_24 = arith.constant 0 : i32
    %dma_start3A_25 = arith.constant 0 : i32
    %dma_start3A_26 = tpu.memref_slice %arg2[%dma_start3A_24, %dma_start3A_25] : memref<10000x128xf32, #tpu.memory_space<hbm>> -> memref<10000x128xf32, #tpu.memory_space<hbm>>
    tpu.enqueue_indirect_dma source(%dma_start3A_26 : memref<10000x128xf32, #tpu.memory_space<hbm>>) target(%arg7 : memref<400x128xf32, #tpu.memory_space<vmem>>) offsets(%arg5 : memref<400xi32, #tpu.memory_space<vmem>>) semaphore(%arg9 : memref<!tpu.dma_semaphore, #tpu.memory_space<semaphore_mem>>)
    %dma_wait3A_27 = arith.constant 0 : i32
    %dma_wait3A_28 = arith.constant 0 : i32
    %dma_wait3A_29 = tpu.memref_slice %arg2[%dma_wait3A_27, %dma_wait3A_28] : memref<10000x128xf32, #tpu.memory_space<hbm>> -> memref<10000x128xf32, #tpu.memory_space<hbm>>
    tpu.wait_indirect_dma semaphore(%arg9 : memref<!tpu.dma_semaphore, #tpu.memory_space<semaphore_mem>>) src(%dma_wait3A_29 : memref<10000x128xf32, #tpu.memory_space<hbm>>) dst(%arg8 : memref<400x128xf32, #tpu.memory_space<vmem>>)
    %add3A_30 = arith.constant 400 : i32
    %add3A_31 = arith.addi %mul3A_2, %add3A_30 : i32
    %dma_start3A_32 = arith.constant 0 : i32
    %dma_start3A_33 = tpu.memref_slice %arg4[%add3A_31, %dma_start3A_32] : memref<153600x128xf32, #tpu.memory_space<hbm>> -> memref<400x128xf32, #tpu.memory_space<hbm>>
    %dma_start3A_34 = arith.constant 0 : i32
    %dma_start3A_35 = tpu.memref_slice %arg4[%add3A_31, %dma_start3A_34] : memref<153600x128xf32, #tpu.memory_space<hbm>> -> memref<400x128xf32, #tpu.memory_space<hbm>>
    tpu.enqueue_dma source(%arg8 : memref<400x128xf32, #tpu.memory_space<vmem>>) target(%dma_start3A_35 : memref<400x128xf32, #tpu.memory_space<hbm>>) target_semaphore(%arg10 : memref<!tpu.dma_semaphore, #tpu.memory_space<semaphore_mem>>)
    %add3A_36 = arith.constant 1200 : i32
    %add3A_37 = arith.addi %mul3A_2, %add3A_36 : i32
    "tpu.region"() ({
      %run_scoped3A = tpu.sem_alloc : memref<!tpu.dma_semaphore, #tpu.memory_space<semaphore_mem>>
      %dma_start3A_215 = tpu.memref_slice %arg3[%add3A_37] : memref<153600xi32, #tpu.memory_space<hbm>> -> memref<400xi32, #tpu.memory_space<hbm>>
      %dma_start3A_216 = tpu.memref_slice %arg3[%add3A_37] : memref<153600xi32, #tpu.memory_space<hbm>> -> memref<400xi32, #tpu.memory_space<hbm>>
      tpu.enqueue_dma source(%dma_start3A_216 : memref<400xi32, #tpu.memory_space<hbm>>) target(%arg6 : memref<400xi32, #tpu.memory_space<vmem>>) target_semaphore(%run_scoped3A : memref<!tpu.dma_semaphore, #tpu.memory_space<semaphore_mem>>)
      %dma_wait3A_217 = tpu.memref_slice %arg3[%add3A_37] : memref<153600xi32, #tpu.memory_space<hbm>> -> memref<400xi32, #tpu.memory_space<hbm>>
      %dma_wait3A_218 = tpu.memref_slice %arg3[%add3A_37] : memref<153600xi32, #tpu.memory_space<hbm>> -> memref<400xi32, #tpu.memory_space<hbm>>
      tpu.wait_dma2 semaphore(%run_scoped3A : memref<!tpu.dma_semaphore, #tpu.memory_space<semaphore_mem>>) src(%dma_wait3A_218 : memref<400xi32, #tpu.memory_space<hbm>>) dst(%arg6 : memref<400xi32, #tpu.memory_space<vmem>>)
      tpu.yield
    }) : () -> ()
    %dma_wait3A_38 = arith.constant 0 : i32
    %dma_wait3A_39 = tpu.memref_slice %arg4[%mul3A_2, %dma_wait3A_38] : memref<153600x128xf32, #tpu.memory_space<hbm>> -> memref<400x128xf32, #tpu.memory_space<hbm>>
    %dma_wait3A_40 = arith.constant 0 : i32
    %dma_wait3A_41 = tpu.memref_slice %arg4[%mul3A_2, %dma_wait3A_40] : memref<153600x128xf32, #tpu.memory_space<hbm>> -> memref<400x128xf32, #tpu.memory_space<hbm>>
    tpu.wait_dma2 semaphore(%arg10 : memref<!tpu.dma_semaphore, #tpu.memory_space<semaphore_mem>>) src(%arg8 : memref<400x128xf32, #tpu.memory_space<vmem>>) dst(%dma_wait3A_41 : memref<400x128xf32, #tpu.memory_space<hbm>>)
    %dma_start3A_42 = arith.constant 0 : i32
    %dma_start3A_43 = arith.constant 0 : i32
    %dma_start3A_44 = tpu.memref_slice %arg2[%dma_start3A_42, %dma_start3A_43] : memref<10000x128xf32, #tpu.memory_space<hbm>> -> memref<10000x128xf32, #tpu.memory_space<hbm>>
    tpu.enqueue_indirect_dma source(%dma_start3A_44 : memref<10000x128xf32, #tpu.memory_space<hbm>>) target(%arg8 : memref<400x128xf32, #tpu.memory_space<vmem>>) offsets(%arg6 : memref<400xi32, #tpu.memory_space<vmem>>) semaphore(%arg9 : memref<!tpu.dma_semaphore, #tpu.memory_space<semaphore_mem>>)
    %dma_wait3A_45 = arith.constant 0 : i32
    %dma_wait3A_46 = arith.constant 0 : i32
    %dma_wait3A_47 = tpu.memref_slice %arg2[%dma_wait3A_45, %dma_wait3A_46] : memref<10000x128xf32, #tpu.memory_space<hbm>> -> memref<10000x128xf32, #tpu.memory_space<hbm>>
    tpu.wait_indirect_dma semaphore(%arg9 : memref<!tpu.dma_semaphore, #tpu.memory_space<semaphore_mem>>) src(%dma_wait3A_47 : memref<10000x128xf32, #tpu.memory_space<hbm>>) dst(%arg7 : memref<400x128xf32, #tpu.memory_space<vmem>>)
    %add3A_48 = arith.constant 800 : i32
    %add3A_49 = arith.addi %mul3A_2, %add3A_48 : i32
    %dma_start3A_50 = arith.constant 0 : i32
    %dma_start3A_51 = tpu.memref_slice %arg4[%add3A_49, %dma_start3A_50] : memref<153600x128xf32, #tpu.memory_space<hbm>> -> memref<400x128xf32, #tpu.memory_space<hbm>>
    %dma_start3A_52 = arith.constant 0 : i32
    %dma_start3A_53 = tpu.memref_slice %arg4[%add3A_49, %dma_start3A_52] : memref<153600x128xf32, #tpu.memory_space<hbm>> -> memref<400x128xf32, #tpu.memory_space<hbm>>
    tpu.enqueue_dma source(%arg7 : memref<400x128xf32, #tpu.memory_space<vmem>>) target(%dma_start3A_53 : memref<400x128xf32, #tpu.memory_space<hbm>>) target_semaphore(%arg10 : memref<!tpu.dma_semaphore, #tpu.memory_space<semaphore_mem>>)
    %add3A_54 = arith.constant 1600 : i32
    %add3A_55 = arith.addi %mul3A_2, %add3A_54 : i32
    "tpu.region"() ({
      %run_scoped3A = tpu.sem_alloc : memref<!tpu.dma_semaphore, #tpu.memory_space<semaphore_mem>>
      %dma_start3A_215 = tpu.memref_slice %arg3[%add3A_55] : memref<153600xi32, #tpu.memory_space<hbm>> -> memref<400xi32, #tpu.memory_space<hbm>>
      %dma_start3A_216 = tpu.memref_slice %arg3[%add3A_55] : memref<153600xi32, #tpu.memory_space<hbm>> -> memref<400xi32, #tpu.memory_space<hbm>>
      tpu.enqueue_dma source(%dma_start3A_216 : memref<400xi32, #tpu.memory_space<hbm>>) target(%arg5 : memref<400xi32, #tpu.memory_space<vmem>>) target_semaphore(%run_scoped3A : memref<!tpu.dma_semaphore, #tpu.memory_space<semaphore_mem>>)
      %dma_wait3A_217 = tpu.memref_slice %arg3[%add3A_55] : memref<153600xi32, #tpu.memory_space<hbm>> -> memref<400xi32, #tpu.memory_space<hbm>>
      %dma_wait3A_218 = tpu.memref_slice %arg3[%add3A_55] : memref<153600xi32, #tpu.memory_space<hbm>> -> memref<400xi32, #tpu.memory_space<hbm>>
      tpu.wait_dma2 semaphore(%run_scoped3A : memref<!tpu.dma_semaphore, #tpu.memory_space<semaphore_mem>>) src(%dma_wait3A_218 : memref<400xi32, #tpu.memory_space<hbm>>) dst(%arg5 : memref<400xi32, #tpu.memory_space<vmem>>)
      tpu.yield
    }) : () -> ()
    %dma_wait3A_56 = arith.constant 0 : i32
    %dma_wait3A_57 = tpu.memref_slice %arg4[%mul3A_2, %dma_wait3A_56] : memref<153600x128xf32, #tpu.memory_space<hbm>> -> memref<400x128xf32, #tpu.memory_space<hbm>>
    %dma_wait3A_58 = arith.constant 0 : i32
    %dma_wait3A_59 = tpu.memref_slice %arg4[%mul3A_2, %dma_wait3A_58] : memref<153600x128xf32, #tpu.memory_space<hbm>> -> memref<400x128xf32, #tpu.memory_space<hbm>>
    tpu.wait_dma2 semaphore(%arg10 : memref<!tpu.dma_semaphore, #tpu.memory_space<semaphore_mem>>) src(%arg7 : memref<400x128xf32, #tpu.memory_space<vmem>>) dst(%dma_wait3A_59 : memref<400x128xf32, #tpu.memory_space<hbm>>)
    %dma_start3A_60 = arith.constant 0 : i32
    %dma_start3A_61 = arith.constant 0 : i32
    %dma_start3A_62 = tpu.memref_slice %arg2[%dma_start3A_60, %dma_start3A_61] : memref<10000x128xf32, #tpu.memory_space<hbm>> -> memref<10000x128xf32, #tpu.memory_space<hbm>>
    tpu.enqueue_indirect_dma source(%dma_start3A_62 : memref<10000x128xf32, #tpu.memory_space<hbm>>) target(%arg7 : memref<400x128xf32, #tpu.memory_space<vmem>>) offsets(%arg5 : memref<400xi32, #tpu.memory_space<vmem>>) semaphore(%arg9 : memref<!tpu.dma_semaphore, #tpu.memory_space<semaphore_mem>>)
    %dma_wait3A_63 = arith.constant 0 : i32
    %dma_wait3A_64 = arith.constant 0 : i32
    %dma_wait3A_65 = tpu.memref_slice %arg2[%dma_wait3A_63, %dma_wait3A_64] : memref<10000x128xf32, #tpu.memory_space<hbm>> -> memref<10000x128xf32, #tpu.memory_space<hbm>>
    tpu.wait_indirect_dma semaphore(%arg9 : memref<!tpu.dma_semaphore, #tpu.memory_space<semaphore_mem>>) src(%dma_wait3A_65 : memref<10000x128xf32, #tpu.memory_space<hbm>>) dst(%arg8 : memref<400x128xf32, #tpu.memory_space<vmem>>)
    %add3A_66 = arith.constant 1200 : i32
    %add3A_67 = arith.addi %mul3A_2, %add3A_66 : i32
    %dma_start3A_68 = arith.constant 0 : i32
    %dma_start3A_69 = tpu.memref_slice %arg4[%add3A_67, %dma_start3A_68] : memref<153600x128xf32, #tpu.memory_space<hbm>> -> memref<400x128xf32, #tpu.memory_space<hbm>>
    %dma_start3A_70 = arith.constant 0 : i32
    %dma_start3A_71 = tpu.memref_slice %arg4[%add3A_67, %dma_start3A_70] : memref<153600x128xf32, #tpu.memory_space<hbm>> -> memref<400x128xf32, #tpu.memory_space<hbm>>
    tpu.enqueue_dma source(%arg8 : memref<400x128xf32, #tpu.memory_space<vmem>>) target(%dma_start3A_71 : memref<400x128xf32, #tpu.memory_space<hbm>>) target_semaphore(%arg10 : memref<!tpu.dma_semaphore, #tpu.memory_space<semaphore_mem>>)
    %add3A_72 = arith.constant 2000 : i32
    %add3A_73 = arith.addi %mul3A_2, %add3A_72 : i32
    "tpu.region"() ({
      %run_scoped3A = tpu.sem_alloc : memref<!tpu.dma_semaphore, #tpu.memory_space<semaphore_mem>>
      %dma_start3A_215 = tpu.memref_slice %arg3[%add3A_73] : memref<153600xi32, #tpu.memory_space<hbm>> -> memref<400xi32, #tpu.memory_space<hbm>>
      %dma_start3A_216 = tpu.memref_slice %arg3[%add3A_73] : memref<153600xi32, #tpu.memory_space<hbm>> -> memref<400xi32, #tpu.memory_space<hbm>>
      tpu.enqueue_dma source(%dma_start3A_216 : memref<400xi32, #tpu.memory_space<hbm>>) target(%arg6 : memref<400xi32, #tpu.memory_space<vmem>>) target_semaphore(%run_scoped3A : memref<!tpu.dma_semaphore, #tpu.memory_space<semaphore_mem>>)
      %dma_wait3A_217 = tpu.memref_slice %arg3[%add3A_73] : memref<153600xi32, #tpu.memory_space<hbm>> -> memref<400xi32, #tpu.memory_space<hbm>>
      %dma_wait3A_218 = tpu.memref_slice %arg3[%add3A_73] : memref<153600xi32, #tpu.memory_space<hbm>> -> memref<400xi32, #tpu.memory_space<hbm>>
      tpu.wait_dma2 semaphore(%run_scoped3A : memref<!tpu.dma_semaphore, #tpu.memory_space<semaphore_mem>>) src(%dma_wait3A_218 : memref<400xi32, #tpu.memory_space<hbm>>) dst(%arg6 : memref<400xi32, #tpu.memory_space<vmem>>)
      tpu.yield
    }) : () -> ()
    %dma_wait3A_74 = arith.constant 0 : i32
    %dma_wait3A_75 = tpu.memref_slice %arg4[%mul3A_2, %dma_wait3A_74] : memref<153600x128xf32, #tpu.memory_space<hbm>> -> memref<400x128xf32, #tpu.memory_space<hbm>>
    %dma_wait3A_76 = arith.constant 0 : i32
    %dma_wait3A_77 = tpu.memref_slice %arg4[%mul3A_2, %dma_wait3A_76] : memref<153600x128xf32, #tpu.memory_space<hbm>> -> memref<400x128xf32, #tpu.memory_space<hbm>>
    tpu.wait_dma2 semaphore(%arg10 : memref<!tpu.dma_semaphore, #tpu.memory_space<semaphore_mem>>) src(%arg8 : memref<400x128xf32, #tpu.memory_space<vmem>>) dst(%dma_wait3A_77 : memref<400x128xf32, #tpu.memory_space<hbm>>)
    %dma_start3A_78 = arith.constant 0 : i32
    %dma_start3A_79 = arith.constant 0 : i32
    %dma_start3A_80 = tpu.memref_slice %arg2[%dma_start3A_78, %dma_start3A_79] : memref<10000x128xf32, #tpu.memory_space<hbm>> -> memref<10000x128xf32, #tpu.memory_space<hbm>>
    tpu.enqueue_indirect_dma source(%dma_start3A_80 : memref<10000x128xf32, #tpu.memory_space<hbm>>) target(%arg8 : memref<400x128xf32, #tpu.memory_space<vmem>>) offsets(%arg6 : memref<400xi32, #tpu.memory_space<vmem>>) semaphore(%arg9 : memref<!tpu.dma_semaphore, #tpu.memory_space<semaphore_mem>>)
    %dma_wait3A_81 = arith.constant 0 : i32
    %dma_wait3A_82 = arith.constant 0 : i32
    %dma_wait3A_83 = tpu.memref_slice %arg2[%dma_wait3A_81, %dma_wait3A_82] : memref<10000x128xf32, #tpu.memory_space<hbm>> -> memref<10000x128xf32, #tpu.memory_space<hbm>>
    tpu.wait_indirect_dma semaphore(%arg9 : memref<!tpu.dma_semaphore, #tpu.memory_space<semaphore_mem>>) src(%dma_wait3A_83 : memref<10000x128xf32, #tpu.memory_space<hbm>>) dst(%arg7 : memref<400x128xf32, #tpu.memory_space<vmem>>)
    %add3A_84 = arith.constant 1600 : i32
    %add3A_85 = arith.addi %mul3A_2, %add3A_84 : i32
    %dma_start3A_86 = arith.constant 0 : i32
    %dma_start3A_87 = tpu.memref_slice %arg4[%add3A_85, %dma_start3A_86] : memref<153600x128xf32, #tpu.memory_space<hbm>> -> memref<400x128xf32, #tpu.memory_space<hbm>>
    %dma_start3A_88 = arith.constant 0 : i32
    %dma_start3A_89 = tpu.memref_slice %arg4[%add3A_85, %dma_start3A_88] : memref<153600x128xf32, #tpu.memory_space<hbm>> -> memref<400x128xf32, #tpu.memory_space<hbm>>
    tpu.enqueue_dma source(%arg7 : memref<400x128xf32, #tpu.memory_space<vmem>>) target(%dma_start3A_89 : memref<400x128xf32, #tpu.memory_space<hbm>>) target_semaphore(%arg10 : memref<!tpu.dma_semaphore, #tpu.memory_space<semaphore_mem>>)
    %add3A_90 = arith.constant 2400 : i32
    %add3A_91 = arith.addi %mul3A_2, %add3A_90 : i32
    "tpu.region"() ({
      %run_scoped3A = tpu.sem_alloc : memref<!tpu.dma_semaphore, #tpu.memory_space<semaphore_mem>>
      %dma_start3A_215 = tpu.memref_slice %arg3[%add3A_91] : memref<153600xi32, #tpu.memory_space<hbm>> -> memref<400xi32, #tpu.memory_space<hbm>>
      %dma_start3A_216 = tpu.memref_slice %arg3[%add3A_91] : memref<153600xi32, #tpu.memory_space<hbm>> -> memref<400xi32, #tpu.memory_space<hbm>>
      tpu.enqueue_dma source(%dma_start3A_216 : memref<400xi32, #tpu.memory_space<hbm>>) target(%arg5 : memref<400xi32, #tpu.memory_space<vmem>>) target_semaphore(%run_scoped3A : memref<!tpu.dma_semaphore, #tpu.memory_space<semaphore_mem>>)
      %dma_wait3A_217 = tpu.memref_slice %arg3[%add3A_91] : memref<153600xi32, #tpu.memory_space<hbm>> -> memref<400xi32, #tpu.memory_space<hbm>>
      %dma_wait3A_218 = tpu.memref_slice %arg3[%add3A_91] : memref<153600xi32, #tpu.memory_space<hbm>> -> memref<400xi32, #tpu.memory_space<hbm>>
      tpu.wait_dma2 semaphore(%run_scoped3A : memref<!tpu.dma_semaphore, #tpu.memory_space<semaphore_mem>>) src(%dma_wait3A_218 : memref<400xi32, #tpu.memory_space<hbm>>) dst(%arg5 : memref<400xi32, #tpu.memory_space<vmem>>)
      tpu.yield
    }) : () -> ()
    %dma_wait3A_92 = arith.constant 0 : i32
    %dma_wait3A_93 = tpu.memref_slice %arg4[%mul3A_2, %dma_wait3A_92] : memref<153600x128xf32, #tpu.memory_space<hbm>> -> memref<400x128xf32, #tpu.memory_space<hbm>>
    %dma_wait3A_94 = arith.constant 0 : i32
    %dma_wait3A_95 = tpu.memref_slice %arg4[%mul3A_2, %dma_wait3A_94] : memref<153600x128xf32, #tpu.memory_space<hbm>> -> memref<400x128xf32, #tpu.memory_space<hbm>>
    tpu.wait_dma2 semaphore(%arg10 : memref<!tpu.dma_semaphore, #tpu.memory_space<semaphore_mem>>) src(%arg7 : memref<400x128xf32, #tpu.memory_space<vmem>>) dst(%dma_wait3A_95 : memref<400x128xf32, #tpu.memory_space<hbm>>)
    %dma_start3A_96 = arith.constant 0 : i32
    %dma_start3A_97 = arith.constant 0 : i32
    %dma_start3A_98 = tpu.memref_slice %arg2[%dma_start3A_96, %dma_start3A_97] : memref<10000x128xf32, #tpu.memory_space<hbm>> -> memref<10000x128xf32, #tpu.memory_space<hbm>>
    tpu.enqueue_indirect_dma source(%dma_start3A_98 : memref<10000x128xf32, #tpu.memory_space<hbm>>) target(%arg7 : memref<400x128xf32, #tpu.memory_space<vmem>>) offsets(%arg5 : memref<400xi32, #tpu.memory_space<vmem>>) semaphore(%arg9 : memref<!tpu.dma_semaphore, #tpu.memory_space<semaphore_mem>>)
    %dma_wait3A_99 = arith.constant 0 : i32
    %dma_wait3A_100 = arith.constant 0 : i32
    %dma_wait3A_101 = tpu.memref_slice %arg2[%dma_wait3A_99, %dma_wait3A_100] : memref<10000x128xf32, #tpu.memory_space<hbm>> -> memref<10000x128xf32, #tpu.memory_space<hbm>>
    tpu.wait_indirect_dma semaphore(%arg9 : memref<!tpu.dma_semaphore, #tpu.memory_space<semaphore_mem>>) src(%dma_wait3A_101 : memref<10000x128xf32, #tpu.memory_space<hbm>>) dst(%arg8 : memref<400x128xf32, #tpu.memory_space<vmem>>)
    %add3A_102 = arith.constant 2000 : i32
    %add3A_103 = arith.addi %mul3A_2, %add3A_102 : i32
    %dma_start3A_104 = arith.constant 0 : i32
    %dma_start3A_105 = tpu.memref_slice %arg4[%add3A_103, %dma_start3A_104] : memref<153600x128xf32, #tpu.memory_space<hbm>> -> memref<400x128xf32, #tpu.memory_space<hbm>>
    %dma_start3A_106 = arith.constant 0 : i32
    %dma_start3A_107 = tpu.memref_slice %arg4[%add3A_103, %dma_start3A_106] : memref<153600x128xf32, #tpu.memory_space<hbm>> -> memref<400x128xf32, #tpu.memory_space<hbm>>
    tpu.enqueue_dma source(%arg8 : memref<400x128xf32, #tpu.memory_space<vmem>>) target(%dma_start3A_107 : memref<400x128xf32, #tpu.memory_space<hbm>>) target_semaphore(%arg10 : memref<!tpu.dma_semaphore, #tpu.memory_space<semaphore_mem>>)
    %add3A_108 = arith.constant 2800 : i32
    %add3A_109 = arith.addi %mul3A_2, %add3A_108 : i32
    "tpu.region"() ({
      %run_scoped3A = tpu.sem_alloc : memref<!tpu.dma_semaphore, #tpu.memory_space<semaphore_mem>>
      %dma_start3A_215 = tpu.memref_slice %arg3[%add3A_109] : memref<153600xi32, #tpu.memory_space<hbm>> -> memref<400xi32, #tpu.memory_space<hbm>>
      %dma_start3A_216 = tpu.memref_slice %arg3[%add3A_109] : memref<153600xi32, #tpu.memory_space<hbm>> -> memref<400xi32, #tpu.memory_space<hbm>>
      tpu.enqueue_dma source(%dma_start3A_216 : memref<400xi32, #tpu.memory_space<hbm>>) target(%arg6 : memref<400xi32, #tpu.memory_space<vmem>>) target_semaphore(%run_scoped3A : memref<!tpu.dma_semaphore, #tpu.memory_space<semaphore_mem>>)
      %dma_wait3A_217 = tpu.memref_slice %arg3[%add3A_109] : memref<153600xi32, #tpu.memory_space<hbm>> -> memref<400xi32, #tpu.memory_space<hbm>>
      %dma_wait3A_218 = tpu.memref_slice %arg3[%add3A_109] : memref<153600xi32, #tpu.memory_space<hbm>> -> memref<400xi32, #tpu.memory_space<hbm>>
      tpu.wait_dma2 semaphore(%run_scoped3A : memref<!tpu.dma_semaphore, #tpu.memory_space<semaphore_mem>>) src(%dma_wait3A_218 : memref<400xi32, #tpu.memory_space<hbm>>) dst(%arg6 : memref<400xi32, #tpu.memory_space<vmem>>)
      tpu.yield
    }) : () -> ()
    %dma_wait3A_110 = arith.constant 0 : i32
    %dma_wait3A_111 = tpu.memref_slice %arg4[%mul3A_2, %dma_wait3A_110] : memref<153600x128xf32, #tpu.memory_space<hbm>> -> memref<400x128xf32, #tpu.memory_space<hbm>>
    %dma_wait3A_112 = arith.constant 0 : i32
    %dma_wait3A_113 = tpu.memref_slice %arg4[%mul3A_2, %dma_wait3A_112] : memref<153600x128xf32, #tpu.memory_space<hbm>> -> memref<400x128xf32, #tpu.memory_space<hbm>>
    tpu.wait_dma2 semaphore(%arg10 : memref<!tpu.dma_semaphore, #tpu.memory_space<semaphore_mem>>) src(%arg8 : memref<400x128xf32, #tpu.memory_space<vmem>>) dst(%dma_wait3A_113 : memref<400x128xf32, #tpu.memory_space<hbm>>)
    %dma_start3A_114 = arith.constant 0 : i32
    %dma_start3A_115 = arith.constant 0 : i32
    %dma_start3A_116 = tpu.memref_slice %arg2[%dma_start3A_114, %dma_start3A_115] : memref<10000x128xf32, #tpu.memory_space<hbm>> -> memref<10000x128xf32, #tpu.memory_space<hbm>>
    tpu.enqueue_indirect_dma source(%dma_start3A_116 : memref<10000x128xf32, #tpu.memory_space<hbm>>) target(%arg8 : memref<400x128xf32, #tpu.memory_space<vmem>>) offsets(%arg6 : memref<400xi32, #tpu.memory_space<vmem>>) semaphore(%arg9 : memref<!tpu.dma_semaphore, #tpu.memory_space<semaphore_mem>>)
    %dma_wait3A_117 = arith.constant 0 : i32
    %dma_wait3A_118 = arith.constant 0 : i32
    %dma_wait3A_119 = tpu.memref_slice %arg2[%dma_wait3A_117, %dma_wait3A_118] : memref<10000x128xf32, #tpu.memory_space<hbm>> -> memref<10000x128xf32, #tpu.memory_space<hbm>>
    tpu.wait_indirect_dma semaphore(%arg9 : memref<!tpu.dma_semaphore, #tpu.memory_space<semaphore_mem>>) src(%dma_wait3A_119 : memref<10000x128xf32, #tpu.memory_space<hbm>>) dst(%arg7 : memref<400x128xf32, #tpu.memory_space<vmem>>)
    %add3A_120 = arith.constant 2400 : i32
    %add3A_121 = arith.addi %mul3A_2, %add3A_120 : i32
    %dma_start3A_122 = arith.constant 0 : i32
    %dma_start3A_123 = tpu.memref_slice %arg4[%add3A_121, %dma_start3A_122] : memref<153600x128xf32, #tpu.memory_space<hbm>> -> memref<400x128xf32, #tpu.memory_space<hbm>>
    %dma_start3A_124 = arith.constant 0 : i32
    %dma_start3A_125 = tpu.memref_slice %arg4[%add3A_121, %dma_start3A_124] : memref<153600x128xf32, #tpu.memory_space<hbm>> -> memref<400x128xf32, #tpu.memory_space<hbm>>
    tpu.enqueue_dma source(%arg7 : memref<400x128xf32, #tpu.memory_space<vmem>>) target(%dma_start3A_125 : memref<400x128xf32, #tpu.memory_space<hbm>>) target_semaphore(%arg10 : memref<!tpu.dma_semaphore, #tpu.memory_space<semaphore_mem>>)
    %add3A_126 = arith.constant 3200 : i32
    %add3A_127 = arith.addi %mul3A_2, %add3A_126 : i32
    "tpu.region"() ({
      %run_scoped3A = tpu.sem_alloc : memref<!tpu.dma_semaphore, #tpu.memory_space<semaphore_mem>>
      %dma_start3A_215 = tpu.memref_slice %arg3[%add3A_127] : memref<153600xi32, #tpu.memory_space<hbm>> -> memref<400xi32, #tpu.memory_space<hbm>>
      %dma_start3A_216 = tpu.memref_slice %arg3[%add3A_127] : memref<153600xi32, #tpu.memory_space<hbm>> -> memref<400xi32, #tpu.memory_space<hbm>>
      tpu.enqueue_dma source(%dma_start3A_216 : memref<400xi32, #tpu.memory_space<hbm>>) target(%arg5 : memref<400xi32, #tpu.memory_space<vmem>>) target_semaphore(%run_scoped3A : memref<!tpu.dma_semaphore, #tpu.memory_space<semaphore_mem>>)
      %dma_wait3A_217 = tpu.memref_slice %arg3[%add3A_127] : memref<153600xi32, #tpu.memory_space<hbm>> -> memref<400xi32, #tpu.memory_space<hbm>>
      %dma_wait3A_218 = tpu.memref_slice %arg3[%add3A_127] : memref<153600xi32, #tpu.memory_space<hbm>> -> memref<400xi32, #tpu.memory_space<hbm>>
      tpu.wait_dma2 semaphore(%run_scoped3A : memref<!tpu.dma_semaphore, #tpu.memory_space<semaphore_mem>>) src(%dma_wait3A_218 : memref<400xi32, #tpu.memory_space<hbm>>) dst(%arg5 : memref<400xi32, #tpu.memory_space<vmem>>)
      tpu.yield
    }) : () -> ()
    %dma_wait3A_128 = arith.constant 0 : i32
    %dma_wait3A_129 = tpu.memref_slice %arg4[%mul3A_2, %dma_wait3A_128] : memref<153600x128xf32, #tpu.memory_space<hbm>> -> memref<400x128xf32, #tpu.memory_space<hbm>>
    %dma_wait3A_130 = arith.constant 0 : i32
    %dma_wait3A_131 = tpu.memref_slice %arg4[%mul3A_2, %dma_wait3A_130] : memref<153600x128xf32, #tpu.memory_space<hbm>> -> memref<400x128xf32, #tpu.memory_space<hbm>>
    tpu.wait_dma2 semaphore(%arg10 : memref<!tpu.dma_semaphore, #tpu.memory_space<semaphore_mem>>) src(%arg7 : memref<400x128xf32, #tpu.memory_space<vmem>>) dst(%dma_wait3A_131 : memref<400x128xf32, #tpu.memory_space<hbm>>)
    %dma_start3A_132 = arith.constant 0 : i32
    %dma_start3A_133 = arith.constant 0 : i32
    %dma_start3A_134 = tpu.memref_slice %arg2[%dma_start3A_132, %dma_start3A_133] : memref<10000x128xf32, #tpu.memory_space<hbm>> -> memref<10000x128xf32, #tpu.memory_space<hbm>>
    tpu.enqueue_indirect_dma source(%dma_start3A_134 : memref<10000x128xf32, #tpu.memory_space<hbm>>) target(%arg7 : memref<400x128xf32, #tpu.memory_space<vmem>>) offsets(%arg5 : memref<400xi32, #tpu.memory_space<vmem>>) semaphore(%arg9 : memref<!tpu.dma_semaphore, #tpu.memory_space<semaphore_mem>>)
    %dma_wait3A_135 = arith.constant 0 : i32
    %dma_wait3A_136 = arith.constant 0 : i32
    %dma_wait3A_137 = tpu.memref_slice %arg2[%dma_wait3A_135, %dma_wait3A_136] : memref<10000x128xf32, #tpu.memory_space<hbm>> -> memref<10000x128xf32, #tpu.memory_space<hbm>>
    tpu.wait_indirect_dma semaphore(%arg9 : memref<!tpu.dma_semaphore, #tpu.memory_space<semaphore_mem>>) src(%dma_wait3A_137 : memref<10000x128xf32, #tpu.memory_space<hbm>>) dst(%arg8 : memref<400x128xf32, #tpu.memory_space<vmem>>)
    %add3A_138 = arith.constant 2800 : i32
    %add3A_139 = arith.addi %mul3A_2, %add3A_138 : i32
    %dma_start3A_140 = arith.constant 0 : i32
    %dma_start3A_141 = tpu.memref_slice %arg4[%add3A_139, %dma_start3A_140] : memref<153600x128xf32, #tpu.memory_space<hbm>> -> memref<400x128xf32, #tpu.memory_space<hbm>>
    %dma_start3A_142 = arith.constant 0 : i32
    %dma_start3A_143 = tpu.memref_slice %arg4[%add3A_139, %dma_start3A_142] : memref<153600x128xf32, #tpu.memory_space<hbm>> -> memref<400x128xf32, #tpu.memory_space<hbm>>
    tpu.enqueue_dma source(%arg8 : memref<400x128xf32, #tpu.memory_space<vmem>>) target(%dma_start3A_143 : memref<400x128xf32, #tpu.memory_space<hbm>>) target_semaphore(%arg10 : memref<!tpu.dma_semaphore, #tpu.memory_space<semaphore_mem>>)
    %add3A_144 = arith.constant 3600 : i32
    %add3A_145 = arith.addi %mul3A_2, %add3A_144 : i32
    "tpu.region"() ({
      %run_scoped3A = tpu.sem_alloc : memref<!tpu.dma_semaphore, #tpu.memory_space<semaphore_mem>>
      %dma_start3A_215 = tpu.memref_slice %arg3[%add3A_145] : memref<153600xi32, #tpu.memory_space<hbm>> -> memref<400xi32, #tpu.memory_space<hbm>>
      %dma_start3A_216 = tpu.memref_slice %arg3[%add3A_145] : memref<153600xi32, #tpu.memory_space<hbm>> -> memref<400xi32, #tpu.memory_space<hbm>>
      tpu.enqueue_dma source(%dma_start3A_216 : memref<400xi32, #tpu.memory_space<hbm>>) target(%arg6 : memref<400xi32, #tpu.memory_space<vmem>>) target_semaphore(%run_scoped3A : memref<!tpu.dma_semaphore, #tpu.memory_space<semaphore_mem>>)
      %dma_wait3A_217 = tpu.memref_slice %arg3[%add3A_145] : memref<153600xi32, #tpu.memory_space<hbm>> -> memref<400xi32, #tpu.memory_space<hbm>>
      %dma_wait3A_218 = tpu.memref_slice %arg3[%add3A_145] : memref<153600xi32, #tpu.memory_space<hbm>> -> memref<400xi32, #tpu.memory_space<hbm>>
      tpu.wait_dma2 semaphore(%run_scoped3A : memref<!tpu.dma_semaphore, #tpu.memory_space<semaphore_mem>>) src(%dma_wait3A_218 : memref<400xi32, #tpu.memory_space<hbm>>) dst(%arg6 : memref<400xi32, #tpu.memory_space<vmem>>)
      tpu.yield
    }) : () -> ()
    %dma_wait3A_146 = arith.constant 0 : i32
    %dma_wait3A_147 = tpu.memref_slice %arg4[%mul3A_2, %dma_wait3A_146] : memref<153600x128xf32, #tpu.memory_space<hbm>> -> memref<400x128xf32, #tpu.memory_space<hbm>>
    %dma_wait3A_148 = arith.constant 0 : i32
    %dma_wait3A_149 = tpu.memref_slice %arg4[%mul3A_2, %dma_wait3A_148] : memref<153600x128xf32, #tpu.memory_space<hbm>> -> memref<400x128xf32, #tpu.memory_space<hbm>>
    tpu.wait_dma2 semaphore(%arg10 : memref<!tpu.dma_semaphore, #tpu.memory_space<semaphore_mem>>) src(%arg8 : memref<400x128xf32, #tpu.memory_space<vmem>>) dst(%dma_wait3A_149 : memref<400x128xf32, #tpu.memory_space<hbm>>)
    %dma_start3A_150 = arith.constant 0 : i32
    %dma_start3A_151 = arith.constant 0 : i32
    %dma_start3A_152 = tpu.memref_slice %arg2[%dma_start3A_150, %dma_start3A_151] : memref<10000x128xf32, #tpu.memory_space<hbm>> -> memref<10000x128xf32, #tpu.memory_space<hbm>>
    tpu.enqueue_indirect_dma source(%dma_start3A_152 : memref<10000x128xf32, #tpu.memory_space<hbm>>) target(%arg8 : memref<400x128xf32, #tpu.memory_space<vmem>>) offsets(%arg6 : memref<400xi32, #tpu.memory_space<vmem>>) semaphore(%arg9 : memref<!tpu.dma_semaphore, #tpu.memory_space<semaphore_mem>>)
    %dma_wait3A_153 = arith.constant 0 : i32
    %dma_wait3A_154 = arith.constant 0 : i32
    %dma_wait3A_155 = tpu.memref_slice %arg2[%dma_wait3A_153, %dma_wait3A_154] : memref<10000x128xf32, #tpu.memory_space<hbm>> -> memref<10000x128xf32, #tpu.memory_space<hbm>>
    tpu.wait_indirect_dma semaphore(%arg9 : memref<!tpu.dma_semaphore, #tpu.memory_space<semaphore_mem>>) src(%dma_wait3A_155 : memref<10000x128xf32, #tpu.memory_space<hbm>>) dst(%arg7 : memref<400x128xf32, #tpu.memory_space<vmem>>)
    %add3A_156 = arith.constant 3200 : i32
    %add3A_157 = arith.addi %mul3A_2, %add3A_156 : i32
    %dma_start3A_158 = arith.constant 0 : i32
    %dma_start3A_159 = tpu.memref_slice %arg4[%add3A_157, %dma_start3A_158] : memref<153600x128xf32, #tpu.memory_space<hbm>> -> memref<400x128xf32, #tpu.memory_space<hbm>>
    %dma_start3A_160 = arith.constant 0 : i32
    %dma_start3A_161 = tpu.memref_slice %arg4[%add3A_157, %dma_start3A_160] : memref<153600x128xf32, #tpu.memory_space<hbm>> -> memref<400x128xf32, #tpu.memory_space<hbm>>
    tpu.enqueue_dma source(%arg7 : memref<400x128xf32, #tpu.memory_space<vmem>>) target(%dma_start3A_161 : memref<400x128xf32, #tpu.memory_space<hbm>>) target_semaphore(%arg10 : memref<!tpu.dma_semaphore, #tpu.memory_space<semaphore_mem>>)
    %add3A_162 = arith.constant 4000 : i32
    %add3A_163 = arith.addi %mul3A_2, %add3A_162 : i32
    "tpu.region"() ({
      %run_scoped3A = tpu.sem_alloc : memref<!tpu.dma_semaphore, #tpu.memory_space<semaphore_mem>>
      %dma_start3A_215 = tpu.memref_slice %arg3[%add3A_163] : memref<153600xi32, #tpu.memory_space<hbm>> -> memref<400xi32, #tpu.memory_space<hbm>>
      %dma_start3A_216 = tpu.memref_slice %arg3[%add3A_163] : memref<153600xi32, #tpu.memory_space<hbm>> -> memref<400xi32, #tpu.memory_space<hbm>>
      tpu.enqueue_dma source(%dma_start3A_216 : memref<400xi32, #tpu.memory_space<hbm>>) target(%arg5 : memref<400xi32, #tpu.memory_space<vmem>>) target_semaphore(%run_scoped3A : memref<!tpu.dma_semaphore, #tpu.memory_space<semaphore_mem>>)
      %dma_wait3A_217 = tpu.memref_slice %arg3[%add3A_163] : memref<153600xi32, #tpu.memory_space<hbm>> -> memref<400xi32, #tpu.memory_space<hbm>>
      %dma_wait3A_218 = tpu.memref_slice %arg3[%add3A_163] : memref<153600xi32, #tpu.memory_space<hbm>> -> memref<400xi32, #tpu.memory_space<hbm>>
      tpu.wait_dma2 semaphore(%run_scoped3A : memref<!tpu.dma_semaphore, #tpu.memory_space<semaphore_mem>>) src(%dma_wait3A_218 : memref<400xi32, #tpu.memory_space<hbm>>) dst(%arg5 : memref<400xi32, #tpu.memory_space<vmem>>)
      tpu.yield
    }) : () -> ()
    %dma_wait3A_164 = arith.constant 0 : i32
    %dma_wait3A_165 = tpu.memref_slice %arg4[%mul3A_2, %dma_wait3A_164] : memref<153600x128xf32, #tpu.memory_space<hbm>> -> memref<400x128xf32, #tpu.memory_space<hbm>>
    %dma_wait3A_166 = arith.constant 0 : i32
    %dma_wait3A_167 = tpu.memref_slice %arg4[%mul3A_2, %dma_wait3A_166] : memref<153600x128xf32, #tpu.memory_space<hbm>> -> memref<400x128xf32, #tpu.memory_space<hbm>>
    tpu.wait_dma2 semaphore(%arg10 : memref<!tpu.dma_semaphore, #tpu.memory_space<semaphore_mem>>) src(%arg7 : memref<400x128xf32, #tpu.memory_space<vmem>>) dst(%dma_wait3A_167 : memref<400x128xf32, #tpu.memory_space<hbm>>)
    %dma_start3A_168 = arith.constant 0 : i32
    %dma_start3A_169 = arith.constant 0 : i32
    %dma_start3A_170 = tpu.memref_slice %arg2[%dma_start3A_168, %dma_start3A_169] : memref<10000x128xf32, #tpu.memory_space<hbm>> -> memref<10000x128xf32, #tpu.memory_space<hbm>>
    tpu.enqueue_indirect_dma source(%dma_start3A_170 : memref<10000x128xf32, #tpu.memory_space<hbm>>) target(%arg7 : memref<400x128xf32, #tpu.memory_space<vmem>>) offsets(%arg5 : memref<400xi32, #tpu.memory_space<vmem>>) semaphore(%arg9 : memref<!tpu.dma_semaphore, #tpu.memory_space<semaphore_mem>>)
    %dma_wait3A_171 = arith.constant 0 : i32
    %dma_wait3A_172 = arith.constant 0 : i32
    %dma_wait3A_173 = tpu.memref_slice %arg2[%dma_wait3A_171, %dma_wait3A_172] : memref<10000x128xf32, #tpu.memory_space<hbm>> -> memref<10000x128xf32, #tpu.memory_space<hbm>>
    tpu.wait_indirect_dma semaphore(%arg9 : memref<!tpu.dma_semaphore, #tpu.memory_space<semaphore_mem>>) src(%dma_wait3A_173 : memref<10000x128xf32, #tpu.memory_space<hbm>>) dst(%arg8 : memref<400x128xf32, #tpu.memory_space<vmem>>)
    %add3A_174 = arith.constant 3600 : i32
    %add3A_175 = arith.addi %mul3A_2, %add3A_174 : i32
    %dma_start3A_176 = arith.constant 0 : i32
    %dma_start3A_177 = tpu.memref_slice %arg4[%add3A_175, %dma_start3A_176] : memref<153600x128xf32, #tpu.memory_space<hbm>> -> memref<400x128xf32, #tpu.memory_space<hbm>>
    %dma_start3A_178 = arith.constant 0 : i32
    %dma_start3A_179 = tpu.memref_slice %arg4[%add3A_175, %dma_start3A_178] : memref<153600x128xf32, #tpu.memory_space<hbm>> -> memref<400x128xf32, #tpu.memory_space<hbm>>
    tpu.enqueue_dma source(%arg8 : memref<400x128xf32, #tpu.memory_space<vmem>>) target(%dma_start3A_179 : memref<400x128xf32, #tpu.memory_space<hbm>>) target_semaphore(%arg10 : memref<!tpu.dma_semaphore, #tpu.memory_space<semaphore_mem>>)
    %add3A_180 = arith.constant 4400 : i32
    %add3A_181 = arith.addi %mul3A_2, %add3A_180 : i32
    "tpu.region"() ({
      %run_scoped3A = tpu.sem_alloc : memref<!tpu.dma_semaphore, #tpu.memory_space<semaphore_mem>>
      %dma_start3A_215 = tpu.memref_slice %arg3[%add3A_181] : memref<153600xi32, #tpu.memory_space<hbm>> -> memref<400xi32, #tpu.memory_space<hbm>>
      %dma_start3A_216 = tpu.memref_slice %arg3[%add3A_181] : memref<153600xi32, #tpu.memory_space<hbm>> -> memref<400xi32, #tpu.memory_space<hbm>>
      tpu.enqueue_dma source(%dma_start3A_216 : memref<400xi32, #tpu.memory_space<hbm>>) target(%arg6 : memref<400xi32, #tpu.memory_space<vmem>>) target_semaphore(%run_scoped3A : memref<!tpu.dma_semaphore, #tpu.memory_space<semaphore_mem>>)
      %dma_wait3A_217 = tpu.memref_slice %arg3[%add3A_181] : memref<153600xi32, #tpu.memory_space<hbm>> -> memref<400xi32, #tpu.memory_space<hbm>>
      %dma_wait3A_218 = tpu.memref_slice %arg3[%add3A_181] : memref<153600xi32, #tpu.memory_space<hbm>> -> memref<400xi32, #tpu.memory_space<hbm>>
      tpu.wait_dma2 semaphore(%run_scoped3A : memref<!tpu.dma_semaphore, #tpu.memory_space<semaphore_mem>>) src(%dma_wait3A_218 : memref<400xi32, #tpu.memory_space<hbm>>) dst(%arg6 : memref<400xi32, #tpu.memory_space<vmem>>)
      tpu.yield
    }) : () -> ()
    %dma_wait3A_182 = arith.constant 0 : i32
    %dma_wait3A_183 = tpu.memref_slice %arg4[%mul3A_2, %dma_wait3A_182] : memref<153600x128xf32, #tpu.memory_space<hbm>> -> memref<400x128xf32, #tpu.memory_space<hbm>>
    %dma_wait3A_184 = arith.constant 0 : i32
    %dma_wait3A_185 = tpu.memref_slice %arg4[%mul3A_2, %dma_wait3A_184] : memref<153600x128xf32, #tpu.memory_space<hbm>> -> memref<400x128xf32, #tpu.memory_space<hbm>>
    tpu.wait_dma2 semaphore(%arg10 : memref<!tpu.dma_semaphore, #tpu.memory_space<semaphore_mem>>) src(%arg8 : memref<400x128xf32, #tpu.memory_space<vmem>>) dst(%dma_wait3A_185 : memref<400x128xf32, #tpu.memory_space<hbm>>)
    %dma_start3A_186 = arith.constant 0 : i32
    %dma_start3A_187 = arith.constant 0 : i32
    %dma_start3A_188 = tpu.memref_slice %arg2[%dma_start3A_186, %dma_start3A_187] : memref<10000x128xf32, #tpu.memory_space<hbm>> -> memref<10000x128xf32, #tpu.memory_space<hbm>>
    tpu.enqueue_indirect_dma source(%dma_start3A_188 : memref<10000x128xf32, #tpu.memory_space<hbm>>) target(%arg8 : memref<400x128xf32, #tpu.memory_space<vmem>>) offsets(%arg6 : memref<400xi32, #tpu.memory_space<vmem>>) semaphore(%arg9 : memref<!tpu.dma_semaphore, #tpu.memory_space<semaphore_mem>>)
    %dma_wait3A_189 = arith.constant 0 : i32
    %dma_wait3A_190 = arith.constant 0 : i32
    %dma_wait3A_191 = tpu.memref_slice %arg2[%dma_wait3A_189, %dma_wait3A_190] : memref<10000x128xf32, #tpu.memory_space<hbm>> -> memref<10000x128xf32, #tpu.memory_space<hbm>>
    tpu.wait_indirect_dma semaphore(%arg9 : memref<!tpu.dma_semaphore, #tpu.memory_space<semaphore_mem>>) src(%dma_wait3A_191 : memref<10000x128xf32, #tpu.memory_space<hbm>>) dst(%arg7 : memref<400x128xf32, #tpu.memory_space<vmem>>)
    %add3A_192 = arith.constant 4000 : i32
    %add3A_193 = arith.addi %mul3A_2, %add3A_192 : i32
    %dma_start3A_194 = arith.constant 0 : i32
    %dma_start3A_195 = tpu.memref_slice %arg4[%add3A_193, %dma_start3A_194] : memref<153600x128xf32, #tpu.memory_space<hbm>> -> memref<400x128xf32, #tpu.memory_space<hbm>>
    %dma_start3A_196 = arith.constant 0 : i32
    %dma_start3A_197 = tpu.memref_slice %arg4[%add3A_193, %dma_start3A_196] : memref<153600x128xf32, #tpu.memory_space<hbm>> -> memref<400x128xf32, #tpu.memory_space<hbm>>
    tpu.enqueue_dma source(%arg7 : memref<400x128xf32, #tpu.memory_space<vmem>>) target(%dma_start3A_197 : memref<400x128xf32, #tpu.memory_space<hbm>>) target_semaphore(%arg10 : memref<!tpu.dma_semaphore, #tpu.memory_space<semaphore_mem>>)
    %dma_wait3A_198 = arith.constant 0 : i32
    %dma_wait3A_199 = arith.constant 0 : i32
    %dma_wait3A_200 = tpu.memref_slice %arg2[%dma_wait3A_198, %dma_wait3A_199] : memref<10000x128xf32, #tpu.memory_space<hbm>> -> memref<10000x128xf32, #tpu.memory_space<hbm>>
    tpu.wait_indirect_dma semaphore(%arg9 : memref<!tpu.dma_semaphore, #tpu.memory_space<semaphore_mem>>) src(%dma_wait3A_200 : memref<10000x128xf32, #tpu.memory_space<hbm>>) dst(%arg8 : memref<400x128xf32, #tpu.memory_space<vmem>>)
    %add3A_201 = arith.constant 4400 : i32
    %add3A_202 = arith.addi %mul3A_2, %add3A_201 : i32
    %dma_start3A_203 = arith.constant 0 : i32
    %dma_start3A_204 = tpu.memref_slice %arg4[%add3A_202, %dma_start3A_203] : memref<153600x128xf32, #tpu.memory_space<hbm>> -> memref<400x128xf32, #tpu.memory_space<hbm>>
    %dma_start3A_205 = arith.constant 0 : i32
    %dma_start3A_206 = tpu.memref_slice %arg4[%add3A_202, %dma_start3A_205] : memref<153600x128xf32, #tpu.memory_space<hbm>> -> memref<400x128xf32, #tpu.memory_space<hbm>>
    tpu.enqueue_dma source(%arg8 : memref<400x128xf32, #tpu.memory_space<vmem>>) target(%dma_start3A_206 : memref<400x128xf32, #tpu.memory_space<hbm>>) target_semaphore(%arg10 : memref<!tpu.dma_semaphore, #tpu.memory_space<semaphore_mem>>)
    %dma_wait3A_207 = arith.constant 0 : i32
    %dma_wait3A_208 = tpu.memref_slice %arg4[%mul3A_2, %dma_wait3A_207] : memref<153600x128xf32, #tpu.memory_space<hbm>> -> memref<400x128xf32, #tpu.memory_space<hbm>>
    %dma_wait3A_209 = arith.constant 0 : i32
    %dma_wait3A_210 = tpu.memref_slice %arg4[%mul3A_2, %dma_wait3A_209] : memref<153600x128xf32, #tpu.memory_space<hbm>> -> memref<400x128xf32, #tpu.memory_space<hbm>>
    tpu.wait_dma2 semaphore(%arg10 : memref<!tpu.dma_semaphore, #tpu.memory_space<semaphore_mem>>) src(%arg7 : memref<400x128xf32, #tpu.memory_space<vmem>>) dst(%dma_wait3A_210 : memref<400x128xf32, #tpu.memory_space<hbm>>)
    %dma_wait3A_211 = arith.constant 0 : i32
    %dma_wait3A_212 = tpu.memref_slice %arg4[%mul3A_2, %dma_wait3A_211] : memref<153600x128xf32, #tpu.memory_space<hbm>> -> memref<400x128xf32, #tpu.memory_space<hbm>>
    %dma_wait3A_213 = arith.constant 0 : i32
    %dma_wait3A_214 = tpu.memref_slice %arg4[%mul3A_2, %dma_wait3A_213] : memref<153600x128xf32, #tpu.memory_space<hbm>> -> memref<400x128xf32, #tpu.memory_space<hbm>>
    tpu.wait_dma2 semaphore(%arg10 : memref<!tpu.dma_semaphore, #tpu.memory_space<semaphore_mem>>) src(%arg8 : memref<400x128xf32, #tpu.memory_space<vmem>>) dst(%dma_wait3A_214 : memref<400x128xf32, #tpu.memory_space<hbm>>)
    return
  }
}

module attributes {stable_mosaic.version = 14 : i64} {
  func.func @body(%arg0: i32, %arg1: memref<400x128xf32, #tpu.memory_space<vmem>>, %arg2: memref<12800x128xf32, #tpu.memory_space<vmem>>, %arg3: memref<400x32x16xbf16, #tpu.memory_space<vmem>>, %arg4: memref<272x256xbf16, #tpu.memory_space<vmem>>, %arg5: memref<2x256xf32, #tpu.memory_space<vmem>>, %arg6: memref<1x256xf32, #tpu.memory_space<vmem>>, %arg7: memref<1x256xf32, #tpu.memory_space<vmem>>) attributes {dimension_semantics = [#tpu.dimension_semantics<arbitrary>], iteration_bounds = array<i64: 12>, scalar_prefetch = 0 : i64, scratch_operands = 2 : i64, tpu.core_type = #tpu.core_type<tc>, window_params = [{transform_indices = @transform_0, window_bounds = array<i64: 400, 128>}, {transform_indices = @transform_1, window_bounds = array<i64: 12800, 128>}, {transform_indices = @transform_2, window_bounds = array<i64: 400, 32, 16>}, {pipeline_mode = #tpu.pipeline_mode<synchronous>, transform_indices = @transform_3, window_bounds = array<i64: 272, 256>}, {pipeline_mode = #tpu.pipeline_mode<synchronous>, transform_indices = @transform_4, window_bounds = array<i64: 2, 256>}]} {
    %eq3A = arith.constant 0 : i32
    %eq3A_0 = arith.cmpi eq, %arg0, %eq3A : i32
    %convert_element_type3A = arith.extui %eq3A_0 : i1 to i32
    %cond3A = arith.constant 0 : i32
    %cond3A_1 = arith.cmpi ne, %convert_element_type3A, %cond3A : i32
    scf.if %cond3A_1 {
      %broadcast_in_dim3A_45 = arith.constant 0.000000e+00 : f32
      %broadcast_in_dim3A_46 = vector.broadcast %broadcast_in_dim3A_45 : f32 to vector<1x256xf32>
      %swap3A_47 = arith.constant 0 : index
      %swap3A_48 = arith.constant 0 : index
      %swap3A_49 = vector.load %arg6[%swap3A_47, %swap3A_48] : memref<1x256xf32, #tpu.memory_space<vmem>>, vector<1x256xf32>
      tpu.vector_store %arg6[%swap3A_47, %swap3A_48], %broadcast_in_dim3A_46 {strides = array<i32>} : memref<1x256xf32, #tpu.memory_space<vmem>>, vector<1x256xf32>,
      %broadcast_in_dim3A_50 = arith.constant 0.000000e+00 : f32
      %broadcast_in_dim3A_51 = vector.broadcast %broadcast_in_dim3A_50 : f32 to vector<1x256xf32>
      %swap3A_52 = arith.constant 0 : index
      %swap3A_53 = arith.constant 0 : index
      %swap3A_54 = vector.load %arg7[%swap3A_52, %swap3A_53] : memref<1x256xf32, #tpu.memory_space<vmem>>, vector<1x256xf32>
      tpu.vector_store %arg7[%swap3A_52, %swap3A_53], %broadcast_in_dim3A_51 {strides = array<i32>} : memref<1x256xf32, #tpu.memory_space<vmem>>, vector<1x256xf32>,
    } else {
    }
    %get3A = arith.constant 0 : index
    %get3A_2 = arith.constant 0 : index
    %get3A_3 = vector.load %arg1[%get3A, %get3A_2] : memref<400x128xf32, #tpu.memory_space<vmem>>, vector<400x128xf32>
    %convert_element_type3A_4 = arith.truncf %get3A_3 : vector<400x128xf32> to vector<400x128xbf16>
    %broadcast_in_dim3A = vector.shape_cast %convert_element_type3A_4 : vector<400x128xbf16> to vector<400x1x128xbf16>
    %broadcast_in_dim3A_5 = vector.shape_cast %broadcast_in_dim3A : vector<400x1x128xbf16> to vector<400x1x128xbf16>
    %broadcast_in_dim3A_6 = vector.broadcast %broadcast_in_dim3A_5 : vector<400x1x128xbf16> to vector<400x32x128xbf16>
    %reshape3A = vector.shape_cast %broadcast_in_dim3A_6 : vector<400x32x128xbf16> to vector<12800x128xbf16>
    %get3A_7 = arith.constant 0 : index
    %get3A_8 = arith.constant 0 : index
    %get3A_9 = vector.load %arg2[%get3A_7, %get3A_8] : memref<12800x128xf32, #tpu.memory_space<vmem>>, vector<12800x128xf32>
    %convert_element_type3A_10 = arith.truncf %get3A_9 : vector<12800x128xf32> to vector<12800x128xbf16>
    %get3A_11 = arith.constant 0 : index
    %get3A_12 = arith.constant 0 : index
    %get3A_13 = arith.constant 0 : index
    %get3A_14 = vector.load %arg3[%get3A_11, %get3A_12, %get3A_13] : memref<400x32x16xbf16, #tpu.memory_space<vmem>>, vector<400x32x16xbf16>
    %reshape3A_15 = vector.shape_cast %get3A_14 : vector<400x32x16xbf16> to vector<12800x16xbf16>
    %concatenate3A = tpu.concatenate %reshape3A, %convert_element_type3A_10, %reshape3A_15 in 1 : vector<12800x128xbf16>, vector<12800x128xbf16>, vector<12800x16xbf16> -> vector<12800x272xbf16>
    %get3A_16 = arith.constant 0 : index
    %get3A_17 = arith.constant 0 : index
    %get3A_18 = vector.load %arg4[%get3A_16, %get3A_17] : memref<272x256xbf16, #tpu.memory_space<vmem>>, vector<272x256xbf16>
    %dot_general3A = arith.constant dense<0.000000e+00> : vector<12800x256xf32>
    %dot_general3A_19 = tpu.matmul %concatenate3A, %get3A_18, %dot_general3A {dimension_numbers = #tpu.dot_dimension_numbers<[1], [0], [0], [1], [0, 0, 1, 1], [], []>, transpose_lhs_hint = false} : vector<12800x272xbf16>, vector<272x256xbf16>, vector<12800x256xf32> -> vector<12800x256xf32>
    %convert_element_type3A_20 = arith.truncf %dot_general3A_19 : vector<12800x256xf32> to vector<12800x256xbf16>
    %broadcast_in_dim3A_21 = arith.constant 1.000000e+00 : bf16
    %broadcast_in_dim3A_22 = vector.broadcast %broadcast_in_dim3A_21 : bf16 to vector<8x12800xbf16>
    %get3A_23 = arith.constant 0 : index
    %get3A_24 = arith.constant 0 : index
    %get3A_25 = vector.load %arg6[%get3A_23, %get3A_24] : memref<1x256xf32, #tpu.memory_space<vmem>>, vector<1x256xf32>
    %dot_general3A_26 = arith.constant dense<0.000000e+00> : vector<8x256xf32>
    %dot_general3A_27 = tpu.matmul %broadcast_in_dim3A_22, %convert_element_type3A_20, %dot_general3A_26 {dimension_numbers = #tpu.dot_dimension_numbers<[1], [0], [0], [1], [0, 0, 1, 1], [], []>, transpose_lhs_hint = false} : vector<8x12800xbf16>, vector<12800x256xbf16>, vector<8x256xf32> -> vector<8x256xf32>
    %slice3A = vector.extract_strided_slice %dot_general3A_27 {offsets = [0, 0], sizes = [1, 256], strides = [1, 1]} : vector<8x256xf32> to vector<1x256xf32>
    %add3A = arith.addf %get3A_25, %slice3A : vector<1x256xf32>
    %swap3A = arith.constant 0 : index
    %swap3A_28 = arith.constant 0 : index
    %swap3A_29 = vector.load %arg6[%swap3A, %swap3A_28] : memref<1x256xf32, #tpu.memory_space<vmem>>, vector<1x256xf32>
    tpu.vector_store %arg6[%swap3A, %swap3A_28], %add3A {strides = array<i32>} : memref<1x256xf32, #tpu.memory_space<vmem>>, vector<1x256xf32>,
    %get3A_30 = arith.constant 0 : index
    %get3A_31 = arith.constant 0 : index
    %get3A_32 = vector.load %arg7[%get3A_30, %get3A_31] : memref<1x256xf32, #tpu.memory_space<vmem>>, vector<1x256xf32>
    %mul3A = arith.mulf %convert_element_type3A_20, %convert_element_type3A_20 : vector<12800x256xbf16>
    %dot_general3A_33 = arith.constant dense<0.000000e+00> : vector<8x256xf32>
    %dot_general3A_34 = tpu.matmul %broadcast_in_dim3A_22, %mul3A, %dot_general3A_33 {dimension_numbers = #tpu.dot_dimension_numbers<[1], [0], [0], [1], [0, 0, 1, 1], [], []>, transpose_lhs_hint = false} : vector<8x12800xbf16>, vector<12800x256xbf16>, vector<8x256xf32> -> vector<8x256xf32>
    %slice3A_35 = vector.extract_strided_slice %dot_general3A_34 {offsets = [0, 0], sizes = [1, 256], strides = [1, 1]} : vector<8x256xf32> to vector<1x256xf32>
    %add3A_36 = arith.addf %get3A_32, %slice3A_35 : vector<1x256xf32>
    %swap3A_37 = arith.constant 0 : index
    %swap3A_38 = arith.constant 0 : index
    %swap3A_39 = vector.load %arg7[%swap3A_37, %swap3A_38] : memref<1x256xf32, #tpu.memory_space<vmem>>, vector<1x256xf32>
    tpu.vector_store %arg7[%swap3A_37, %swap3A_38], %add3A_36 {strides = array<i32>} : memref<1x256xf32, #tpu.memory_space<vmem>>, vector<1x256xf32>,
    %eq3A_40 = arith.constant 11 : i32
    %eq3A_41 = arith.cmpi eq, %arg0, %eq3A_40 : i32
    %convert_element_type3A_42 = arith.extui %eq3A_41 : i1 to i32
    %cond3A_43 = arith.constant 0 : i32
    %cond3A_44 = arith.cmpi ne, %convert_element_type3A_42, %cond3A_43 : i32
    scf.if %cond3A_44 {
      %get3A_45 = arith.constant 0 : index
      %get3A_46 = arith.constant 0 : index
      %get3A_47 = vector.load %arg6[%get3A_45, %get3A_46] : memref<1x256xf32, #tpu.memory_space<vmem>>, vector<1x256xf32>
      %swap3A_48 = arith.constant 0 : index
      %swap3A_49 = arith.constant 0 : index
      %swap3A_50 = vector.load %arg5[%swap3A_48, %swap3A_49] : memref<2x256xf32, #tpu.memory_space<vmem>>, vector<1x256xf32>
      tpu.vector_store %arg5[%swap3A_48, %swap3A_49], %get3A_47 {strides = array<i32>} : memref<2x256xf32, #tpu.memory_space<vmem>>, vector<1x256xf32>,
      %get3A_51 = arith.constant 0 : index
      %get3A_52 = arith.constant 0 : index
      %get3A_53 = vector.load %arg7[%get3A_51, %get3A_52] : memref<1x256xf32, #tpu.memory_space<vmem>>, vector<1x256xf32>
      %swap3A_54 = arith.constant 1 : index
      %swap3A_55 = arith.constant 0 : index
      %swap3A_56 = vector.load %arg5[%swap3A_54, %swap3A_55] : memref<2x256xf32, #tpu.memory_space<vmem>>, vector<1x256xf32>
      tpu.vector_store %arg5[%swap3A_54, %swap3A_55], %get3A_53 {strides = array<i32>} : memref<2x256xf32, #tpu.memory_space<vmem>>, vector<1x256xf32>,
    } else {
    }
    return
  }
  func.func @transform_0(%arg0: i32) -> (i32, i32) {
    %add3A = arith.constant 13 : i32
    %add3A_0 = arith.addi %add3A, %arg0 : i32
    %c0_i32 = arith.constant 0 : i32
    %c0_i32_1 = arith.constant 0 : i32
    return %add3A_0, %c0_i32 : i32, i32
  }
  func.func @transform_1(%arg0: i32) -> (i32, i32) {
    %c0_i32 = arith.constant 0 : i32
    %c0_i32_0 = arith.constant 0 : i32
    return %arg0, %c0_i32 : i32, i32
  }
  func.func @transform_2(%arg0: i32) -> (i32, i32, i32) {
    %add3A = arith.constant 13 : i32
    %add3A_0 = arith.addi %add3A, %arg0 : i32
    %c0_i32 = arith.constant 0 : i32
    %c0_i32_1 = arith.constant 0 : i32
    %c0_i32_2 = arith.constant 0 : i32
    return %add3A_0, %c0_i32, %c0_i32_1 : i32, i32, i32
  }
  func.func @transform_3(%arg0: i32) -> (i32, i32) {
    %c0_i32 = arith.constant 0 : i32
    %c0_i32_0 = arith.constant 0 : i32
    %c0_i32_1 = arith.constant 0 : i32
    return %c0_i32, %c0_i32_0 : i32, i32
  }
  func.func @transform_4(%arg0: i32) -> (i32, i32) {
    %c0_i32 = arith.constant 0 : i32
    %c0_i32_0 = arith.constant 0 : i32
    %c0_i32_1 = arith.constant 0 : i32
    return %c0_i32, %c0_i32_0 : i32, i32
  }
}

module attributes {stable_mosaic.version = 14 : i64} {
  func.func @body(%arg0: i32, %arg1: memref<400x128xf32, #tpu.memory_space<vmem>>, %arg2: memref<12800x128xf32, #tpu.memory_space<vmem>>, %arg3: memref<400x32x16xbf16, #tpu.memory_space<vmem>>, %arg4: memref<272x256xbf16, #tpu.memory_space<vmem>>, %arg5: memref<2x256xf32, #tpu.memory_space<vmem>>, %arg6: memref<1x256xf32, #tpu.memory_space<vmem>>, %arg7: memref<1x256xf32, #tpu.memory_space<vmem>>) attributes {dimension_semantics = [#tpu.dimension_semantics<arbitrary>], iteration_bounds = array<i64: 13>, scalar_prefetch = 0 : i64, scratch_operands = 2 : i64, tpu.core_type = #tpu.core_type<tc>, window_params = [{transform_indices = @transform_0, window_bounds = array<i64: 400, 128>}, {transform_indices = @transform_1, window_bounds = array<i64: 12800, 128>}, {transform_indices = @transform_2, window_bounds = array<i64: 400, 32, 16>}, {pipeline_mode = #tpu.pipeline_mode<synchronous>, transform_indices = @transform_3, window_bounds = array<i64: 272, 256>}, {pipeline_mode = #tpu.pipeline_mode<synchronous>, transform_indices = @transform_4, window_bounds = array<i64: 2, 256>}]} {
    %eq3A = arith.constant 0 : i32
    %eq3A_0 = arith.cmpi eq, %arg0, %eq3A : i32
    %convert_element_type3A = arith.extui %eq3A_0 : i1 to i32
    %cond3A = arith.constant 0 : i32
    %cond3A_1 = arith.cmpi ne, %convert_element_type3A, %cond3A : i32
    scf.if %cond3A_1 {
      %broadcast_in_dim3A_45 = arith.constant 0.000000e+00 : f32
      %broadcast_in_dim3A_46 = vector.broadcast %broadcast_in_dim3A_45 : f32 to vector<1x256xf32>
      %swap3A_47 = arith.constant 0 : index
      %swap3A_48 = arith.constant 0 : index
      %swap3A_49 = vector.load %arg6[%swap3A_47, %swap3A_48] : memref<1x256xf32, #tpu.memory_space<vmem>>, vector<1x256xf32>
      tpu.vector_store %arg6[%swap3A_47, %swap3A_48], %broadcast_in_dim3A_46 {strides = array<i32>} : memref<1x256xf32, #tpu.memory_space<vmem>>, vector<1x256xf32>,
      %broadcast_in_dim3A_50 = arith.constant 0.000000e+00 : f32
      %broadcast_in_dim3A_51 = vector.broadcast %broadcast_in_dim3A_50 : f32 to vector<1x256xf32>
      %swap3A_52 = arith.constant 0 : index
      %swap3A_53 = arith.constant 0 : index
      %swap3A_54 = vector.load %arg7[%swap3A_52, %swap3A_53] : memref<1x256xf32, #tpu.memory_space<vmem>>, vector<1x256xf32>
      tpu.vector_store %arg7[%swap3A_52, %swap3A_53], %broadcast_in_dim3A_51 {strides = array<i32>} : memref<1x256xf32, #tpu.memory_space<vmem>>, vector<1x256xf32>,
    } else {
    }
    %get3A = arith.constant 0 : index
    %get3A_2 = arith.constant 0 : index
    %get3A_3 = vector.load %arg1[%get3A, %get3A_2] : memref<400x128xf32, #tpu.memory_space<vmem>>, vector<400x128xf32>
    %convert_element_type3A_4 = arith.truncf %get3A_3 : vector<400x128xf32> to vector<400x128xbf16>
    %broadcast_in_dim3A = vector.shape_cast %convert_element_type3A_4 : vector<400x128xbf16> to vector<400x1x128xbf16>
    %broadcast_in_dim3A_5 = vector.shape_cast %broadcast_in_dim3A : vector<400x1x128xbf16> to vector<400x1x128xbf16>
    %broadcast_in_dim3A_6 = vector.broadcast %broadcast_in_dim3A_5 : vector<400x1x128xbf16> to vector<400x32x128xbf16>
    %reshape3A = vector.shape_cast %broadcast_in_dim3A_6 : vector<400x32x128xbf16> to vector<12800x128xbf16>
    %get3A_7 = arith.constant 0 : index
    %get3A_8 = arith.constant 0 : index
    %get3A_9 = vector.load %arg2[%get3A_7, %get3A_8] : memref<12800x128xf32, #tpu.memory_space<vmem>>, vector<12800x128xf32>
    %convert_element_type3A_10 = arith.truncf %get3A_9 : vector<12800x128xf32> to vector<12800x128xbf16>
    %get3A_11 = arith.constant 0 : index
    %get3A_12 = arith.constant 0 : index
    %get3A_13 = arith.constant 0 : index
    %get3A_14 = vector.load %arg3[%get3A_11, %get3A_12, %get3A_13] : memref<400x32x16xbf16, #tpu.memory_space<vmem>>, vector<400x32x16xbf16>
    %reshape3A_15 = vector.shape_cast %get3A_14 : vector<400x32x16xbf16> to vector<12800x16xbf16>
    %concatenate3A = tpu.concatenate %reshape3A, %convert_element_type3A_10, %reshape3A_15 in 1 : vector<12800x128xbf16>, vector<12800x128xbf16>, vector<12800x16xbf16> -> vector<12800x272xbf16>
    %get3A_16 = arith.constant 0 : index
    %get3A_17 = arith.constant 0 : index
    %get3A_18 = vector.load %arg4[%get3A_16, %get3A_17] : memref<272x256xbf16, #tpu.memory_space<vmem>>, vector<272x256xbf16>
    %dot_general3A = arith.constant dense<0.000000e+00> : vector<12800x256xf32>
    %dot_general3A_19 = tpu.matmul %concatenate3A, %get3A_18, %dot_general3A {dimension_numbers = #tpu.dot_dimension_numbers<[1], [0], [0], [1], [0, 0, 1, 1], [], []>, transpose_lhs_hint = false} : vector<12800x272xbf16>, vector<272x256xbf16>, vector<12800x256xf32> -> vector<12800x256xf32>
    %convert_element_type3A_20 = arith.truncf %dot_general3A_19 : vector<12800x256xf32> to vector<12800x256xbf16>
    %broadcast_in_dim3A_21 = arith.constant 1.000000e+00 : bf16
    %broadcast_in_dim3A_22 = vector.broadcast %broadcast_in_dim3A_21 : bf16 to vector<8x12800xbf16>
    %get3A_23 = arith.constant 0 : index
    %get3A_24 = arith.constant 0 : index
    %get3A_25 = vector.load %arg6[%get3A_23, %get3A_24] : memref<1x256xf32, #tpu.memory_space<vmem>>, vector<1x256xf32>
    %dot_general3A_26 = arith.constant dense<0.000000e+00> : vector<8x256xf32>
    %dot_general3A_27 = tpu.matmul %broadcast_in_dim3A_22, %convert_element_type3A_20, %dot_general3A_26 {dimension_numbers = #tpu.dot_dimension_numbers<[1], [0], [0], [1], [0, 0, 1, 1], [], []>, transpose_lhs_hint = false} : vector<8x12800xbf16>, vector<12800x256xbf16>, vector<8x256xf32> -> vector<8x256xf32>
    %slice3A = vector.extract_strided_slice %dot_general3A_27 {offsets = [0, 0], sizes = [1, 256], strides = [1, 1]} : vector<8x256xf32> to vector<1x256xf32>
    %add3A = arith.addf %get3A_25, %slice3A : vector<1x256xf32>
    %swap3A = arith.constant 0 : index
    %swap3A_28 = arith.constant 0 : index
    %swap3A_29 = vector.load %arg6[%swap3A, %swap3A_28] : memref<1x256xf32, #tpu.memory_space<vmem>>, vector<1x256xf32>
    tpu.vector_store %arg6[%swap3A, %swap3A_28], %add3A {strides = array<i32>} : memref<1x256xf32, #tpu.memory_space<vmem>>, vector<1x256xf32>,
    %get3A_30 = arith.constant 0 : index
    %get3A_31 = arith.constant 0 : index
    %get3A_32 = vector.load %arg7[%get3A_30, %get3A_31] : memref<1x256xf32, #tpu.memory_space<vmem>>, vector<1x256xf32>
    %mul3A = arith.mulf %convert_element_type3A_20, %convert_element_type3A_20 : vector<12800x256xbf16>
    %dot_general3A_33 = arith.constant dense<0.000000e+00> : vector<8x256xf32>
    %dot_general3A_34 = tpu.matmul %broadcast_in_dim3A_22, %mul3A, %dot_general3A_33 {dimension_numbers = #tpu.dot_dimension_numbers<[1], [0], [0], [1], [0, 0, 1, 1], [], []>, transpose_lhs_hint = false} : vector<8x12800xbf16>, vector<12800x256xbf16>, vector<8x256xf32> -> vector<8x256xf32>
    %slice3A_35 = vector.extract_strided_slice %dot_general3A_34 {offsets = [0, 0], sizes = [1, 256], strides = [1, 1]} : vector<8x256xf32> to vector<1x256xf32>
    %add3A_36 = arith.addf %get3A_32, %slice3A_35 : vector<1x256xf32>
    %swap3A_37 = arith.constant 0 : index
    %swap3A_38 = arith.constant 0 : index
    %swap3A_39 = vector.load %arg7[%swap3A_37, %swap3A_38] : memref<1x256xf32, #tpu.memory_space<vmem>>, vector<1x256xf32>
    tpu.vector_store %arg7[%swap3A_37, %swap3A_38], %add3A_36 {strides = array<i32>} : memref<1x256xf32, #tpu.memory_space<vmem>>, vector<1x256xf32>,
    %eq3A_40 = arith.constant 12 : i32
    %eq3A_41 = arith.cmpi eq, %arg0, %eq3A_40 : i32
    %convert_element_type3A_42 = arith.extui %eq3A_41 : i1 to i32
    %cond3A_43 = arith.constant 0 : i32
    %cond3A_44 = arith.cmpi ne, %convert_element_type3A_42, %cond3A_43 : i32
    scf.if %cond3A_44 {
      %get3A_45 = arith.constant 0 : index
      %get3A_46 = arith.constant 0 : index
      %get3A_47 = vector.load %arg6[%get3A_45, %get3A_46] : memref<1x256xf32, #tpu.memory_space<vmem>>, vector<1x256xf32>
      %swap3A_48 = arith.constant 0 : index
      %swap3A_49 = arith.constant 0 : index
      %swap3A_50 = vector.load %arg5[%swap3A_48, %swap3A_49] : memref<2x256xf32, #tpu.memory_space<vmem>>, vector<1x256xf32>
      tpu.vector_store %arg5[%swap3A_48, %swap3A_49], %get3A_47 {strides = array<i32>} : memref<2x256xf32, #tpu.memory_space<vmem>>, vector<1x256xf32>,
      %get3A_51 = arith.constant 0 : index
      %get3A_52 = arith.constant 0 : index
      %get3A_53 = vector.load %arg7[%get3A_51, %get3A_52] : memref<1x256xf32, #tpu.memory_space<vmem>>, vector<1x256xf32>
      %swap3A_54 = arith.constant 1 : index
      %swap3A_55 = arith.constant 0 : index
      %swap3A_56 = vector.load %arg5[%swap3A_54, %swap3A_55] : memref<2x256xf32, #tpu.memory_space<vmem>>, vector<1x256xf32>
      tpu.vector_store %arg5[%swap3A_54, %swap3A_55], %get3A_53 {strides = array<i32>} : memref<2x256xf32, #tpu.memory_space<vmem>>, vector<1x256xf32>,
    } else {
    }
    return
  }
  func.func @transform_0(%arg0: i32) -> (i32, i32) {
    %add3A = arith.constant 0 : i32
    %add3A_0 = arith.addi %add3A, %arg0 : i32
    %c0_i32 = arith.constant 0 : i32
    %c0_i32_1 = arith.constant 0 : i32
    return %add3A_0, %c0_i32 : i32, i32
  }
  func.func @transform_1(%arg0: i32) -> (i32, i32) {
    %c0_i32 = arith.constant 0 : i32
    %c0_i32_0 = arith.constant 0 : i32
    return %arg0, %c0_i32 : i32, i32
  }
  func.func @transform_2(%arg0: i32) -> (i32, i32, i32) {
    %add3A = arith.constant 0 : i32
    %add3A_0 = arith.addi %add3A, %arg0 : i32
    %c0_i32 = arith.constant 0 : i32
    %c0_i32_1 = arith.constant 0 : i32
    %c0_i32_2 = arith.constant 0 : i32
    return %add3A_0, %c0_i32, %c0_i32_1 : i32, i32, i32
  }
  func.func @transform_3(%arg0: i32) -> (i32, i32) {
    %c0_i32 = arith.constant 0 : i32
    %c0_i32_0 = arith.constant 0 : i32
    %c0_i32_1 = arith.constant 0 : i32
    return %c0_i32, %c0_i32_0 : i32, i32
  }
  func.func @transform_4(%arg0: i32) -> (i32, i32) {
    %c0_i32 = arith.constant 0 : i32
    %c0_i32_0 = arith.constant 0 : i32
    %c0_i32_1 = arith.constant 0 : i32
    return %c0_i32, %c0_i32_0 : i32, i32
  }
}

module attributes {stable_mosaic.version = 14 : i64} {
  func.func @body(%arg0: i32, %arg1: memref<400x128xf32, #tpu.memory_space<vmem>>, %arg2: memref<12800x128xf32, #tpu.memory_space<vmem>>, %arg3: memref<12800x128xf32, #tpu.memory_space<vmem>>, %arg4: memref<400x32x16xbf16, #tpu.memory_space<vmem>>, %arg5: memref<272x256xbf16, #tpu.memory_space<vmem>>, %arg6: memref<1x256xf32, #tpu.memory_space<vmem>>, %arg7: memref<1x256xf32, #tpu.memory_space<vmem>>, %arg8: memref<2x256xf32, #tpu.memory_space<vmem>>, %arg9: memref<2x256xf32, #tpu.memory_space<vmem>>, %arg10: memref<400x128xf32, #tpu.memory_space<vmem>>, %arg11: memref<272x256xbf16, #tpu.memory_space<vmem>>, %arg12: memref<1x256xf32, #tpu.memory_space<vmem>>) attributes {dimension_semantics = [#tpu.dimension_semantics<arbitrary>], iteration_bounds = array<i64: 25>, scalar_prefetch = 0 : i64, scratch_operands = 2 : i64, tpu.core_type = #tpu.core_type<tc>, window_params = [{transform_indices = @transform_0, window_bounds = array<i64: 400, 128>}, {transform_indices = @transform_1, window_bounds = array<i64: 12800, 128>}, {transform_indices = @transform_2, window_bounds = array<i64: 12800, 128>}, {transform_indices = @transform_3, window_bounds = array<i64: 400, 32, 16>}, {pipeline_mode = #tpu.pipeline_mode<synchronous>, transform_indices = @transform_4, window_bounds = array<i64: 272, 256>}, {pipeline_mode = #tpu.pipeline_mode<synchronous>, transform_indices = @transform_5, window_bounds = array<i64: 1, 256>}, {pipeline_mode = #tpu.pipeline_mode<synchronous>, transform_indices = @transform_6, window_bounds = array<i64: 1, 256>}, {pipeline_mode = #tpu.pipeline_mode<synchronous>, transform_indices = @transform_7, window_bounds = array<i64: 2, 256>}, {pipeline_mode = #tpu.pipeline_mode<synchronous>, transform_indices = @transform_8, window_bounds = array<i64: 2, 256>}, {transform_indices = @transform_9, window_bounds = array<i64: 400, 128>}]} {
    %eq3A = arith.constant 0 : i32
    %eq3A_0 = arith.cmpi eq, %arg0, %eq3A : i32
    %convert_element_type3A = arith.extui %eq3A_0 : i1 to i32
    %cond3A = arith.constant 0 : i32
    %cond3A_1 = arith.cmpi ne, %convert_element_type3A, %cond3A : i32
    scf.if %cond3A_1 {
      %get3A = arith.constant 0 : index
      %get3A_10 = arith.constant 0 : index
      %get3A_11 = vector.load %arg8[%get3A, %get3A_10] : memref<2x256xf32, #tpu.memory_space<vmem>>, vector<2x256xf32>
      %get3A_12 = arith.constant 0 : index
      %get3A_13 = arith.constant 0 : index
      %get3A_14 = vector.load %arg9[%get3A_12, %get3A_13] : memref<2x256xf32, #tpu.memory_space<vmem>>, vector<2x256xf32>
      %add3A = arith.addf %get3A_11, %get3A_14 : vector<2x256xf32>
      %slice3A = vector.extract_strided_slice %add3A {offsets = [0, 0], sizes = [1, 256], strides = [1, 1]} : vector<2x256xf32> to vector<1x256xf32>
      %div3A = arith.constant 3.200000e+05 : f32
      %div3A_15 = vector.broadcast %div3A : f32 to vector<1x256xf32>
      %div3A_16 = arith.divf %slice3A, %div3A_15 : vector<1x256xf32>
      %slice3A_17 = vector.extract_strided_slice %add3A {offsets = [1, 0], sizes = [1, 256], strides = [1, 1]} : vector<2x256xf32> to vector<1x256xf32>
      %div3A_18 = arith.constant 3.200000e+05 : f32
      %div3A_19 = vector.broadcast %div3A_18 : f32 to vector<1x256xf32>
      %div3A_20 = arith.divf %slice3A_17, %div3A_19 : vector<1x256xf32>
      %mul3A = arith.mulf %div3A_16, %div3A_16 : vector<1x256xf32>
      %sub3A = arith.subf %div3A_20, %mul3A : vector<1x256xf32>
      %add3A_21 = arith.constant 9.99999974E-6 : f32
      %add3A_22 = vector.broadcast %add3A_21 : f32 to vector<1x256xf32>
      %add3A_23 = arith.addf %sub3A, %add3A_22 : vector<1x256xf32>
      %rsqrt3A = math.rsqrt %add3A_23 : vector<1x256xf32>
      %get3A_24 = arith.constant 0 : index
      %get3A_25 = arith.constant 0 : index
      %get3A_26 = vector.load %arg6[%get3A_24, %get3A_25] : memref<1x256xf32, #tpu.memory_space<vmem>>, vector<1x256xf32>
      %mul3A_27 = arith.mulf %get3A_26, %rsqrt3A : vector<1x256xf32>
      %get3A_28 = arith.constant 0 : index
      %get3A_29 = arith.constant 0 : index
      %get3A_30 = vector.load %arg7[%get3A_28, %get3A_29] : memref<1x256xf32, #tpu.memory_space<vmem>>, vector<1x256xf32>
      %mul3A_31 = arith.mulf %div3A_16, %mul3A_27 : vector<1x256xf32>
      %sub3A_32 = arith.subf %get3A_30, %mul3A_31 : vector<1x256xf32>
      %swap3A = arith.constant 0 : index
      %swap3A_33 = arith.constant 0 : index
      %swap3A_34 = vector.load %arg12[%swap3A, %swap3A_33] : memref<1x256xf32, #tpu.memory_space<vmem>>, vector<1x256xf32>
      tpu.vector_store %arg12[%swap3A, %swap3A_33], %sub3A_32 {strides = array<i32>} : memref<1x256xf32, #tpu.memory_space<vmem>>, vector<1x256xf32>,
      %get3A_35 = arith.constant 0 : index
      %get3A_36 = arith.constant 0 : index
      %get3A_37 = vector.load %arg5[%get3A_35, %get3A_36] : memref<272x256xbf16, #tpu.memory_space<vmem>>, vector<272x256xbf16>
      %convert_element_type3A_38 = arith.extf %get3A_37 : vector<272x256xbf16> to vector<272x256xf32>
      %mul3A_39 = vector.broadcast %mul3A_27 : vector<1x256xf32> to vector<272x256xf32>
      %mul3A_40 = arith.mulf %convert_element_type3A_38, %mul3A_39 : vector<272x256xf32>
      %convert_element_type3A_41 = arith.truncf %mul3A_40 : vector<272x256xf32> to vector<272x256xbf16>
      %swap3A_42 = arith.constant 0 : index
      %swap3A_43 = arith.constant 0 : index
      %swap3A_44 = vector.load %arg11[%swap3A_42, %swap3A_43] : memref<272x256xbf16, #tpu.memory_space<vmem>>, vector<272x256xbf16>
      tpu.vector_store %arg11[%swap3A_42, %swap3A_43], %convert_element_type3A_41 {strides = array<i32>} : memref<272x256xbf16, #tpu.memory_space<vmem>>, vector<272x256xbf16>,
    } else {
    }
    %lt3A = arith.constant 13 : i32
    %lt3A_2 = arith.cmpi slt, %arg0, %lt3A : i32
    %convert_element_type3A_3 = arith.extui %lt3A_2 : i1 to i32
    %cond3A_4 = arith.constant 0 : i32
    %cond3A_5 = arith.cmpi ne, %convert_element_type3A_3, %cond3A_4 : i32
    scf.if %cond3A_5 {
      %get3A = arith.constant 0 : index
      %get3A_10 = arith.constant 0 : index
      %get3A_11 = vector.load %arg1[%get3A, %get3A_10] : memref<400x128xf32, #tpu.memory_space<vmem>>, vector<400x128xf32>
      %convert_element_type3A_12 = arith.truncf %get3A_11 : vector<400x128xf32> to vector<400x128xbf16>
      %broadcast_in_dim3A = vector.shape_cast %convert_element_type3A_12 : vector<400x128xbf16> to vector<400x1x128xbf16>
      %broadcast_in_dim3A_13 = vector.shape_cast %broadcast_in_dim3A : vector<400x1x128xbf16> to vector<400x1x128xbf16>
      %broadcast_in_dim3A_14 = vector.broadcast %broadcast_in_dim3A_13 : vector<400x1x128xbf16> to vector<400x32x128xbf16>
      %reshape3A = vector.shape_cast %broadcast_in_dim3A_14 : vector<400x32x128xbf16> to vector<12800x128xbf16>
      %get3A_15 = arith.constant 0 : index
      %get3A_16 = arith.constant 0 : index
      %get3A_17 = vector.load %arg2[%get3A_15, %get3A_16] : memref<12800x128xf32, #tpu.memory_space<vmem>>, vector<12800x128xf32>
      %convert_element_type3A_18 = arith.truncf %get3A_17 : vector<12800x128xf32> to vector<12800x128xbf16>
      %get3A_19 = arith.constant 0 : index
      %get3A_20 = arith.constant 0 : index
      %get3A_21 = arith.constant 0 : index
      %get3A_22 = vector.load %arg4[%get3A_19, %get3A_20, %get3A_21] : memref<400x32x16xbf16, #tpu.memory_space<vmem>>, vector<400x32x16xbf16>
      %reshape3A_23 = vector.shape_cast %get3A_22 : vector<400x32x16xbf16> to vector<12800x16xbf16>
      %concatenate3A = tpu.concatenate %reshape3A, %convert_element_type3A_18, %reshape3A_23 in 1 : vector<12800x128xbf16>, vector<12800x128xbf16>, vector<12800x16xbf16> -> vector<12800x272xbf16>
      %get3A_24 = arith.constant 0 : index
      %get3A_25 = arith.constant 0 : index
      %get3A_26 = vector.load %arg11[%get3A_24, %get3A_25] : memref<272x256xbf16, #tpu.memory_space<vmem>>, vector<272x256xbf16>
      %dot_general3A = arith.constant dense<0.000000e+00> : vector<12800x256xf32>
      %dot_general3A_27 = tpu.matmul %concatenate3A, %get3A_26, %dot_general3A {dimension_numbers = #tpu.dot_dimension_numbers<[1], [0], [0], [1], [0, 0, 1, 1], [], []>, transpose_lhs_hint = false} : vector<12800x272xbf16>, vector<272x256xbf16>, vector<12800x256xf32> -> vector<12800x256xf32>
      %get3A_28 = arith.constant 0 : index
      %get3A_29 = arith.constant 0 : index
      %get3A_30 = vector.load %arg12[%get3A_28, %get3A_29] : memref<1x256xf32, #tpu.memory_space<vmem>>, vector<1x256xf32>
      %add3A = vector.broadcast %get3A_30 : vector<1x256xf32> to vector<12800x256xf32>
      %add3A_31 = arith.addf %dot_general3A_27, %add3A : vector<12800x256xf32>
      %slice3A = vector.extract_strided_slice %add3A_31 {offsets = [0, 0], sizes = [12800, 128], strides = [1, 1]} : vector<12800x256xf32> to vector<12800x128xf32>
      %logistic3A = arith.negf %slice3A : vector<12800x128xf32>
      %logistic3A_32 = math.exp %logistic3A : vector<12800x128xf32>
      %logistic3A_33 = arith.constant 1.000000e+00 : f32
      %logistic3A_34 = vector.broadcast %logistic3A_33 : f32 to vector<12800x128xf32>
      %logistic3A_35 = arith.addf %logistic3A_34, %logistic3A_32 : vector<12800x128xf32>
      %logistic3A_36 = arith.divf %logistic3A_34, %logistic3A_35 : vector<12800x128xf32>
      %slice3A_37 = vector.extract_strided_slice %add3A_31 {offsets = [0, 128], sizes = [12800, 128], strides = [1, 1]} : vector<12800x256xf32> to vector<12800x128xf32>
      %custom_jvp_call3A = arith.constant 0.000000e+00 : f32
      %max3A = vector.broadcast %custom_jvp_call3A : f32 to vector<12800x128xf32>
      %max3A_38 = arith.maximumf %slice3A_37, %max3A : vector<12800x128xf32>
      %sub3A = vector.broadcast %custom_jvp_call3A : f32 to vector<12800x128xf32>
      %sub3A_39 = arith.subf %slice3A_37, %sub3A : vector<12800x128xf32>
      %ne3A = arith.cmpf one, %sub3A_39, %sub3A_39 : vector<12800x128xf32>
      %add3A_40 = vector.broadcast %custom_jvp_call3A : f32 to vector<12800x128xf32>
      %add3A_41 = arith.addf %slice3A_37, %add3A_40 : vector<12800x128xf32>
      %abs3A = math.absf %sub3A_39 : vector<12800x128xf32>
      %neg3A = arith.constant 0.000000e+00 : f32
      %neg3A_42 = vector.broadcast %neg3A : f32 to vector<12800x128xf32>
      %neg3A_43 = arith.subf %neg3A_42, %abs3A : vector<12800x128xf32>
      %exp3A = math.exp %neg3A_43 : vector<12800x128xf32>
      %log1p3A = math.log1p %exp3A : vector<12800x128xf32>
      %add3A_44 = arith.addf %max3A_38, %log1p3A : vector<12800x128xf32>
      %select_n3A = arith.select %ne3A, %add3A_41, %add3A_44 : vector<12800x128xi1>, vector<12800x128xf32>
      %mul3A = arith.mulf %logistic3A_36, %select_n3A : vector<12800x128xf32>
      %reshape3A_45 = vector.shape_cast %mul3A : vector<12800x128xf32> to vector<400x32x128xf32>
      %reduce_sum3A = arith.constant dense<0.000000e+00> : vector<400x128xf32>
      %reduce_sum3A_46 = vector.multi_reduction <add>, %reshape3A_45, %reduce_sum3A [1] : vector<400x32x128xf32> to vector<400x128xf32>
      %swap3A = arith.constant 0 : index
      %swap3A_47 = arith.constant 0 : index
      %swap3A_48 = vector.load %arg10[%swap3A, %swap3A_47] : memref<400x128xf32, #tpu.memory_space<vmem>>, vector<400x128xf32>
      tpu.vector_store %arg10[%swap3A, %swap3A_47], %reduce_sum3A_46 {strides = array<i32>} : memref<400x128xf32, #tpu.memory_space<vmem>>, vector<400x128xf32>,
    } else {
    }
    %ge3A = arith.constant 13 : i32
    %ge3A_6 = arith.cmpi sge, %arg0, %ge3A : i32
    %convert_element_type3A_7 = arith.extui %ge3A_6 : i1 to i32
    %cond3A_8 = arith.constant 0 : i32
    %cond3A_9 = arith.cmpi ne, %convert_element_type3A_7, %cond3A_8 : i32
    scf.if %cond3A_9 {
      %get3A = arith.constant 0 : index
      %get3A_10 = arith.constant 0 : index
      %get3A_11 = vector.load %arg1[%get3A, %get3A_10] : memref<400x128xf32, #tpu.memory_space<vmem>>, vector<400x128xf32>
      %convert_element_type3A_12 = arith.truncf %get3A_11 : vector<400x128xf32> to vector<400x128xbf16>
      %broadcast_in_dim3A = vector.shape_cast %convert_element_type3A_12 : vector<400x128xbf16> to vector<400x1x128xbf16>
      %broadcast_in_dim3A_13 = vector.shape_cast %broadcast_in_dim3A : vector<400x1x128xbf16> to vector<400x1x128xbf16>
      %broadcast_in_dim3A_14 = vector.broadcast %broadcast_in_dim3A_13 : vector<400x1x128xbf16> to vector<400x32x128xbf16>
      %reshape3A = vector.shape_cast %broadcast_in_dim3A_14 : vector<400x32x128xbf16> to vector<12800x128xbf16>
      %get3A_15 = arith.constant 0 : index
      %get3A_16 = arith.constant 0 : index
      %get3A_17 = vector.load %arg3[%get3A_15, %get3A_16] : memref<12800x128xf32, #tpu.memory_space<vmem>>, vector<12800x128xf32>
      %convert_element_type3A_18 = arith.truncf %get3A_17 : vector<12800x128xf32> to vector<12800x128xbf16>
      %get3A_19 = arith.constant 0 : index
      %get3A_20 = arith.constant 0 : index
      %get3A_21 = arith.constant 0 : index
      %get3A_22 = vector.load %arg4[%get3A_19, %get3A_20, %get3A_21] : memref<400x32x16xbf16, #tpu.memory_space<vmem>>, vector<400x32x16xbf16>
      %reshape3A_23 = vector.shape_cast %get3A_22 : vector<400x32x16xbf16> to vector<12800x16xbf16>
      %concatenate3A = tpu.concatenate %reshape3A, %convert_element_type3A_18, %reshape3A_23 in 1 : vector<12800x128xbf16>, vector<12800x128xbf16>, vector<12800x16xbf16> -> vector<12800x272xbf16>
      %get3A_24 = arith.constant 0 : index
      %get3A_25 = arith.constant 0 : index
      %get3A_26 = vector.load %arg11[%get3A_24, %get3A_25] : memref<272x256xbf16, #tpu.memory_space<vmem>>, vector<272x256xbf16>
      %dot_general3A = arith.constant dense<0.000000e+00> : vector<12800x256xf32>
      %dot_general3A_27 = tpu.matmul %concatenate3A, %get3A_26, %dot_general3A {dimension_numbers = #tpu.dot_dimension_numbers<[1], [0], [0], [1], [0, 0, 1, 1], [], []>, transpose_lhs_hint = false} : vector<12800x272xbf16>, vector<272x256xbf16>, vector<12800x256xf32> -> vector<12800x256xf32>
      %get3A_28 = arith.constant 0 : index
      %get3A_29 = arith.constant 0 : index
      %get3A_30 = vector.load %arg12[%get3A_28, %get3A_29] : memref<1x256xf32, #tpu.memory_space<vmem>>, vector<1x256xf32>
      %add3A = vector.broadcast %get3A_30 : vector<1x256xf32> to vector<12800x256xf32>
      %add3A_31 = arith.addf %dot_general3A_27, %add3A : vector<12800x256xf32>
      %slice3A = vector.extract_strided_slice %add3A_31 {offsets = [0, 0], sizes = [12800, 128], strides = [1, 1]} : vector<12800x256xf32> to vector<12800x128xf32>
      %logistic3A = arith.negf %slice3A : vector<12800x128xf32>
      %logistic3A_32 = math.exp %logistic3A : vector<12800x128xf32>
      %logistic3A_33 = arith.constant 1.000000e+00 : f32
      %logistic3A_34 = vector.broadcast %logistic3A_33 : f32 to vector<12800x128xf32>
      %logistic3A_35 = arith.addf %logistic3A_34, %logistic3A_32 : vector<12800x128xf32>
      %logistic3A_36 = arith.divf %logistic3A_34, %logistic3A_35 : vector<12800x128xf32>
      %slice3A_37 = vector.extract_strided_slice %add3A_31 {offsets = [0, 128], sizes = [12800, 128], strides = [1, 1]} : vector<12800x256xf32> to vector<12800x128xf32>
      %custom_jvp_call3A = arith.constant 0.000000e+00 : f32
      %max3A = vector.broadcast %custom_jvp_call3A : f32 to vector<12800x128xf32>
      %max3A_38 = arith.maximumf %slice3A_37, %max3A : vector<12800x128xf32>
      %sub3A = vector.broadcast %custom_jvp_call3A : f32 to vector<12800x128xf32>
      %sub3A_39 = arith.subf %slice3A_37, %sub3A : vector<12800x128xf32>
      %ne3A = arith.cmpf one, %sub3A_39, %sub3A_39 : vector<12800x128xf32>
      %add3A_40 = vector.broadcast %custom_jvp_call3A : f32 to vector<12800x128xf32>
      %add3A_41 = arith.addf %slice3A_37, %add3A_40 : vector<12800x128xf32>
      %abs3A = math.absf %sub3A_39 : vector<12800x128xf32>
      %neg3A = arith.constant 0.000000e+00 : f32
      %neg3A_42 = vector.broadcast %neg3A : f32 to vector<12800x128xf32>
      %neg3A_43 = arith.subf %neg3A_42, %abs3A : vector<12800x128xf32>
      %exp3A = math.exp %neg3A_43 : vector<12800x128xf32>
      %log1p3A = math.log1p %exp3A : vector<12800x128xf32>
      %add3A_44 = arith.addf %max3A_38, %log1p3A : vector<12800x128xf32>
      %select_n3A = arith.select %ne3A, %add3A_41, %add3A_44 : vector<12800x128xi1>, vector<12800x128xf32>
      %mul3A = arith.mulf %logistic3A_36, %select_n3A : vector<12800x128xf32>
      %reshape3A_45 = vector.shape_cast %mul3A : vector<12800x128xf32> to vector<400x32x128xf32>
      %reduce_sum3A = arith.constant dense<0.000000e+00> : vector<400x128xf32>
      %reduce_sum3A_46 = vector.multi_reduction <add>, %reshape3A_45, %reduce_sum3A [1] : vector<400x32x128xf32> to vector<400x128xf32>
      %swap3A = arith.constant 0 : index
      %swap3A_47 = arith.constant 0 : index
      %swap3A_48 = vector.load %arg10[%swap3A, %swap3A_47] : memref<400x128xf32, #tpu.memory_space<vmem>>, vector<400x128xf32>
      tpu.vector_store %arg10[%swap3A, %swap3A_47], %reduce_sum3A_46 {strides = array<i32>} : memref<400x128xf32, #tpu.memory_space<vmem>>, vector<400x128xf32>,
    } else {
    }
    return
  }
  func.func @transform_0(%arg0: i32) -> (i32, i32) {
    %c0_i32 = arith.constant 0 : i32
    %c0_i32_0 = arith.constant 0 : i32
    return %arg0, %c0_i32 : i32, i32
  }
  func.func @transform_1(%arg0: i32) -> (i32, i32) {
    %min3A = arith.constant 12 : i32
    %min3A_0 = arith.minsi %arg0, %min3A : i32
    %c0_i32 = arith.constant 0 : i32
    %c0_i32_1 = arith.constant 0 : i32
    return %min3A_0, %c0_i32 : i32, i32
  }
  func.func @transform_2(%arg0: i32) -> (i32, i32) {
    %sub3A = arith.constant 13 : i32
    %sub3A_0 = arith.subi %arg0, %sub3A : i32
    %max3A = arith.constant 0 : i32
    %max3A_1 = arith.maxsi %sub3A_0, %max3A : i32
    %c0_i32 = arith.constant 0 : i32
    %c0_i32_2 = arith.constant 0 : i32
    return %max3A_1, %c0_i32 : i32, i32
  }
  func.func @transform_3(%arg0: i32) -> (i32, i32, i32) {
    %c0_i32 = arith.constant 0 : i32
    %c0_i32_0 = arith.constant 0 : i32
    %c0_i32_1 = arith.constant 0 : i32
    return %arg0, %c0_i32, %c0_i32_0 : i32, i32, i32
  }
  func.func @transform_4(%arg0: i32) -> (i32, i32) {
    %c0_i32 = arith.constant 0 : i32
    %c0_i32_0 = arith.constant 0 : i32
    %c0_i32_1 = arith.constant 0 : i32
    return %c0_i32, %c0_i32_0 : i32, i32
  }
  func.func @transform_5(%arg0: i32) -> (i32, i32) {
    %c0_i32 = arith.constant 0 : i32
    %c0_i32_0 = arith.constant 0 : i32
    %c0_i32_1 = arith.constant 0 : i32
    return %c0_i32, %c0_i32_0 : i32, i32
  }
  func.func @transform_6(%arg0: i32) -> (i32, i32) {
    %c0_i32 = arith.constant 0 : i32
    %c0_i32_0 = arith.constant 0 : i32
    %c0_i32_1 = arith.constant 0 : i32
    return %c0_i32, %c0_i32_0 : i32, i32
  }
  func.func @transform_7(%arg0: i32) -> (i32, i32) {
    %c0_i32 = arith.constant 0 : i32
    %c0_i32_0 = arith.constant 0 : i32
    %c0_i32_1 = arith.constant 0 : i32
    return %c0_i32, %c0_i32_0 : i32, i32
  }
  func.func @transform_8(%arg0: i32) -> (i32, i32) {
    %c0_i32 = arith.constant 0 : i32
    %c0_i32_0 = arith.constant 0 : i32
    %c0_i32_1 = arith.constant 0 : i32
    return %c0_i32, %c0_i32_0 : i32, i32
  }
  func.func @transform_9(%arg0: i32) -> (i32, i32) {
    %c0_i32 = arith.constant 0 : i32
    %c0_i32_0 = arith.constant 0 : i32
    return %arg0, %c0_i32 : i32, i32
  }
}

module attributes {stable_mosaic.version = 14 : i64} {
  func.func @body(%arg0: memref<10000x128xf32, #tpu.memory_space<vmem>>, %arg1: memref<10000x128xf32, #tpu.memory_space<vmem>>, %arg2: memref<1x128xf32, #tpu.memory_space<vmem>>, %arg3: memref<1x128xf32, #tpu.memory_space<vmem>>, %arg4: memref<10000x128xf32, #tpu.memory_space<vmem>>) attributes {dimension_semantics = [], scalar_prefetch = 0 : i64, scratch_operands = 0 : i64, tpu.core_type = #tpu.core_type<tc>} {
    %get3A = arith.constant 0 : index
    %get3A_0 = arith.constant 0 : index
    %get3A_1 = vector.load %arg1[%get3A, %get3A_0] : memref<10000x128xf32, #tpu.memory_space<vmem>>, vector<10000x128xf32>
    %reduce_sum3A = arith.constant dense<0.000000e+00> : vector<128xf32>
    %reduce_sum3A_2 = vector.multi_reduction <add>, %get3A_1, %reduce_sum3A [0] : vector<10000x128xf32> to vector<128xf32>
    %broadcast_in_dim3A = vector.shape_cast %reduce_sum3A_2 : vector<128xf32> to vector<1x128xf32>
    %div3A = arith.constant 1.000000e+04 : f32
    %div3A_3 = vector.broadcast %div3A : f32 to vector<1x128xf32>
    %div3A_4 = arith.divf %broadcast_in_dim3A, %div3A_3 : vector<1x128xf32>
    %sub3A = vector.broadcast %div3A_4 : vector<1x128xf32> to vector<10000x128xf32>
    %sub3A_5 = arith.subf %get3A_1, %sub3A : vector<10000x128xf32>
    %mul3A = arith.mulf %sub3A_5, %sub3A_5 : vector<10000x128xf32>
    %reduce_sum3A_6 = arith.constant dense<0.000000e+00> : vector<128xf32>
    %reduce_sum3A_7 = vector.multi_reduction <add>, %mul3A, %reduce_sum3A_6 [0] : vector<10000x128xf32> to vector<128xf32>
    %broadcast_in_dim3A_8 = vector.shape_cast %reduce_sum3A_7 : vector<128xf32> to vector<1x128xf32>
    %div3A_9 = arith.constant 1.000000e+04 : f32
    %div3A_10 = vector.broadcast %div3A_9 : f32 to vector<1x128xf32>
    %div3A_11 = arith.divf %broadcast_in_dim3A_8, %div3A_10 : vector<1x128xf32>
    %add3A = arith.constant 9.99999974E-6 : f32
    %add3A_12 = vector.broadcast %add3A : f32 to vector<1x128xf32>
    %add3A_13 = arith.addf %div3A_11, %add3A_12 : vector<1x128xf32>
    %rsqrt3A = math.rsqrt %add3A_13 : vector<1x128xf32>
    %get3A_14 = arith.constant 0 : index
    %get3A_15 = arith.constant 0 : index
    %get3A_16 = vector.load %arg2[%get3A_14, %get3A_15] : memref<1x128xf32, #tpu.memory_space<vmem>>, vector<1x128xf32>
    %mul3A_17 = arith.mulf %get3A_16, %rsqrt3A : vector<1x128xf32>
    %mul3A_18 = vector.broadcast %mul3A_17 : vector<1x128xf32> to vector<10000x128xf32>
    %mul3A_19 = arith.mulf %sub3A_5, %mul3A_18 : vector<10000x128xf32>
    %get3A_20 = arith.constant 0 : index
    %get3A_21 = arith.constant 0 : index
    %get3A_22 = vector.load %arg3[%get3A_20, %get3A_21] : memref<1x128xf32, #tpu.memory_space<vmem>>, vector<1x128xf32>
    %add3A_23 = vector.broadcast %get3A_22 : vector<1x128xf32> to vector<10000x128xf32>
    %add3A_24 = arith.addf %mul3A_19, %add3A_23 : vector<10000x128xf32>
    %get3A_25 = arith.constant 0 : index
    %get3A_26 = arith.constant 0 : index
    %get3A_27 = vector.load %arg0[%get3A_25, %get3A_26] : memref<10000x128xf32, #tpu.memory_space<vmem>>, vector<10000x128xf32>
    %custom_jvp_call3A = arith.constant 0.000000e+00 : f32
    %max3A = vector.broadcast %custom_jvp_call3A : f32 to vector<10000x128xf32>
    %max3A_28 = arith.maximumf %add3A_24, %max3A : vector<10000x128xf32>
    %sub3A_29 = vector.broadcast %custom_jvp_call3A : f32 to vector<10000x128xf32>
    %sub3A_30 = arith.subf %add3A_24, %sub3A_29 : vector<10000x128xf32>
    %ne3A = arith.cmpf one, %sub3A_30, %sub3A_30 : vector<10000x128xf32>
    %add3A_31 = vector.broadcast %custom_jvp_call3A : f32 to vector<10000x128xf32>
    %add3A_32 = arith.addf %add3A_24, %add3A_31 : vector<10000x128xf32>
    %abs3A = math.absf %sub3A_30 : vector<10000x128xf32>
    %neg3A = arith.constant 0.000000e+00 : f32
    %neg3A_33 = vector.broadcast %neg3A : f32 to vector<10000x128xf32>
    %neg3A_34 = arith.subf %neg3A_33, %abs3A : vector<10000x128xf32>
    %exp3A = math.exp %neg3A_34 : vector<10000x128xf32>
    %log1p3A = math.log1p %exp3A : vector<10000x128xf32>
    %add3A_35 = arith.addf %max3A_28, %log1p3A : vector<10000x128xf32>
    %select_n3A = arith.select %ne3A, %add3A_32, %add3A_35 : vector<10000x128xi1>, vector<10000x128xf32>
    %add3A_36 = arith.addf %get3A_27, %select_n3A : vector<10000x128xf32>
    %swap3A = arith.constant 0 : index
    %swap3A_37 = arith.constant 0 : index
    %swap3A_38 = vector.load %arg4[%swap3A, %swap3A_37] : memref<10000x128xf32, #tpu.memory_space<vmem>>, vector<10000x128xf32>
    tpu.vector_store %arg4[%swap3A, %swap3A_37], %add3A_36 {strides = array<i32>} : memref<10000x128xf32, #tpu.memory_space<vmem>>, vector<10000x128xf32>,
    return
  }
}

</mosaic_0001>

<sc_bundles>
// kernel: kernel.11.cloned.1.call-start
scs
__scs_entry_jumppad:
0x0: {  	(pc) =	sbr.rel $0x88, $3  }
0x1: {  	(tag) =	ssettag $0x0;
	lr =	simm.s32 $0x1  }
0x2: {  	[smem:$0x3F99] =	sst lr;
	_ =	strace $0xD0000000  }
0x3: {  	_ = 	snop  }
0x4: {  	_ = 	snop  }
0x5: {  	_ = 	snop  }
0x6: {  	_ = 	snop  }
0x7: {  	_ = 	snop  }
__scs_overlays_trampoline_lowered:
0x8: {  	[smem:$0x3FA8] =	sst s0  }
0x9: {  	[smem:$0x3FA9] =	sst s1  }
0xa: {  	[smem:$0x3FAA] =	sst s2  }
0xb: {  	[smem:$0x3FAB] =	sst s3  }
0xc: {  	[smem:$0x3FAC] =	sst s4  }
0xd: {  	[smem:$0x3FAD] =	sst s5  }
0xe: {  	[smem:$0x3FAE] =	sst s6  }
0xf: {  	[smem:$0x3FAF] =	sst s7  }
0x10: {  	[smem:$0x3FB0] =	sst s8  }
0x11: {  	[smem:$0x3FB1] =	sst s9;
	s0 =	simm.s32 @!p0 $0x0  }
0x12: {  	s1 =	sld [smem:$0x3F97];
	s0 =	simm.s32 @p0 $0x1  }
0x13: {  	[smem:$0x3FB2] =	sst s0;
	s0 =	simm.s32 @!p1 $0x0  }
0x14: {  	s2 =	sld [smem:$0x3F96];
	s0 =	simm.s32 @p1 $0x1  }
0x15: {  	[smem:$0x3FB3] =	sst s0;
	s0 =	simm.s32 @!p2 $0x0  }
0x16: {  	s3 =	sld [smem:$0x3FDB];
	s0 =	simm.s32 @p2 $0x1  }
0x17: {  	s4 =	simm.s32 $0x1BF5;
	[smem:$0x3FB5] =	sst s0  }
0x18: {  	s0 =	sld [smem:$0x3F98];
	_ =	swait.ge [sflag:s4], $0x0  }
0x19: {  	s7 =	sld [smem:$0x3F99]  }
0x1a: {  	s8 =	sadd.s32 $0xFFFFE003, lr  }
0x1b: {  	s9 =	sadd.s32 $0xFFFFFEF7, lr;
	s5 =	simm.s32 $0xFFFFFFFF;
	p2 =	slt.u32 s8, $0xFFFFF086  }
0x1c: {  	p1 =	slt.u32 s9, $0xF7A;
	s5 =	simm.s32 @!p2 $0x0  }
0x1d: {  	s5 =	simm.s32 @p1 $0x1;
	p0 =	seq.s32 s7, s2  }
0x1e: {  	s7 =	smul.u32 @!p0 $0xF7A, s2;
	p2 =	seq.s32 @!p0 s5, $0x0  }
0x1f: {  	s9 =	smul.u32 $0xF7A, s1;
	s8 =	simm.s32 @!p0 $0x1BF5;
	p2 =	por !p2, p0  }
0x20: {  	[sflag:s8] =	ssyncset.s32 @!p0 $0xFFFFF086;
	s6 =	sadd.s32 @!p0 s3, s7;
	s7 =	simm.s32 @!p0 $0x108  }
0x21: {  	s3 =	sadd.s32 s3, s9;
	s6 =	sadd.s32 @!p0 $0x88, s6;
	s7 =	simm.s32 @p2 $0x1082  }
0x22: {  	[simem:s7], [sflag:s8] =	dma.local @!p0 [hbm:s6], $0xF7A  }
0x23: {  	s9 =	sor.u32 $0xD0000000, s2;
	s6 =	simm.s32 $0x108;
	_ =	swait.ge @!p0 [sflag:s8], $0x0  }
0x24: {  	s3 =	sadd.s32 $0x88, s3;
	s6 =	simm.s32 @!p1 $0x1082;
	[sflag:s4] =	ssyncset.s32 $0xFFFFF086  }
0x25: {  	[simem:s6], [sflag:s4] =	dma.local [hbm:s3], $0xF7A  }
0x26: {  	[smem:$0x3F99] =	sst s1;
	(tag) =	ssettag s2;
	_ =	strace s9  }
0x27: {  	s1 =	sld [smem:$0x3FA9]  }
0x28: {  	s2 =	sld [smem:$0x3FAA]  }
0x29: {  	s4 =	sld [smem:$0x3FAC]  }
0x2a: {  	p0 =	seq.s32 s5, $0x0;
	s5 =	sld [smem:$0x3FAD]  }
0x2b: {  	s6 =	sld [smem:$0x3FAE]  }
0x2c: {  	s7 =	sld [smem:$0x3FAF]  }
0x2d: {  	s3 =	simm.s32 $0x108;
	s8 =	sld [smem:$0x3FB0]  }
0x2e: {  	s3 =	simm.s32 @!p0 $0x1082;
	s9 =	sld [smem:$0x3FB1]  }
0x2f: {  	lr =	sadd.s32 s0, s3;
	s0 =	sld [smem:$0x3FA8]  }
0x30: {  	s3 =	sld [smem:$0x3FAB]  }
0x31: {  	[smem:$0x3FB4] =	sst s10  }
0x32: {  	s10 =	sld [smem:$0x3FB2];
	_ =	sdelay $0x3  }
0x33: {  	p0 =	seq.s32 s10, $0x1;
	s10 =	sld [smem:$0x3FB4];
	_ =	sdelay $0x3  }
0x34: {  	[smem:$0x3FB4] =	sst s10  }
0x35: {  	s10 =	sld [smem:$0x3FB3];
	_ =	sdelay $0x3  }
0x36: {  	p1 =	seq.s32 s10, $0x1;
	s10 =	sld [smem:$0x3FB4];
	_ =	sdelay $0x3  }
0x37: {  	[smem:$0x3FB4] =	sst s10  }
0x38: {  	s10 =	sld [smem:$0x3FB5]  }
0x39: {  	_ = 	snop;
	(pc) =	sbr.ind lr, $3  }
0x3a: {  	_ = 	snop  }
0x3b: {  	_ = 	snop  }
0x3c: {  	p2 =	seq.s32 s10, $0x1;
	s10 =	sld [smem:$0x3FB4]  }
0x3d: {  	_ =	shalt  }
0x3e: {  	_ =	shalt  }
0x3f: {  	_ =	shalt  }
0x40: {  	_ =	shalt  }
0x41: {  	_ =	shalt  }
0x42: {  	_ =	shalt  }
0x43: {  	_ =	shalt  }
0x44: {  	_ =	shalt  }
0x45: {  	_ =	shalt  }
0x46: {  	_ =	shalt  }
0x47: {  	_ =	shalt  }
0x48: {  	_ =	shalt  }
0x49: {  	_ =	shalt  }
0x4a: {  	_ =	shalt  }
0x4b: {  	_ =	shalt  }
0x4c: {  	_ =	shalt  }
0x4d: {  	_ =	shalt  }
0x4e: {  	_ =	shalt  }
0x4f: {  	_ =	shalt  }
0x50: {  	_ =	shalt  }
0x51: {  	_ =	shalt  }
0x52: {  	_ =	shalt  }
0x53: {  	_ =	shalt  }
0x54: {  	_ =	shalt  }
0x55: {  	_ =	shalt  }
0x56: {  	_ =	shalt  }
0x57: {  	_ =	shalt  }
0x58: {  	_ =	shalt  }
0x59: {  	_ =	shalt  }
0x5a: {  	_ =	shalt  }
0x5b: {  	_ =	shalt  }
0x5c: {  	_ =	shalt  }
0x5d: {  	_ =	shalt  }
0x5e: {  	_ =	shalt  }
0x5f: {  	_ =	shalt  }
0x60: {  	_ =	shalt  }
0x61: {  	_ =	shalt  }
0x62: {  	_ =	shalt  }
0x63: {  	_ =	shalt  }
0x64: {  	_ =	shalt  }
0x65: {  	_ =	shalt  }
0x66: {  	_ =	shalt  }
0x67: {  	_ =	shalt  }
0x68: {  	_ =	shalt  }
0x69: {  	_ =	shalt  }
0x6a: {  	_ =	shalt  }
0x6b: {  	_ =	shalt  }
0x6c: {  	_ =	shalt  }
0x6d: {  	_ =	shalt  }
0x6e: {  	_ =	shalt  }
0x6f: {  	_ =	shalt  }
0x70: {  	_ =	shalt  }
0x71: {  	_ =	shalt  }
0x72: {  	_ =	shalt  }
0x73: {  	_ =	shalt  }
0x74: {  	_ =	shalt  }
0x75: {  	_ =	shalt  }
0x76: {  	_ =	shalt  }
0x77: {  	_ =	shalt  }
0x78: {  	_ =	shalt  }
0x79: {  	_ =	shalt  }
0x7a: {  	_ =	shalt  }
0x7b: {  	_ =	shalt  }
0x7c: {  	_ =	shalt  }
0x7d: {  	_ =	shalt  }
0x7e: {  	_ =	shalt  }
0x7f: {  	_ =	shalt  }
0x80: {  	_ =	shalt  }
0x81: {  	_ =	shalt  }
0x82: {  	_ =	shalt  }
0x83: {  	_ =	shalt  }
0x84: {  	_ =	shalt  }
0x85: {  	_ =	shalt  }
0x86: {  	_ =	shalt  }
0x87: {  	_ =	shalt  }
.Lfunc_end0:
.L_simem_size_0:
called_computation.1_lowered:
.L_overlay_start_0:
0x88: {  	s2 =	sld [smem:$0x3FD9]  }
0x89: {  	s3 =	sld [smem:$0x3FFE];
	_ =	sdelay $0x1  }
0x8a: {  	s1 =	srdreg.scid  }
0x8b: {  	s0 =	sand.u32 $0x1, s1  }
0x8c: {  	s17 =	sshll.u32 s0, $0xA;
	s2 =	sadd.s32 s3, s2  }
0x8d: {  	s2 =	sadd.s32 s2, s17  }
0x8e: {  	[smem:$0x3FC0] =	sst s2  }
0x8f: {  	_ = 	snop  }
0x90: {  	s2 =	sld [smem:$0x3FC9];
	(tm) =	ssettm $0x1  }
0x91: {  	s18 =	sld [smem:$0x3FFB];
	_ =	sdelay $0x3  }
0x92: {  	_ =	strace s18  }
0x93: {  	s3 =	sld [smem:$0x3FFC];
	_ =	sdelay $0x3  }
0x94: {  	_ =	strace s3  }
0x95: {  	s3 =	sld [smem:$0x3FFD];
	_ =	sdelay $0x3  }
0x96: {  	_ =	strace s3  }
0x97: {  	_ =	strace $0x8FFFFFFF  }
0x98: {  	s19 =	sld [smem:$0x3FDB];
	_ =	sdelay $0x1  }
0x99: {  	s4 =	simm.s32 $_scs_section_size  }
0x9a: {  	s5 =	simm.s32 $_size__tile_overlayer_lowered;
	s6 =	simm.s32 $_tile_overlayer_lowered  }
0x9b: {  	s22 =	simm.s32 $0x1BFF;
	s21 =	sshll.u32 s6, $0x1;
	s3 =	sadd.s32 s4, s19  }
0x9c: {  	s7 =	simm.s32 $0x0;
	s20 =	sshll.u32 s5, $0x1;
	s5 =	sadd.s32 s21, s3  }
0x9d: {  	[timem:s7], [sflag:s22] =	dma.local [hbm:s5], s20  }
0x9e: {  	_ =	swait.ge [sflag:s22], s20  }
0x9f: {  	s4 =	ssub.s32 $0x0, s20;
	[sflag:s22] =	ssyncset.done $0x0  }
0xa0: {  	[sflag:s22] =	ssyncadd.s32 s4;
	_ =	sdelay $0x1  }
0xa1: {  	s23 =	simm.s32 $0x1B8B  }
0xa2: {  	_ =	swait.ge [sflag:s23], $0x1  }
0xa3: {  	[sflag:s23] =	ssyncset.done $0x0  }
0xa4: {  	s25 =	simm.s32 $0x1B8E;
	s24 =	sld [smem:$0x3FFE];
	[sflag:s23] =	ssyncadd.s32 $0xFFFFFFFF  }
0xa5: {  	s26 =	simm.s32 $execute0_lowered;
	[smem:$0x3FD2] =	sst s25  }
0xa6: {  	s5 =	sshll.u32 s26, $0x1;
	_ =	strace $0x80000046;
	[dreg:$0x1] =	wrdreg $0xFFFFFFFF  }
0xa7: {  	s28 =	simm.s32 $_size_execute0_lowered;
	s3 =	sadd.s32 s3, s5;
	[dreg:$0x0] =	wrdreg $0x0  }
0xa8: {  	s5 =	sshll.u32 s28, $0x1;
	[dreg:$0x2] =	wrdreg s3  }
0xa9: {  	[dreg:$0x3] =	wrdreg s5  }
0xaa: {  	[dreg:$0x4] =	wrdreg $0xC0  }
0xab: {  	_ =	task [dreg:s7], $0x5FFFF  }
0xac: {  	[dreg:$0x1] =	wrdreg $0xFFFFFFFF  }
0xad: {  	[dreg:$0x0] =	wrdreg $0x60  }
0xae: {  	[dreg:$0x2] =	wrdreg s2  }
0xaf: {  	[dreg:$0x3] =	wrdreg s24  }
0xb0: {  	[dreg:$0x4] =	wrdreg $0xA  }
0xb1: {  	_ =	task.clear_ibuf [dreg:s7], $0x5FFFF;
	_ =	strace $0x90000046  }
0xb2: {  	s29 =	simm.s32 $0xA;
	_ =	strace $0x80000048  }
0xb3: {  	_ =	swait.ge [sflag:s29], $0x1  }
0xb4: {  	[sflag:s29] =	ssyncadd.s32 $0xFFFFFFFF  }
0xb5: {  	_ =	strace $0x90000048  }
0xb6: {  	_ =	sfence  }
0xb7: {  	s30 =	sld [smem:$0x0];
	_ =	sdelay $0x2  }
0xb8: {  	s31 =	sshll.u32 s1, $0xD;
	s1 =	sshrl.u32 s1, $0x2  }
0xb9: {  	s3 =	sand.u32 $0x4000, s31;
	s1 =	sadd.s32 s1, s30  }
0xba: {  	s0 =	sor.u32 s3, s0;
	s1 =	sshll.u32 s1, $0x11  }
0xbb: {  	s0 =	sor.u32 s1, s0  }
0xbc: {  	s0 =	sadd.s32 $0x8F2B, s0  }
0xbd: {  	[sflag:s0] =	ssyncadd.remote.s32 $0x1  }
0xbe: {  	_ =	sfence.sel $0xFFFF  }
0xbf: {  	[dreg:$0x0] =	wrdreg $0xFFFFFFFF;
	(pc) =	sbr.abs _section_cstart, $3  }
0xc0: {  	[dreg:$0x1] =	wrdreg $0xFFFFFFFF  }
0xc1: {  	_ =	task.clear_ibuf [dreg:s7], $0x2FFFF;
	_ =	strace $0x9FFFFFFF  }
0xc2: {  	(tm) =	ssettm $0x7FFFFFFF  }
0xc3: {  	_ =	shalt  }
tec
execute0_lowered:
.L_overlay_start_1:
0x0: {  	(tag) =	ssettag $0x1  }
0x1: {  	s1 =	srdreg.scid;
	s0 =	stileid.u32  }
0x2: {  	s2 =	rddreg [dreg:$0x0];
	s1 =	sand.u32 $0x1, s1;
	s3 =	sshll.u32 s0, $0x1  }
0x3: {  	s4 =	rddreg [dreg:$0x1];
	s5 =	sor.u32 s1, s3  }
0x4: {  	[dreg:$0x8] =	wrdreg s1;
	s3 =	simm.s32 $0x0;
	s30 =	smul.u32 $0x12C0, s5  }
0x5: {  	[smem:$0x7FF] =	sst s3;
	s5 =	smul.u32 $0x12C00, s5  }
0x6: {  	s29 =	sadd.s32 $0x3200, s4;
	s31 =	sadd.s32 $0x7E00, s4;
	_ =	strace $0x80000047  }
0x7: {  	s6 =	sshrl.u32 s30, $0x3;
	s11 =	sadd.s32 $0x190, s30;
	s4 =	sadd.s32 s31, s5  }
0x8: {  	s6 =	sadd.s32 s29, s6;
	s7 =	sshrl.u32 s11, $0x3;
	[dreg:$0x5] =	wrdreg s4  }
0x9: {  	s13 =	sadd.s32 $0x320, s30;
	[dreg:$0x3] =	wrdreg s6;
	s20 =	sadd.s32 s29, s7  }
0xa: {  	s21 =	sshrl.u32 s13, $0x3;
	[dreg:$0x4] =	wrdreg s20  }
0xb: {  	s23 =	sadd.s32 s29, s21;
	s22 =	rddreg [dreg:$0x3]  }
0xc: {  	s4 =	simm.s32 $0x3;
	[dreg:$0x6] =	wrdreg s23  }
0xd: {  	[tilespmem:s3], [sflag:$0x3] =	stream.linear.gather [hbm4b:s22+s3], $0x190, $0x38;
	[tilespmem:$0x19400] =	vst v63  }
0xe: {  	_ =	swait.ge [sflag:s4], $0x190  }
0xf: {  	[sflag:s4] =	ssyncset.done $0x0  }
0x10: {  	s5 =	simm.s32 $0x190;
	s6 =	simm.s32 $0x400;
	[sflag:s4] =	ssyncadd.s32 $0xFFFFFE70  }
0x11: {  	[tilespmem:s6], [sflag:$0x1] =	stream.indirect.gather [hbm4b:s2+s5], $0x80, s3, s5, $0xb8;
	[tilespmem:$0x19400] =	vst v63  }
0x12: {  	s7 =	simm.s32 $0x200;
	s8 =	rddreg [dreg:$0x4]  }
0x13: {  	[tilespmem:s7], [sflag:$0x3] =	stream.linear.gather [hbm4b:s8+s3], $0x190, $0x38;
	[tilespmem:$0x19400] =	vst v63  }
0x14: {  	_ =	swait.ge [sflag:s4], $0x190  }
0x15: {  	[sflag:s4] =	ssyncset.done $0x0  }
0x16: {  	s9 =	simm.s32 $0x1;
	s8 =	simm.s32 $0xCC00;
	[sflag:s4] =	ssyncadd.s32 $0xFFFFFE70  }
0x17: {  	[tilespmem:s8], [sflag:$0x1] =	stream.indirect.gather [hbm4b:s2+s5], $0x80, s7, s5, $0xb8;
	[tilespmem:$0x19400] =	vst v63  }
0x18: {  	_ =	swait.ge [sflag:s9], $0xC800  }
0x19: {  	[sflag:s9] =	ssyncset.done $0x0  }
0x1a: {  	s10 =	rddreg [dreg:$0x5];
	[sflag:s9] =	ssyncadd.s32 $0xFFFF3800  }
0x1b: {  	[hbm4b:s10+s3] =	stream.linear.scatter [tilespmem:s6], [sflag:$0x2], $0xC800, $0x38;
	[tilespmem:$0x19400] =	vst v63  }
0x1c: {  	s12 =	rddreg [dreg:$0x6]  }
0x1d: {  	[tilespmem:s3], [sflag:$0x3] =	stream.linear.gather [hbm4b:s12+s3], $0x190, $0x38;
	[tilespmem:$0x19400] =	vst v63  }
0x1e: {  	_ =	swait.ge [sflag:s4], $0x190  }
0x1f: {  	[sflag:s4] =	ssyncset.done $0x0  }
0x20: {  	s10 =	simm.s32 $0x2;
	[sflag:s4] =	ssyncadd.s32 $0xFFFFFE70  }
0x21: {  	_ =	swait.ge [sflag:s10], $0xC800  }
0x22: {  	[sflag:s10] =	ssyncset.done $0x0  }
0x23: {  	[sflag:s10] =	ssyncadd.s32 $0xFFFF3800  }
0x24: {  	[tilespmem:s6], [sflag:$0x1] =	stream.indirect.gather [hbm4b:s2+s5], $0x80, s3, s5, $0xb8;
	[tilespmem:$0x19400] =	vst v63  }
0x25: {  	_ =	swait.ge [sflag:s9], $0xC800  }
0x26: {  	s15 =	sadd.s32 $0x4B0, s30;
	s11 =	sshll.u32 s11, $0x4;
	[sflag:s9] =	ssyncset.done $0x0  }
0x27: {  	s25 =	sshrl.u32 s15, $0x3;
	s24 =	sadd.s32 s31, s11;
	[sflag:s9] =	ssyncadd.s32 $0xFFFF3800  }
0x28: {  	[hbm4b:s24+s3] =	stream.linear.scatter [tilespmem:s8], [sflag:$0x2], $0xC800, $0x38;
	[tilespmem:$0x19400] =	vst v63  }
0x29: {  	s26 =	sadd.s32 s29, s25;
	[dreg:$0x7] =	wrdreg s24  }
0x2a: {  	[tilespmem:s7], [sflag:$0x3] =	stream.linear.gather [hbm4b:s26+s3], $0x190, $0x38;
	[tilespmem:$0x19400] =	vst v63  }
0x2b: {  	_ =	swait.ge [sflag:s4], $0x190  }
0x2c: {  	[sflag:s4] =	ssyncset.done $0x0  }
0x2d: {  	[sflag:s4] =	ssyncadd.s32 $0xFFFFFE70  }
0x2e: {  	_ =	swait.ge [sflag:s10], $0xC800  }
0x2f: {  	[sflag:s10] =	ssyncset.done $0x0  }
0x30: {  	[sflag:s10] =	ssyncadd.s32 $0xFFFF3800  }
0x31: {  	[tilespmem:s8], [sflag:$0x1] =	stream.indirect.gather [hbm4b:s2+s5], $0x80, s7, s5, $0xb8;
	[tilespmem:$0x19400] =	vst v63  }
0x32: {  	_ =	swait.ge [sflag:s9], $0xC800  }
0x33: {  	s17 =	sadd.s32 $0x640, s30;
	s13 =	sshll.u32 s13, $0x4;
	[sflag:s9] =	ssyncset.done $0x0  }
0x34: {  	s14 =	sshrl.u32 s17, $0x3;
	s13 =	sadd.s32 s31, s13;
	[sflag:s9] =	ssyncadd.s32 $0xFFFF3800  }
0x35: {  	[hbm4b:s13+s3] =	stream.linear.scatter [tilespmem:s6], [sflag:$0x2], $0xC800, $0x38;
	[tilespmem:$0x19400] =	vst v63  }
0x36: {  	s14 =	sadd.s32 s29, s14  }
0x37: {  	[tilespmem:s3], [sflag:$0x3] =	stream.linear.gather [hbm4b:s14+s3], $0x190, $0x38;
	[tilespmem:$0x19400] =	vst v63  }
0x38: {  	_ =	swait.ge [sflag:s4], $0x190  }
0x39: {  	[sflag:s4] =	ssyncset.done $0x0  }
0x3a: {  	[sflag:s4] =	ssyncadd.s32 $0xFFFFFE70  }
0x3b: {  	_ =	swait.ge [sflag:s10], $0xC800  }
0x3c: {  	[sflag:s10] =	ssyncset.done $0x0  }
0x3d: {  	[sflag:s10] =	ssyncadd.s32 $0xFFFF3800  }
0x3e: {  	[tilespmem:s6], [sflag:$0x1] =	stream.indirect.gather [hbm4b:s2+s5], $0x80, s3, s5, $0xb8;
	[tilespmem:$0x19400] =	vst v63  }
0x3f: {  	_ =	swait.ge [sflag:s9], $0xC800  }
0x40: {  	s19 =	sadd.s32 $0x7D0, s30;
	s15 =	sshll.u32 s15, $0x4;
	[sflag:s9] =	ssyncset.done $0x0  }
0x41: {  	s16 =	sshrl.u32 s19, $0x3;
	s15 =	sadd.s32 s31, s15;
	[sflag:s9] =	ssyncadd.s32 $0xFFFF3800  }
0x42: {  	[hbm4b:s15+s3] =	stream.linear.scatter [tilespmem:s8], [sflag:$0x2], $0xC800, $0x38;
	[tilespmem:$0x19400] =	vst v63  }
0x43: {  	s16 =	sadd.s32 s29, s16  }
0x44: {  	[tilespmem:s7], [sflag:$0x3] =	stream.linear.gather [hbm4b:s16+s3], $0x190, $0x38;
	[tilespmem:$0x19400] =	vst v63  }
0x45: {  	_ =	swait.ge [sflag:s4], $0x190  }
0x46: {  	[sflag:s4] =	ssyncset.done $0x0  }
0x47: {  	[sflag:s4] =	ssyncadd.s32 $0xFFFFFE70  }
0x48: {  	_ =	swait.ge [sflag:s10], $0xC800  }
0x49: {  	[sflag:s10] =	ssyncset.done $0x0  }
0x4a: {  	[sflag:s10] =	ssyncadd.s32 $0xFFFF3800  }
0x4b: {  	[tilespmem:s8], [sflag:$0x1] =	stream.indirect.gather [hbm4b:s2+s5], $0x80, s7, s5, $0xb8;
	[tilespmem:$0x19400] =	vst v63  }
0x4c: {  	_ =	swait.ge [sflag:s9], $0xC800  }
0x4d: {  	s17 =	sshll.u32 s17, $0x4;
	s21 =	sadd.s32 $0x960, s30;
	[sflag:s9] =	ssyncset.done $0x0  }
0x4e: {  	s17 =	sadd.s32 s31, s17;
	s18 =	sshrl.u32 s21, $0x3;
	[sflag:s9] =	ssyncadd.s32 $0xFFFF3800  }
0x4f: {  	[hbm4b:s17+s3] =	stream.linear.scatter [tilespmem:s6], [sflag:$0x2], $0xC800, $0x38;
	[tilespmem:$0x19400] =	vst v63  }
0x50: {  	s18 =	sadd.s32 s29, s18  }
0x51: {  	[tilespmem:s3], [sflag:$0x3] =	stream.linear.gather [hbm4b:s18+s3], $0x190, $0x38;
	[tilespmem:$0x19400] =	vst v63  }
0x52: {  	_ =	swait.ge [sflag:s4], $0x190  }
0x53: {  	[sflag:s4] =	ssyncset.done $0x0  }
0x54: {  	[sflag:s4] =	ssyncadd.s32 $0xFFFFFE70  }
0x55: {  	_ =	swait.ge [sflag:s10], $0xC800  }
0x56: {  	[sflag:s10] =	ssyncset.done $0x0  }
0x57: {  	[sflag:s10] =	ssyncadd.s32 $0xFFFF3800  }
0x58: {  	[tilespmem:s6], [sflag:$0x1] =	stream.indirect.gather [hbm4b:s2+s5], $0x80, s3, s5, $0xb8;
	[tilespmem:$0x19400] =	vst v63  }
0x59: {  	_ =	swait.ge [sflag:s9], $0xC800  }
0x5a: {  	s19 =	sshll.u32 s19, $0x4;
	s23 =	sadd.s32 $0xAF0, s30;
	[sflag:s9] =	ssyncset.done $0x0  }
0x5b: {  	s19 =	sadd.s32 s31, s19;
	s20 =	sshrl.u32 s23, $0x3;
	[sflag:s9] =	ssyncadd.s32 $0xFFFF3800  }
0x5c: {  	[hbm4b:s19+s3] =	stream.linear.scatter [tilespmem:s8], [sflag:$0x2], $0xC800, $0x38;
	[tilespmem:$0x19400] =	vst v63  }
0x5d: {  	s20 =	sadd.s32 s29, s20  }
0x5e: {  	[tilespmem:s7], [sflag:$0x3] =	stream.linear.gather [hbm4b:s20+s3], $0x190, $0x38;
	[tilespmem:$0x19400] =	vst v63  }
0x5f: {  	_ =	swait.ge [sflag:s4], $0x190  }
0x60: {  	[sflag:s4] =	ssyncset.done $0x0  }
0x61: {  	[sflag:s4] =	ssyncadd.s32 $0xFFFFFE70  }
0x62: {  	_ =	swait.ge [sflag:s10], $0xC800  }
0x63: {  	[sflag:s10] =	ssyncset.done $0x0  }
0x64: {  	[sflag:s10] =	ssyncadd.s32 $0xFFFF3800  }
0x65: {  	[tilespmem:s8], [sflag:$0x1] =	stream.indirect.gather [hbm4b:s2+s5], $0x80, s7, s5, $0xb8;
	[tilespmem:$0x19400] =	vst v63  }
0x66: {  	_ =	swait.ge [sflag:s9], $0xC800  }
0x67: {  	s25 =	sadd.s32 $0xC80, s30;
	s21 =	sshll.u32 s21, $0x4;
	[sflag:s9] =	ssyncset.done $0x0  }
0x68: {  	s21 =	sadd.s32 s31, s21;
	s22 =	sshrl.u32 s25, $0x3;
	[sflag:s9] =	ssyncadd.s32 $0xFFFF3800  }
0x69: {  	[hbm4b:s21+s3] =	stream.linear.scatter [tilespmem:s6], [sflag:$0x2], $0xC800, $0x38;
	[tilespmem:$0x19400] =	vst v63  }
0x6a: {  	s22 =	sadd.s32 s29, s22  }
0x6b: {  	[tilespmem:s3], [sflag:$0x3] =	stream.linear.gather [hbm4b:s22+s3], $0x190, $0x38;
	[tilespmem:$0x19400] =	vst v63  }
0x6c: {  	_ =	swait.ge [sflag:s4], $0x190  }
0x6d: {  	[sflag:s4] =	ssyncset.done $0x0  }
0x6e: {  	[sflag:s4] =	ssyncadd.s32 $0xFFFFFE70  }
0x6f: {  	_ =	swait.ge [sflag:s10], $0xC800  }
0x70: {  	[sflag:s10] =	ssyncset.done $0x0  }
0x71: {  	[sflag:s10] =	ssyncadd.s32 $0xFFFF3800  }
0x72: {  	[tilespmem:s6], [sflag:$0x1] =	stream.indirect.gather [hbm4b:s2+s5], $0x80, s3, s5, $0xb8;
	[tilespmem:$0x19400] =	vst v63  }
0x73: {  	_ =	swait.ge [sflag:s9], $0xC800  }
0x74: {  	s28 =	sadd.s32 $0xE10, s30;
	s23 =	sshll.u32 s23, $0x4;
	[sflag:s9] =	ssyncset.done $0x0  }
0x75: {  	s23 =	sadd.s32 s31, s23;
	s24 =	sshrl.u32 s28, $0x3;
	[sflag:s9] =	ssyncadd.s32 $0xFFFF3800  }
0x76: {  	[hbm4b:s23+s3] =	stream.linear.scatter [tilespmem:s8], [sflag:$0x2], $0xC800, $0x38;
	[tilespmem:$0x19400] =	vst v63  }
0x77: {  	s24 =	sadd.s32 s29, s24  }
0x78: {  	[tilespmem:s7], [sflag:$0x3] =	stream.linear.gather [hbm4b:s24+s3], $0x190, $0x38;
	[tilespmem:$0x19400] =	vst v63  }
0x79: {  	_ =	swait.ge [sflag:s4], $0x190  }
0x7a: {  	[sflag:s4] =	ssyncset.done $0x0  }
0x7b: {  	[sflag:s4] =	ssyncadd.s32 $0xFFFFFE70  }
0x7c: {  	_ =	swait.ge [sflag:s10], $0xC800  }
0x7d: {  	[sflag:s10] =	ssyncset.done $0x0  }
0x7e: {  	[sflag:s10] =	ssyncadd.s32 $0xFFFF3800  }
0x7f: {  	[tilespmem:s8], [sflag:$0x1] =	stream.indirect.gather [hbm4b:s2+s5], $0x80, s7, s5, $0xb8;
	[tilespmem:$0x19400] =	vst v63  }
0x80: {  	s25 =	sshll.u32 s25, $0x4;
	_ =	swait.ge [sflag:s9], $0xC800  }
0x81: {  	s0 =	sadd.s32 $0xFA0, s30;
	s25 =	sadd.s32 s31, s25;
	[sflag:s9] =	ssyncset.done $0x0  }
0x82: {  	s12 =	smov.u32 s26;
	s26 =	sshrl.u32 s0, $0x3;
	[sflag:s9] =	ssyncadd.s32 $0xFFFF3800  }
0x83: {  	[hbm4b:s25+s3] =	stream.linear.scatter [tilespmem:s6], [sflag:$0x2], $0xC800, $0x38;
	[tilespmem:$0x19400] =	vst v63  }
0x84: {  	s26 =	sadd.s32 s29, s26  }
0x85: {  	[tilespmem:s3], [sflag:$0x3] =	stream.linear.gather [hbm4b:s26+s3], $0x190, $0x38;
	[tilespmem:$0x19400] =	vst v63  }
0x86: {  	_ =	swait.ge [sflag:s4], $0x190  }
0x87: {  	[sflag:s4] =	ssyncset.done $0x0  }
0x88: {  	[sflag:s4] =	ssyncadd.s32 $0xFFFFFE70  }
0x89: {  	_ =	swait.ge [sflag:s10], $0xC800  }
0x8a: {  	[sflag:s10] =	ssyncset.done $0x0  }
0x8b: {  	[sflag:s10] =	ssyncadd.s32 $0xFFFF3800  }
0x8c: {  	[tilespmem:s6], [sflag:$0x1] =	stream.indirect.gather [hbm4b:s2+s5], $0x80, s3, s5, $0xb8;
	[tilespmem:$0x19400] =	vst v63  }
0x8d: {  	_ =	swait.ge [sflag:s9], $0xC800  }
0x8e: {  	s11 =	sadd.s32 $0x1130, s30;
	s28 =	sshll.u32 s28, $0x4;
	[sflag:s9] =	ssyncset.done $0x0  }
0x8f: {  	s30 =	sshrl.u32 s11, $0x3;
	s28 =	sadd.s32 s31, s28;
	[sflag:s9] =	ssyncadd.s32 $0xFFFF3800  }
0x90: {  	[hbm4b:s28+s3] =	stream.linear.scatter [tilespmem:s8], [sflag:$0x2], $0xC800, $0x38;
	[tilespmem:$0x19400] =	vst v63  }
0x91: {  	s29 =	sadd.s32 s29, s30  }
0x92: {  	[tilespmem:s7], [sflag:$0x3] =	stream.linear.gather [hbm4b:s29+s3], $0x190, $0x38;
	[tilespmem:$0x19400] =	vst v63  }
0x93: {  	_ =	swait.ge [sflag:s4], $0x190  }
0x94: {  	[sflag:s4] =	ssyncset.done $0x0  }
0x95: {  	[sflag:s4] =	ssyncadd.s32 $0xFFFFFE70  }
0x96: {  	_ =	swait.ge [sflag:s10], $0xC800  }
0x97: {  	[sflag:s10] =	ssyncset.done $0x0  }
0x98: {  	[sflag:s10] =	ssyncadd.s32 $0xFFFF3800  }
0x99: {  	[tilespmem:s8], [sflag:$0x1] =	stream.indirect.gather [hbm4b:s2+s5], $0x80, s7, s5, $0xb8;
	[tilespmem:$0x19400] =	vst v63  }
0x9a: {  	_ =	swait.ge [sflag:s9], $0xC800  }
0x9b: {  	s1 =	sshll.u32 s0, $0x4;
	[sflag:s9] =	ssyncset.done $0x0  }
0x9c: {  	s30 =	sadd.s32 s31, s1;
	[sflag:s9] =	ssyncadd.s32 $0xFFFF3800  }
0x9d: {  	[hbm4b:s30+s3] =	stream.linear.scatter [tilespmem:s6], [sflag:$0x2], $0xC800, $0x38;
	[tilespmem:$0x19400] =	vst v63  }
0x9e: {  	_ =	swait.ge [sflag:s9], $0xC800  }
0x9f: {  	s0 =	sshll.u32 s11, $0x4;
	[sflag:s9] =	ssyncset.done $0x0;
	s1 =	rddreg [dreg:$0x8]  }
0xa0: {  	s31 =	sadd.s32 s31, s0;
	s0 =	ssub.s32 $0x2, s1;
	[sflag:s9] =	ssyncadd.s32 $0xFFFF3800  }
0xa1: {  	[hbm4b:s31+s3] =	stream.linear.scatter [tilespmem:s8], [sflag:$0x2], $0xC800, $0x38;
	[tilespmem:$0x19400] =	vst v63  }
0xa2: {  	s11 =	sshrl.u32 s0, $0x1  }
0xa3: {  	s0 =	ssub.s32 s0, s11  }
0xa4: {  	s0 =	smax.u32 s0, $0x1  }
0xa5: {  	p0 =	sne.s32 s0, $0x1  }
.Ltmp0:
0xa6: {  	_ =	swait.ge [sflag:s10], $0xC800;
	(pc) =	sbr.rel @!p0 .LBB2_2-.Ltmp0, $4  }
0xa7: {  	[sflag:s10] =	ssyncset.done $0x0  }
0xa8: {  	[sflag:s10] =	ssyncadd.s32 $0xFFFF3800  }
0xa9: {  	_ =	swait.ge [sflag:s10], $0xC800  }
0xaa: {  	s1 =	sadd.s32 $0xFFFFFFFF, s0;
	[sflag:s10] =	ssyncset.done $0x0  }
.LBB2_1:
0xab: {  	s0 =	rddreg [dreg:$0x3];
	[sflag:s10] =	ssyncadd.s32 $0xFFFF3800  }
0xac: {  	[tilespmem:s3], [sflag:$0x3] =	stream.linear.gather [hbm4b:s0+s3], $0x190, $0x38;
	[tilespmem:$0x19400] =	vst v63  }
0xad: {  	_ =	swait.ge [sflag:s4], $0x190  }
0xae: {  	[sflag:s4] =	ssyncset.done $0x0  }
0xaf: {  	[sflag:s4] =	ssyncadd.s32 $0xFFFFFE70  }
0xb0: {  	[tilespmem:s6], [sflag:$0x1] =	stream.indirect.gather [hbm4b:s2+s5], $0x80, s3, s5, $0xb8;
	[tilespmem:$0x19400] =	vst v63  }
0xb1: {  	s11 =	rddreg [dreg:$0x4]  }
0xb2: {  	[tilespmem:s7], [sflag:$0x3] =	stream.linear.gather [hbm4b:s11+s3], $0x190, $0x38;
	[tilespmem:$0x19400] =	vst v63  }
0xb3: {  	_ =	swait.ge [sflag:s4], $0x190  }
0xb4: {  	[sflag:s4] =	ssyncset.done $0x0  }
0xb5: {  	[sflag:s4] =	ssyncadd.s32 $0xFFFFFE70  }
0xb6: {  	[tilespmem:s8], [sflag:$0x1] =	stream.indirect.gather [hbm4b:s2+s5], $0x80, s7, s5, $0xb8;
	[tilespmem:$0x19400] =	vst v63  }
0xb7: {  	_ =	swait.ge [sflag:s9], $0xC800  }
0xb8: {  	[sflag:s9] =	ssyncset.done $0x0  }
0xb9: {  	s0 =	rddreg [dreg:$0x5];
	[sflag:s9] =	ssyncadd.s32 $0xFFFF3800  }
0xba: {  	[hbm4b:s0+s3] =	stream.linear.scatter [tilespmem:s6], [sflag:$0x2], $0xC800, $0x38;
	[tilespmem:$0x19400] =	vst v63  }
0xbb: {  	s11 =	rddreg [dreg:$0x6]  }
0xbc: {  	[tilespmem:s3], [sflag:$0x3] =	stream.linear.gather [hbm4b:s11+s3], $0x190, $0x38;
	[tilespmem:$0x19400] =	vst v63  }
0xbd: {  	_ =	swait.ge [sflag:s4], $0x190  }
0xbe: {  	[sflag:s4] =	ssyncset.done $0x0  }
0xbf: {  	[sflag:s4] =	ssyncadd.s32 $0xFFFFFE70  }
0xc0: {  	_ =	swait.ge [sflag:s10], $0xC800  }
0xc1: {  	[sflag:s10] =	ssyncset.done $0x0  }
0xc2: {  	[sflag:s10] =	ssyncadd.s32 $0xFFFF3800  }
0xc3: {  	[tilespmem:s6], [sflag:$0x1] =	stream.indirect.gather [hbm4b:s2+s5], $0x80, s3, s5, $0xb8;
	[tilespmem:$0x19400] =	vst v63  }
0xc4: {  	_ =	swait.ge [sflag:s9], $0xC800  }
0xc5: {  	[sflag:s9] =	ssyncset.done $0x0  }
0xc6: {  	s11 =	rddreg [dreg:$0x7];
	[sflag:s9] =	ssyncadd.s32 $0xFFFF3800  }
0xc7: {  	[hbm4b:s11+s3] =	stream.linear.scatter [tilespmem:s8], [sflag:$0x2], $0xC800, $0x38;
	[tilespmem:$0x19400] =	vst v63  }
0xc8: {  	_ = 	snop  }
0xc9: {  	[tilespmem:s7], [sflag:$0x3] =	stream.linear.gather [hbm4b:s12+s3], $0x190, $0x38;
	[tilespmem:$0x19400] =	vst v63  }
0xca: {  	_ =	swait.ge [sflag:s4], $0x190  }
0xcb: {  	[sflag:s4] =	ssyncset.done $0x0  }
0xcc: {  	[sflag:s4] =	ssyncadd.s32 $0xFFFFFE70  }
0xcd: {  	_ =	swait.ge [sflag:s10], $0xC800  }
0xce: {  	[sflag:s10] =	ssyncset.done $0x0  }
0xcf: {  	[sflag:s10] =	ssyncadd.s32 $0xFFFF3800  }
0xd0: {  	[tilespmem:s8], [sflag:$0x1] =	stream.indirect.gather [hbm4b:s2+s5], $0x80, s7, s5, $0xb8;
	[tilespmem:$0x19400] =	vst v63  }
0xd1: {  	_ =	swait.ge [sflag:s9], $0xC800  }
0xd2: {  	[sflag:s9] =	ssyncset.done $0x0  }
0xd3: {  	[sflag:s9] =	ssyncadd.s32 $0xFFFF3800  }
0xd4: {  	[hbm4b:s13+s3] =	stream.linear.scatter [tilespmem:s6], [sflag:$0x2], $0xC800, $0x38;
	[tilespmem:$0x19400] =	vst v63  }
0xd5: {  	_ = 	snop  }
0xd6: {  	[tilespmem:s3], [sflag:$0x3] =	stream.linear.gather [hbm4b:s14+s3], $0x190, $0x38;
	[tilespmem:$0x19400] =	vst v63  }
0xd7: {  	_ =	swait.ge [sflag:s4], $0x190  }
0xd8: {  	[sflag:s4] =	ssyncset.done $0x0  }
0xd9: {  	[sflag:s4] =	ssyncadd.s32 $0xFFFFFE70  }
0xda: {  	_ =	swait.ge [sflag:s10], $0xC800  }
0xdb: {  	[sflag:s10] =	ssyncset.done $0x0  }
0xdc: {  	[sflag:s10] =	ssyncadd.s32 $0xFFFF3800  }
0xdd: {  	[tilespmem:s6], [sflag:$0x1] =	stream.indirect.gather [hbm4b:s2+s5], $0x80, s3, s5, $0xb8;
	[tilespmem:$0x19400] =	vst v63  }
0xde: {  	_ =	swait.ge [sflag:s9], $0xC800  }
0xdf: {  	[sflag:s9] =	ssyncset.done $0x0  }
0xe0: {  	[sflag:s9] =	ssyncadd.s32 $0xFFFF3800  }
0xe1: {  	[hbm4b:s15+s3] =	stream.linear.scatter [tilespmem:s8], [sflag:$0x2], $0xC800, $0x38;
	[tilespmem:$0x19400] =	vst v63  }
0xe2: {  	_ = 	snop  }
0xe3: {  	[tilespmem:s7], [sflag:$0x3] =	stream.linear.gather [hbm4b:s16+s3], $0x190, $0x38;
	[tilespmem:$0x19400] =	vst v63  }
0xe4: {  	_ =	swait.ge [sflag:s4], $0x190  }
0xe5: {  	[sflag:s4] =	ssyncset.done $0x0  }
0xe6: {  	[sflag:s4] =	ssyncadd.s32 $0xFFFFFE70  }
0xe7: {  	_ =	swait.ge [sflag:s10], $0xC800  }
0xe8: {  	[sflag:s10] =	ssyncset.done $0x0  }
0xe9: {  	[sflag:s10] =	ssyncadd.s32 $0xFFFF3800  }
0xea: {  	[tilespmem:s8], [sflag:$0x1] =	stream.indirect.gather [hbm4b:s2+s5], $0x80, s7, s5, $0xb8;
	[tilespmem:$0x19400] =	vst v63  }
0xeb: {  	_ =	swait.ge [sflag:s9], $0xC800  }
0xec: {  	[sflag:s9] =	ssyncset.done $0x0  }
0xed: {  	[sflag:s9] =	ssyncadd.s32 $0xFFFF3800  }
0xee: {  	[hbm4b:s17+s3] =	stream.linear.scatter [tilespmem:s6], [sflag:$0x2], $0xC800, $0x38;
	[tilespmem:$0x19400] =	vst v63  }
0xef: {  	_ = 	snop  }
0xf0: {  	[tilespmem:s3], [sflag:$0x3] =	stream.linear.gather [hbm4b:s18+s3], $0x190, $0x38;
	[tilespmem:$0x19400] =	vst v63  }
0xf1: {  	_ =	swait.ge [sflag:s4], $0x190  }
0xf2: {  	[sflag:s4] =	ssyncset.done $0x0  }
0xf3: {  	[sflag:s4] =	ssyncadd.s32 $0xFFFFFE70  }
0xf4: {  	_ =	swait.ge [sflag:s10], $0xC800  }
0xf5: {  	[sflag:s10] =	ssyncset.done $0x0  }
0xf6: {  	[sflag:s10] =	ssyncadd.s32 $0xFFFF3800  }
0xf7: {  	[tilespmem:s6], [sflag:$0x1] =	stream.indirect.gather [hbm4b:s2+s5], $0x80, s3, s5, $0xb8;
	[tilespmem:$0x19400] =	vst v63  }
0xf8: {  	_ =	swait.ge [sflag:s9], $0xC800  }
0xf9: {  	[sflag:s9] =	ssyncset.done $0x0  }
0xfa: {  	[sflag:s9] =	ssyncadd.s32 $0xFFFF3800  }
0xfb: {  	[hbm4b:s19+s3] =	stream.linear.scatter [tilespmem:s8], [sflag:$0x2], $0xC800, $0x38;
	[tilespmem:$0x19400] =	vst v63  }
0xfc: {  	_ = 	snop  }
0xfd: {  	[tilespmem:s7], [sflag:$0x3] =	stream.linear.gather [hbm4b:s20+s3], $0x190, $0x38;
	[tilespmem:$0x19400] =	vst v63  }
0xfe: {  	_ =	swait.ge [sflag:s4], $0x190  }
0xff: {  	[sflag:s4] =	ssyncset.done $0x0  }
0x100: {  	[sflag:s4] =	ssyncadd.s32 $0xFFFFFE70  }
0x101: {  	_ =	swait.ge [sflag:s10], $0xC800  }
0x102: {  	[sflag:s10] =	ssyncset.done $0x0  }
0x103: {  	[sflag:s10] =	ssyncadd.s32 $0xFFFF3800  }
0x104: {  	[tilespmem:s8], [sflag:$0x1] =	stream.indirect.gather [hbm4b:s2+s5], $0x80, s7, s5, $0xb8;
	[tilespmem:$0x19400] =	vst v63  }
0x105: {  	_ =	swait.ge [sflag:s9], $0xC800  }
0x106: {  	[sflag:s9] =	ssyncset.done $0x0  }
0x107: {  	[sflag:s9] =	ssyncadd.s32 $0xFFFF3800  }
0x108: {  	[hbm4b:s21+s3] =	stream.linear.scatter [tilespmem:s6], [sflag:$0x2], $0xC800, $0x38;
	[tilespmem:$0x19400] =	vst v63  }
0x109: {  	_ = 	snop  }
0x10a: {  	[tilespmem:s3], [sflag:$0x3] =	stream.linear.gather [hbm4b:s22+s3], $0x190, $0x38;
	[tilespmem:$0x19400] =	vst v63  }
0x10b: {  	_ =	swait.ge [sflag:s4], $0x190  }
0x10c: {  	[sflag:s4] =	ssyncset.done $0x0  }
0x10d: {  	[sflag:s4] =	ssyncadd.s32 $0xFFFFFE70  }
0x10e: {  	_ =	swait.ge [sflag:s10], $0xC800  }
0x10f: {  	[sflag:s10] =	ssyncset.done $0x0  }
0x110: {  	[sflag:s10] =	ssyncadd.s32 $0xFFFF3800  }
0x111: {  	[tilespmem:s6], [sflag:$0x1] =	stream.indirect.gather [hbm4b:s2+s5], $0x80, s3, s5, $0xb8;
	[tilespmem:$0x19400] =	vst v63  }
0x112: {  	_ =	swait.ge [sflag:s9], $0xC800  }
0x113: {  	[sflag:s9] =	ssyncset.done $0x0  }
0x114: {  	[sflag:s9] =	ssyncadd.s32 $0xFFFF3800  }
0x115: {  	[hbm4b:s23+s3] =	stream.linear.scatter [tilespmem:s8], [sflag:$0x2], $0xC800, $0x38;
	[tilespmem:$0x19400] =	vst v63  }
0x116: {  	_ = 	snop  }
0x117: {  	[tilespmem:s7], [sflag:$0x3] =	stream.linear.gather [hbm4b:s24+s3], $0x190, $0x38;
	[tilespmem:$0x19400] =	vst v63  }
0x118: {  	_ =	swait.ge [sflag:s4], $0x190  }
0x119: {  	[sflag:s4] =	ssyncset.done $0x0  }
0x11a: {  	[sflag:s4] =	ssyncadd.s32 $0xFFFFFE70  }
0x11b: {  	_ =	swait.ge [sflag:s10], $0xC800  }
0x11c: {  	[sflag:s10] =	ssyncset.done $0x0  }
0x11d: {  	[sflag:s10] =	ssyncadd.s32 $0xFFFF3800  }
0x11e: {  	[tilespmem:s8], [sflag:$0x1] =	stream.indirect.gather [hbm4b:s2+s5], $0x80, s7, s5, $0xb8;
	[tilespmem:$0x19400] =	vst v63  }
0x11f: {  	_ =	swait.ge [sflag:s9], $0xC800  }
0x120: {  	[sflag:s9] =	ssyncset.done $0x0  }
0x121: {  	[sflag:s9] =	ssyncadd.s32 $0xFFFF3800  }
0x122: {  	[hbm4b:s25+s3] =	stream.linear.scatter [tilespmem:s6], [sflag:$0x2], $0xC800, $0x38;
	[tilespmem:$0x19400] =	vst v63  }
0x123: {  	_ = 	snop  }
0x124: {  	[tilespmem:s3], [sflag:$0x3] =	stream.linear.gather [hbm4b:s26+s3], $0x190, $0x38;
	[tilespmem:$0x19400] =	vst v63  }
0x125: {  	_ =	swait.ge [sflag:s4], $0x190  }
0x126: {  	[sflag:s4] =	ssyncset.done $0x0  }
0x127: {  	[sflag:s4] =	ssyncadd.s32 $0xFFFFFE70  }
0x128: {  	_ =	swait.ge [sflag:s10], $0xC800  }
0x129: {  	[sflag:s10] =	ssyncset.done $0x0  }
0x12a: {  	[sflag:s10] =	ssyncadd.s32 $0xFFFF3800  }
0x12b: {  	[tilespmem:s6], [sflag:$0x1] =	stream.indirect.gather [hbm4b:s2+s5], $0x80, s3, s5, $0xb8;
	[tilespmem:$0x19400] =	vst v63  }
0x12c: {  	_ =	swait.ge [sflag:s9], $0xC800  }
0x12d: {  	[sflag:s9] =	ssyncset.done $0x0  }
0x12e: {  	[sflag:s9] =	ssyncadd.s32 $0xFFFF3800  }
0x12f: {  	[hbm4b:s28+s3] =	stream.linear.scatter [tilespmem:s8], [sflag:$0x2], $0xC800, $0x38;
	[tilespmem:$0x19400] =	vst v63  }
0x130: {  	_ = 	snop  }
0x131: {  	[tilespmem:s7], [sflag:$0x3] =	stream.linear.gather [hbm4b:s29+s3], $0x190, $0x38;
	[tilespmem:$0x19400] =	vst v63  }
0x132: {  	_ =	swait.ge [sflag:s4], $0x190  }
0x133: {  	[sflag:s4] =	ssyncset.done $0x0  }
0x134: {  	[sflag:s4] =	ssyncadd.s32 $0xFFFFFE70  }
0x135: {  	_ =	swait.ge [sflag:s10], $0xC800  }
0x136: {  	[sflag:s10] =	ssyncset.done $0x0  }
0x137: {  	[sflag:s10] =	ssyncadd.s32 $0xFFFF3800  }
0x138: {  	[tilespmem:s8], [sflag:$0x1] =	stream.indirect.gather [hbm4b:s2+s5], $0x80, s7, s5, $0xb8;
	[tilespmem:$0x19400] =	vst v63  }
0x139: {  	_ =	swait.ge [sflag:s9], $0xC800  }
0x13a: {  	[sflag:s9] =	ssyncset.done $0x0  }
0x13b: {  	[sflag:s9] =	ssyncadd.s32 $0xFFFF3800  }
0x13c: {  	[hbm4b:s30+s3] =	stream.linear.scatter [tilespmem:s6], [sflag:$0x2], $0xC800, $0x38;
	[tilespmem:$0x19400] =	vst v63  }
0x13d: {  	_ =	swait.ge [sflag:s9], $0xC800  }
0x13e: {  	[sflag:s9] =	ssyncset.done $0x0  }
0x13f: {  	p0 =	sne.s32 s1, $0x1;
	[sflag:s9] =	ssyncadd.s32 $0xFFFF3800  }
0x140: {  	[hbm4b:s31+s3] =	stream.linear.scatter [tilespmem:s8], [sflag:$0x2], $0xC800, $0x38;
	[tilespmem:$0x19400] =	vst v63  }
.Ltmp1:
0x141: {  	_ =	swait.ge [sflag:s10], $0xC800;
	(pc) =	sbr.rel @p0 .LBB2_1-.Ltmp1, $4  }
0x142: {  	[sflag:s10] =	ssyncset.done $0x0  }
0x143: {  	[sflag:s10] =	ssyncadd.s32 $0xFFFF3800  }
0x144: {  	_ =	swait.ge [sflag:s10], $0xC800  }
0x145: {  	s1 =	sadd.s32 $0xFFFFFFFF, s1;
	[sflag:s10] =	ssyncset.done $0x0  }
.LBB2_2:
0x146: {  	[sflag:s10] =	ssyncadd.s32 $0xFFFF3800  }
0x147: {  	_ =	sfence.sel $0x180000  }
0x148: {  	[bflag:$0x0] =	sbarrier.arrive $0xFFFF  }
0x149: {  	_ =	strace $0x90000047  }
0x14a: {  	s0 =	stileid.u32;
	[bflag:$0x2] =	sbarrier.arrive $0xFFFF  }
0x14b: {  	p0 =	sne.s32 s0, $0x0;
	s0 =	rddreg [dreg:$0x2]  }
0x14c: {  	s0 =	sadd.s32 @!p0 $0x100000, s0  }
0x14d: {  	[sflag:s0] =	ssyncadd.tile.s32 @!p0 $0x1;
	_ =	shalt  }
.Lfunc_end2:
_tile_overlayer_lowered:
.L_overlay_start_2:
0x14e: {  	(tag) =	ssettag $0x2  }
0x14f: {  	s0 =	rddreg [dreg:$0x0];
	s2 =	stileid.u32  }
0x150: {  	s1 =	rddreg [dreg:$0x1];
	p0 =	sne.s32 s2, $0x0  }
0x151: {  	s3 =	rddreg [dreg:$0x2];
	[bflag:$0x3] =	sbarrier.arrive $0xFFFF;
	s2 =	simm.s32 @!p0 $0x1C03  }
0x152: {  	[timem:s3], [sflag:s2] =	dma.local @!p0 [hbm:s0], s1  }
0x153: {  	s0 =	simm.s32 @!p0 $0x3  }
0x154: {  	_ =	swait.ge @!p0 [sflag:s0], s1  }
0x155: {  	s1 =	ssub.s32 @!p0 $0x0, s1;
	[sflag:s0] =	ssyncset.done @!p0 $0x0  }
0x156: {  	[sflag:s0] =	ssyncadd.s32 @!p0 s1  }
0x157: {  	[bflag:$0x3] =	sbarrier.arrive $0xFFFF  }
0x158: {  	_ =	shalt  }

// kernel: kernel.8.cloned.1.call-start
scs
__scs_entry_jumppad:
0x0: {  	(pc) =	sbr.rel $0x88, $3  }
0x1: {  	(tag) =	ssettag $0x0;
	lr =	simm.s32 $0x1  }
0x2: {  	[smem:$0x3F99] =	sst lr;
	_ =	strace $0xD0000000  }
0x3: {  	_ = 	snop  }
0x4: {  	_ = 	snop  }
0x5: {  	_ = 	snop  }
0x6: {  	_ = 	snop  }
0x7: {  	_ = 	snop  }
__scs_overlays_trampoline_lowered:
0x8: {  	[smem:$0x3FA8] =	sst s0  }
0x9: {  	[smem:$0x3FA9] =	sst s1  }
0xa: {  	[smem:$0x3FAA] =	sst s2  }
0xb: {  	[smem:$0x3FAB] =	sst s3  }
0xc: {  	[smem:$0x3FAC] =	sst s4  }
0xd: {  	[smem:$0x3FAD] =	sst s5  }
0xe: {  	[smem:$0x3FAE] =	sst s6  }
0xf: {  	[smem:$0x3FAF] =	sst s7  }
0x10: {  	[smem:$0x3FB0] =	sst s8  }
0x11: {  	[smem:$0x3FB1] =	sst s9;
	s0 =	simm.s32 @!p0 $0x0  }
0x12: {  	s1 =	sld [smem:$0x3F97];
	s0 =	simm.s32 @p0 $0x1  }
0x13: {  	[smem:$0x3FB2] =	sst s0;
	s0 =	simm.s32 @!p1 $0x0  }
0x14: {  	s2 =	sld [smem:$0x3F96];
	s0 =	simm.s32 @p1 $0x1  }
0x15: {  	[smem:$0x3FB3] =	sst s0;
	s0 =	simm.s32 @!p2 $0x0  }
0x16: {  	s3 =	sld [smem:$0x3FDB];
	s0 =	simm.s32 @p2 $0x1  }
0x17: {  	s4 =	simm.s32 $0x1BF5;
	[smem:$0x3FB5] =	sst s0  }
0x18: {  	s0 =	sld [smem:$0x3F98];
	_ =	swait.ge [sflag:s4], $0x0  }
0x19: {  	s7 =	sld [smem:$0x3F99]  }
0x1a: {  	s8 =	sadd.s32 $0xFFFFE003, lr  }
0x1b: {  	s9 =	sadd.s32 $0xFFFFFEF7, lr;
	s5 =	simm.s32 $0xFFFFFFFF;
	p2 =	slt.u32 s8, $0xFFFFF086  }
0x1c: {  	p1 =	slt.u32 s9, $0xF7A;
	s5 =	simm.s32 @!p2 $0x0  }
0x1d: {  	s5 =	simm.s32 @p1 $0x1;
	p0 =	seq.s32 s7, s2  }
0x1e: {  	s7 =	smul.u32 @!p0 $0xF7A, s2;
	p2 =	seq.s32 @!p0 s5, $0x0  }
0x1f: {  	s9 =	smul.u32 $0xF7A, s1;
	s8 =	simm.s32 @!p0 $0x1BF5;
	p2 =	por !p2, p0  }
0x20: {  	[sflag:s8] =	ssyncset.s32 @!p0 $0xFFFFF086;
	s6 =	sadd.s32 @!p0 s3, s7;
	s7 =	simm.s32 @!p0 $0x108  }
0x21: {  	s3 =	sadd.s32 s3, s9;
	s6 =	sadd.s32 @!p0 $0x88, s6;
	s7 =	simm.s32 @p2 $0x1082  }
0x22: {  	[simem:s7], [sflag:s8] =	dma.local @!p0 [hbm:s6], $0xF7A  }
0x23: {  	s9 =	sor.u32 $0xD0000000, s2;
	s6 =	simm.s32 $0x108;
	_ =	swait.ge @!p0 [sflag:s8], $0x0  }
0x24: {  	s3 =	sadd.s32 $0x88, s3;
	s6 =	simm.s32 @!p1 $0x1082;
	[sflag:s4] =	ssyncset.s32 $0xFFFFF086  }
0x25: {  	[simem:s6], [sflag:s4] =	dma.local [hbm:s3], $0xF7A  }
0x26: {  	[smem:$0x3F99] =	sst s1;
	(tag) =	ssettag s2;
	_ =	strace s9  }
0x27: {  	s1 =	sld [smem:$0x3FA9]  }
0x28: {  	s2 =	sld [smem:$0x3FAA]  }
0x29: {  	s4 =	sld [smem:$0x3FAC]  }
0x2a: {  	p0 =	seq.s32 s5, $0x0;
	s5 =	sld [smem:$0x3FAD]  }
0x2b: {  	s6 =	sld [smem:$0x3FAE]  }
0x2c: {  	s7 =	sld [smem:$0x3FAF]  }
0x2d: {  	s3 =	simm.s32 $0x108;
	s8 =	sld [smem:$0x3FB0]  }
0x2e: {  	s3 =	simm.s32 @!p0 $0x1082;
	s9 =	sld [smem:$0x3FB1]  }
0x2f: {  	lr =	sadd.s32 s0, s3;
	s0 =	sld [smem:$0x3FA8]  }
0x30: {  	s3 =	sld [smem:$0x3FAB]  }
0x31: {  	[smem:$0x3FB4] =	sst s10  }
0x32: {  	s10 =	sld [smem:$0x3FB2];
	_ =	sdelay $0x3  }
0x33: {  	p0 =	seq.s32 s10, $0x1;
	s10 =	sld [smem:$0x3FB4];
	_ =	sdelay $0x3  }
0x34: {  	[smem:$0x3FB4] =	sst s10  }
0x35: {  	s10 =	sld [smem:$0x3FB3];
	_ =	sdelay $0x3  }
0x36: {  	p1 =	seq.s32 s10, $0x1;
	s10 =	sld [smem:$0x3FB4];
	_ =	sdelay $0x3  }
0x37: {  	[smem:$0x3FB4] =	sst s10  }
0x38: {  	s10 =	sld [smem:$0x3FB5]  }
0x39: {  	_ = 	snop;
	(pc) =	sbr.ind lr, $3  }
0x3a: {  	_ = 	snop  }
0x3b: {  	_ = 	snop  }
0x3c: {  	p2 =	seq.s32 s10, $0x1;
	s10 =	sld [smem:$0x3FB4]  }
0x3d: {  	_ =	shalt  }
0x3e: {  	_ =	shalt  }
0x3f: {  	_ =	shalt  }
0x40: {  	_ =	shalt  }
0x41: {  	_ =	shalt  }
0x42: {  	_ =	shalt  }
0x43: {  	_ =	shalt  }
0x44: {  	_ =	shalt  }
0x45: {  	_ =	shalt  }
0x46: {  	_ =	shalt  }
0x47: {  	_ =	shalt  }
0x48: {  	_ =	shalt  }
0x49: {  	_ =	shalt  }
0x4a: {  	_ =	shalt  }
0x4b: {  	_ =	shalt  }
0x4c: {  	_ =	shalt  }
0x4d: {  	_ =	shalt  }
0x4e: {  	_ =	shalt  }
0x4f: {  	_ =	shalt  }
0x50: {  	_ =	shalt  }
0x51: {  	_ =	shalt  }
0x52: {  	_ =	shalt  }
0x53: {  	_ =	shalt  }
0x54: {  	_ =	shalt  }
0x55: {  	_ =	shalt  }
0x56: {  	_ =	shalt  }
0x57: {  	_ =	shalt  }
0x58: {  	_ =	shalt  }
0x59: {  	_ =	shalt  }
0x5a: {  	_ =	shalt  }
0x5b: {  	_ =	shalt  }
0x5c: {  	_ =	shalt  }
0x5d: {  	_ =	shalt  }
0x5e: {  	_ =	shalt  }
0x5f: {  	_ =	shalt  }
0x60: {  	_ =	shalt  }
0x61: {  	_ =	shalt  }
0x62: {  	_ =	shalt  }
0x63: {  	_ =	shalt  }
0x64: {  	_ =	shalt  }
0x65: {  	_ =	shalt  }
0x66: {  	_ =	shalt  }
0x67: {  	_ =	shalt  }
0x68: {  	_ =	shalt  }
0x69: {  	_ =	shalt  }
0x6a: {  	_ =	shalt  }
0x6b: {  	_ =	shalt  }
0x6c: {  	_ =	shalt  }
0x6d: {  	_ =	shalt  }
0x6e: {  	_ =	shalt  }
0x6f: {  	_ =	shalt  }
0x70: {  	_ =	shalt  }
0x71: {  	_ =	shalt  }
0x72: {  	_ =	shalt  }
0x73: {  	_ =	shalt  }
0x74: {  	_ =	shalt  }
0x75: {  	_ =	shalt  }
0x76: {  	_ =	shalt  }
0x77: {  	_ =	shalt  }
0x78: {  	_ =	shalt  }
0x79: {  	_ =	shalt  }
0x7a: {  	_ =	shalt  }
0x7b: {  	_ =	shalt  }
0x7c: {  	_ =	shalt  }
0x7d: {  	_ =	shalt  }
0x7e: {  	_ =	shalt  }
0x7f: {  	_ =	shalt  }
0x80: {  	_ =	shalt  }
0x81: {  	_ =	shalt  }
0x82: {  	_ =	shalt  }
0x83: {  	_ =	shalt  }
0x84: {  	_ =	shalt  }
0x85: {  	_ =	shalt  }
0x86: {  	_ =	shalt  }
0x87: {  	_ =	shalt  }
.Lfunc_end0:
.L_simem_size_0:
called_computation_lowered:
.L_overlay_start_0:
0x88: {  	s2 =	sld [smem:$0x3FD9]  }
0x89: {  	s3 =	sld [smem:$0x3FFE];
	_ =	sdelay $0x1  }
0x8a: {  	s1 =	srdreg.scid  }
0x8b: {  	s0 =	sand.u32 $0x1, s1  }
0x8c: {  	s17 =	sshll.u32 s0, $0xA;
	s2 =	sadd.s32 s3, s2  }
0x8d: {  	s2 =	sadd.s32 s2, s17  }
0x8e: {  	[smem:$0x3FC0] =	sst s2  }
0x8f: {  	_ = 	snop  }
0x90: {  	s18 =	sld [smem:$0x3FC9]  }
0x91: {  	s4 =	sld [smem:$0x3FD0];
	(tm) =	ssettm $0x1  }
0x92: {  	s19 =	sld [smem:$0x3FFB];
	_ =	sdelay $0x3  }
0x93: {  	_ =	strace s19  }
0x94: {  	s2 =	sld [smem:$0x3FFC];
	_ =	sdelay $0x3  }
0x95: {  	_ =	strace s2  }
0x96: {  	s2 =	sld [smem:$0x3FFD];
	_ =	sdelay $0x3  }
0x97: {  	_ =	strace s2  }
0x98: {  	_ =	strace $0x8FFFFFFF  }
0x99: {  	s20 =	sld [smem:$0x3FDB];
	_ =	sdelay $0x1  }
0x9a: {  	s5 =	simm.s32 $_scs_section_size  }
0x9b: {  	s6 =	simm.s32 $_size__tile_overlayer_lowered;
	s7 =	simm.s32 $_tile_overlayer_lowered  }
0x9c: {  	s8 =	simm.s32 $0x1BFF;
	s21 =	sshll.u32 s7, $0x1;
	s5 =	sadd.s32 s5, s20  }
0x9d: {  	s22 =	simm.s32 $0x0;
	s6 =	sshll.u32 s6, $0x1;
	s7 =	sadd.s32 s21, s5  }
0x9e: {  	[timem:s22], [sflag:s8] =	dma.local [hbm:s7], s6  }
0x9f: {  	_ =	swait.ge [sflag:s8], s6  }
0xa0: {  	s6 =	ssub.s32 $0x0, s6;
	[sflag:s8] =	ssyncset.done $0x0  }
0xa1: {  	[sflag:s8] =	ssyncadd.s32 s6;
	_ =	sdelay $0x1  }
0xa2: {  	s23 =	simm.s32 $0x1B8B  }
0xa3: {  	_ =	swait.ge [sflag:s23], $0x1  }
0xa4: {  	[sflag:s23] =	ssyncset.done $0x0  }
0xa5: {  	[sflag:s23] =	ssyncadd.s32 $0xFFFFFFFF  }
0xa6: {  	s6 =	sld [smem:$0x0]  }
0xa7: {  	s7 =	sand.u32 $0xFFFFFFFE, s1  }
0xa8: {  	p0 =	sne.s32 s1, s7  }
0xa9: {  	s7 =	sshll.u32 @p0 s7, $0xE  }
0xaa: {  	s7 =	sadd.s32 @p0 $0x11B8D, s7;
	s8 =	sshll.u32 @p0 s6, $0x11  }
0xab: {  	s7 =	sor.u32 @p0 s8, s7  }
0xac: {  	[sflag:s7] =	ssyncadd.remote.s32 @p0 $0x1;
	_ =	sdelay $0x1  }
0xad: {  	s7 =	simm.s32 @p0 $0x1B8D  }
0xae: {  	_ =	swait.eq @p0 [sflag:s7], $0x1  }
0xaf: {  	[sflag:s7] =	ssyncadd.s32 @p0 $0xFFFFFFFF  }
0xb0: {  	s8 =	sshll.u32 @!p0 s1, $0xE  }
0xb1: {  	s8 =	sor.u32 @!p0 $0x4000, s8;
	s7 =	simm.s32 @!p0 $0x1B8D  }
0xb2: {  	s6 =	sshll.u32 @!p0 s6, $0x11;
	s8 =	sadd.s32 @!p0 $0x11B8D, s8;
	_ =	swait.eq @!p0 [sflag:s7], $0x1  }
0xb3: {  	s6 =	sor.u32 @!p0 s6, s8;
	[sflag:s7] =	ssyncadd.s32 @!p0 $0xFFFFFFFF  }
0xb4: {  	s25 =	simm.s32 $0x1B8E;
	s24 =	sld [smem:$0x3FFE];
	[sflag:s6] =	ssyncadd.remote.s32 @!p0 $0x1  }
0xb5: {  	s26 =	simm.s32 $execute0_lowered;
	[smem:$0x3FD2] =	sst s25  }
0xb6: {  	s7 =	sshll.u32 s26, $0x1;
	_ =	strace $0x80000049;
	[dreg:$0x1] =	wrdreg $0xFFFFFFFF  }
0xb7: {  	s28 =	simm.s32 $_size_execute0_lowered;
	s5 =	sadd.s32 s5, s7;
	[dreg:$0x0] =	wrdreg $0x0  }
0xb8: {  	s7 =	sshll.u32 s28, $0x1;
	[dreg:$0x2] =	wrdreg s5  }
0xb9: {  	[dreg:$0x3] =	wrdreg s7  }
0xba: {  	[dreg:$0x4] =	wrdreg $0xC0  }
0xbb: {  	_ =	task [dreg:s22], $0x5FFFF  }
0xbc: {  	[dreg:$0x1] =	wrdreg $0xFFFFFFFF  }
0xbd: {  	[dreg:$0x0] =	wrdreg $0x60  }
0xbe: {  	[dreg:$0x2] =	wrdreg s18  }
0xbf: {  	[dreg:$0x3] =	wrdreg s4  }
0xc0: {  	[dreg:$0x4] =	wrdreg s24  }
0xc1: {  	[dreg:$0x5] =	wrdreg $0x9  }
0xc2: {  	_ =	task.clear_ibuf [dreg:s22], $0x6FFFF;
	_ =	strace $0x90000049  }
0xc3: {  	s29 =	simm.s32 $0x9;
	_ =	strace $0x8000004B  }
0xc4: {  	_ =	swait.ge [sflag:s29], $0x1  }
0xc5: {  	[sflag:s29] =	ssyncadd.s32 $0xFFFFFFFF  }
0xc6: {  	_ =	strace $0x9000004B  }
0xc7: {  	_ =	sfence  }
0xc8: {  	s30 =	sld [smem:$0x0];
	_ =	sdelay $0x2  }
0xc9: {  	s31 =	sshll.u32 s1, $0xD;
	s1 =	sshrl.u32 s1, $0x2  }
0xca: {  	s4 =	sand.u32 $0x4000, s31;
	s1 =	sadd.s32 s1, s30  }
0xcb: {  	s0 =	sor.u32 s4, s0;
	s1 =	sshll.u32 s1, $0x11  }
0xcc: {  	s0 =	sor.u32 s1, s0  }
0xcd: {  	s0 =	sadd.s32 $0x8F2B, s0  }
0xce: {  	[sflag:s0] =	ssyncadd.remote.s32 $0x1  }
0xcf: {  	_ =	sfence.sel $0xFFFF  }
0xd0: {  	[dreg:$0x0] =	wrdreg $0xFFFFFFFF;
	(pc) =	sbr.abs _section_cstart, $3  }
0xd1: {  	[dreg:$0x1] =	wrdreg $0xFFFFFFFF  }
0xd2: {  	_ =	task.clear_ibuf [dreg:s22], $0x2FFFF;
	_ =	strace $0x9FFFFFFF  }
0xd3: {  	(tm) =	ssettm $0x7FFFFFFF  }
tec
execute0_lowered:
.L_overlay_start_1:
0x0: {  	(tag) =	ssettag $0x1  }
0x1: {  	s2 =	rddreg [dreg:$0x0]  }
0x2: {  	s1 =	srdreg.scid;
	s0 =	stileid.u32  }
0x3: {  	s29 =	rddreg [dreg:$0x1];
	s1 =	sand.u32 $0x1, s1;
	s5 =	sshll.u32 s0, $0x1  }
0x4: {  	s4 =	rddreg [dreg:$0x2];
	s3 =	simm.s32 $0x0;
	s5 =	sor.u32 s1, s5  }
0x5: {  	[smem:$0x7FF] =	sst s3;
	s30 =	smul.u32 $0x1450, s5  }
0x6: {  	[dreg:$0xb] =	wrdreg s1;
	s5 =	smul.u32 $0x14500, s5  }
0x7: {  	s31 =	sadd.s32 $0x25FE00, s4;
	_ =	strace $0x8000004A;
	s13 =	sshrl.u32 s30, $0x3  }
0x8: {  	s6 =	sadd.s32 $0x190, s30;
	s11 =	sadd.s32 $0x320, s30;
	s15 =	sadd.s32 s31, s5  }
0x9: {  	s4 =	sadd.s32 s29, s13;
	s7 =	sshrl.u32 s6, $0x3;
	[dreg:$0x6] =	wrdreg s15  }
0xa: {  	s16 =	sshrl.u32 s11, $0x3;
	[dreg:$0x4] =	wrdreg s4;
	s14 =	sadd.s32 s29, s7  }
0xb: {  	s17 =	sadd.s32 s29, s16;
	[dreg:$0x5] =	wrdreg s14  }
0xc: {  	s18 =	sshll.u32 s6, $0x4;
	s13 =	sadd.s32 $0x4B0, s30;
	[dreg:$0x7] =	wrdreg s17  }
0xd: {  	s4 =	sadd.s32 s31, s18;
	s19 =	sshrl.u32 s13, $0x3;
	s20 =	rddreg [dreg:$0x4]  }
0xe: {  	[dreg:$0x8] =	wrdreg s4;
	s21 =	sadd.s32 s29, s19  }
0xf: {  	s4 =	simm.s32 $0x3;
	[dreg:$0x9] =	wrdreg s21  }
0x10: {  	[tilespmem:s3], [sflag:$0x3] =	stream.linear.gather [hbm4b:s20+s3], $0x190, $0x38;
	[tilespmem:$0x19400] =	vst v63  }
0x11: {  	_ =	swait.ge [sflag:s4], $0x190  }
0x12: {  	[sflag:s4] =	ssyncset.done $0x0  }
0x13: {  	s5 =	simm.s32 $0x190;
	s6 =	simm.s32 $0x400;
	[sflag:s4] =	ssyncadd.s32 $0xFFFFFE70  }
0x14: {  	[tilespmem:s6], [sflag:$0x1] =	stream.indirect.gather [hbm4b:s2+s5], $0x80, s3, s5, $0xb8;
	[tilespmem:$0x19400] =	vst v63  }
0x15: {  	s7 =	simm.s32 $0x200;
	s8 =	rddreg [dreg:$0x5]  }
0x16: {  	[tilespmem:s7], [sflag:$0x3] =	stream.linear.gather [hbm4b:s8+s3], $0x190, $0x38;
	[tilespmem:$0x19400] =	vst v63  }
0x17: {  	_ =	swait.ge [sflag:s4], $0x190  }
0x18: {  	[sflag:s4] =	ssyncset.done $0x0  }
0x19: {  	s9 =	simm.s32 $0x1;
	s8 =	simm.s32 $0xCC00;
	[sflag:s4] =	ssyncadd.s32 $0xFFFFFE70  }
0x1a: {  	[tilespmem:s8], [sflag:$0x1] =	stream.indirect.gather [hbm4b:s2+s5], $0x80, s7, s5, $0xb8;
	[tilespmem:$0x19400] =	vst v63  }
0x1b: {  	_ =	swait.ge [sflag:s9], $0xC800  }
0x1c: {  	[sflag:s9] =	ssyncset.done $0x0  }
0x1d: {  	s10 =	rddreg [dreg:$0x6];
	[sflag:s9] =	ssyncadd.s32 $0xFFFF3800  }
0x1e: {  	[hbm4b:s10+s3] =	stream.linear.scatter [tilespmem:s6], [sflag:$0x2], $0xC800, $0x38;
	[tilespmem:$0x19400] =	vst v63  }
0x1f: {  	s12 =	rddreg [dreg:$0x7]  }
0x20: {  	[tilespmem:s3], [sflag:$0x3] =	stream.linear.gather [hbm4b:s12+s3], $0x190, $0x38;
	[tilespmem:$0x19400] =	vst v63  }
0x21: {  	_ =	swait.ge [sflag:s4], $0x190  }
0x22: {  	[sflag:s4] =	ssyncset.done $0x0  }
0x23: {  	s10 =	simm.s32 $0x2;
	[sflag:s4] =	ssyncadd.s32 $0xFFFFFE70  }
0x24: {  	_ =	swait.ge [sflag:s10], $0xC800  }
0x25: {  	[sflag:s10] =	ssyncset.done $0x0  }
0x26: {  	[sflag:s10] =	ssyncadd.s32 $0xFFFF3800  }
0x27: {  	[tilespmem:s6], [sflag:$0x1] =	stream.indirect.gather [hbm4b:s2+s5], $0x80, s3, s5, $0xb8;
	[tilespmem:$0x19400] =	vst v63  }
0x28: {  	_ =	swait.ge [sflag:s9], $0xC800  }
0x29: {  	[sflag:s9] =	ssyncset.done $0x0  }
0x2a: {  	s22 =	rddreg [dreg:$0x8];
	[sflag:s9] =	ssyncadd.s32 $0xFFFF3800  }
0x2b: {  	[hbm4b:s22+s3] =	stream.linear.scatter [tilespmem:s8], [sflag:$0x2], $0xC800, $0x38;
	[tilespmem:$0x19400] =	vst v63  }
0x2c: {  	s14 =	rddreg [dreg:$0x9]  }
0x2d: {  	[tilespmem:s7], [sflag:$0x3] =	stream.linear.gather [hbm4b:s14+s3], $0x190, $0x38;
	[tilespmem:$0x19400] =	vst v63  }
0x2e: {  	_ =	swait.ge [sflag:s4], $0x190  }
0x2f: {  	[sflag:s4] =	ssyncset.done $0x0  }
0x30: {  	[sflag:s4] =	ssyncadd.s32 $0xFFFFFE70  }
0x31: {  	_ =	swait.ge [sflag:s10], $0xC800  }
0x32: {  	[sflag:s10] =	ssyncset.done $0x0  }
0x33: {  	[sflag:s10] =	ssyncadd.s32 $0xFFFF3800  }
0x34: {  	[tilespmem:s8], [sflag:$0x1] =	stream.indirect.gather [hbm4b:s2+s5], $0x80, s7, s5, $0xb8;
	[tilespmem:$0x19400] =	vst v63  }
0x35: {  	_ =	swait.ge [sflag:s9], $0xC800  }
0x36: {  	s11 =	sshll.u32 s11, $0x4;
	s15 =	sadd.s32 $0x640, s30;
	[sflag:s9] =	ssyncset.done $0x0  }
0x37: {  	s23 =	sadd.s32 s31, s11;
	s24 =	sshrl.u32 s15, $0x3;
	[sflag:s9] =	ssyncadd.s32 $0xFFFF3800  }
0x38: {  	[hbm4b:s23+s3] =	stream.linear.scatter [tilespmem:s6], [sflag:$0x2], $0xC800, $0x38;
	[tilespmem:$0x19400] =	vst v63  }
0x39: {  	s25 =	sadd.s32 s29, s24;
	[dreg:$0xa] =	wrdreg s23  }
0x3a: {  	[tilespmem:s3], [sflag:$0x3] =	stream.linear.gather [hbm4b:s25+s3], $0x190, $0x38;
	[tilespmem:$0x19400] =	vst v63  }
0x3b: {  	_ =	swait.ge [sflag:s4], $0x190  }
0x3c: {  	[sflag:s4] =	ssyncset.done $0x0  }
0x3d: {  	[sflag:s4] =	ssyncadd.s32 $0xFFFFFE70  }
0x3e: {  	_ =	swait.ge [sflag:s10], $0xC800  }
0x3f: {  	[sflag:s10] =	ssyncset.done $0x0  }
0x40: {  	[sflag:s10] =	ssyncadd.s32 $0xFFFF3800  }
0x41: {  	[tilespmem:s6], [sflag:$0x1] =	stream.indirect.gather [hbm4b:s2+s5], $0x80, s3, s5, $0xb8;
	[tilespmem:$0x19400] =	vst v63  }
0x42: {  	_ =	swait.ge [sflag:s9], $0xC800  }
0x43: {  	s13 =	sshll.u32 s13, $0x4;
	s17 =	sadd.s32 $0x7D0, s30;
	[sflag:s9] =	ssyncset.done $0x0  }
0x44: {  	s13 =	sadd.s32 s31, s13;
	s26 =	sshrl.u32 s17, $0x3;
	[sflag:s9] =	ssyncadd.s32 $0xFFFF3800  }
0x45: {  	[hbm4b:s13+s3] =	stream.linear.scatter [tilespmem:s8], [sflag:$0x2], $0xC800, $0x38;
	[tilespmem:$0x19400] =	vst v63  }
0x46: {  	s14 =	sadd.s32 s29, s26  }
0x47: {  	[tilespmem:s7], [sflag:$0x3] =	stream.linear.gather [hbm4b:s14+s3], $0x190, $0x38;
	[tilespmem:$0x19400] =	vst v63  }
0x48: {  	_ =	swait.ge [sflag:s4], $0x190  }
0x49: {  	[sflag:s4] =	ssyncset.done $0x0  }
0x4a: {  	[sflag:s4] =	ssyncadd.s32 $0xFFFFFE70  }
0x4b: {  	_ =	swait.ge [sflag:s10], $0xC800  }
0x4c: {  	[sflag:s10] =	ssyncset.done $0x0  }
0x4d: {  	[sflag:s10] =	ssyncadd.s32 $0xFFFF3800  }
0x4e: {  	[tilespmem:s8], [sflag:$0x1] =	stream.indirect.gather [hbm4b:s2+s5], $0x80, s7, s5, $0xb8;
	[tilespmem:$0x19400] =	vst v63  }
0x4f: {  	_ =	swait.ge [sflag:s9], $0xC800  }
0x50: {  	s15 =	sshll.u32 s15, $0x4;
	s19 =	sadd.s32 $0x960, s30;
	[sflag:s9] =	ssyncset.done $0x0  }
0x51: {  	s15 =	sadd.s32 s31, s15;
	s16 =	sshrl.u32 s19, $0x3;
	[sflag:s9] =	ssyncadd.s32 $0xFFFF3800  }
0x52: {  	[hbm4b:s15+s3] =	stream.linear.scatter [tilespmem:s6], [sflag:$0x2], $0xC800, $0x38;
	[tilespmem:$0x19400] =	vst v63  }
0x53: {  	s16 =	sadd.s32 s29, s16  }
0x54: {  	[tilespmem:s3], [sflag:$0x3] =	stream.linear.gather [hbm4b:s16+s3], $0x190, $0x38;
	[tilespmem:$0x19400] =	vst v63  }
0x55: {  	_ =	swait.ge [sflag:s4], $0x190  }
0x56: {  	[sflag:s4] =	ssyncset.done $0x0  }
0x57: {  	[sflag:s4] =	ssyncadd.s32 $0xFFFFFE70  }
0x58: {  	_ =	swait.ge [sflag:s10], $0xC800  }
0x59: {  	[sflag:s10] =	ssyncset.done $0x0  }
0x5a: {  	[sflag:s10] =	ssyncadd.s32 $0xFFFF3800  }
0x5b: {  	[tilespmem:s6], [sflag:$0x1] =	stream.indirect.gather [hbm4b:s2+s5], $0x80, s3, s5, $0xb8;
	[tilespmem:$0x19400] =	vst v63  }
0x5c: {  	_ =	swait.ge [sflag:s9], $0xC800  }
0x5d: {  	s17 =	sshll.u32 s17, $0x4;
	s21 =	sadd.s32 $0xAF0, s30;
	[sflag:s9] =	ssyncset.done $0x0  }
0x5e: {  	s17 =	sadd.s32 s31, s17;
	s18 =	sshrl.u32 s21, $0x3;
	[sflag:s9] =	ssyncadd.s32 $0xFFFF3800  }
0x5f: {  	[hbm4b:s17+s3] =	stream.linear.scatter [tilespmem:s8], [sflag:$0x2], $0xC800, $0x38;
	[tilespmem:$0x19400] =	vst v63  }
0x60: {  	s18 =	sadd.s32 s29, s18  }
0x61: {  	[tilespmem:s7], [sflag:$0x3] =	stream.linear.gather [hbm4b:s18+s3], $0x190, $0x38;
	[tilespmem:$0x19400] =	vst v63  }
0x62: {  	_ =	swait.ge [sflag:s4], $0x190  }
0x63: {  	[sflag:s4] =	ssyncset.done $0x0  }
0x64: {  	[sflag:s4] =	ssyncadd.s32 $0xFFFFFE70  }
0x65: {  	_ =	swait.ge [sflag:s10], $0xC800  }
0x66: {  	[sflag:s10] =	ssyncset.done $0x0  }
0x67: {  	[sflag:s10] =	ssyncadd.s32 $0xFFFF3800  }
0x68: {  	[tilespmem:s8], [sflag:$0x1] =	stream.indirect.gather [hbm4b:s2+s5], $0x80, s7, s5, $0xb8;
	[tilespmem:$0x19400] =	vst v63  }
0x69: {  	_ =	swait.ge [sflag:s9], $0xC800  }
0x6a: {  	s19 =	sshll.u32 s19, $0x4;
	s23 =	sadd.s32 $0xC80, s30;
	[sflag:s9] =	ssyncset.done $0x0  }
0x6b: {  	s19 =	sadd.s32 s31, s19;
	s20 =	sshrl.u32 s23, $0x3;
	[sflag:s9] =	ssyncadd.s32 $0xFFFF3800  }
0x6c: {  	[hbm4b:s19+s3] =	stream.linear.scatter [tilespmem:s6], [sflag:$0x2], $0xC800, $0x38;
	[tilespmem:$0x19400] =	vst v63  }
0x6d: {  	s20 =	sadd.s32 s29, s20  }
0x6e: {  	[tilespmem:s3], [sflag:$0x3] =	stream.linear.gather [hbm4b:s20+s3], $0x190, $0x38;
	[tilespmem:$0x19400] =	vst v63  }
0x6f: {  	_ =	swait.ge [sflag:s4], $0x190  }
0x70: {  	[sflag:s4] =	ssyncset.done $0x0  }
0x71: {  	[sflag:s4] =	ssyncadd.s32 $0xFFFFFE70  }
0x72: {  	_ =	swait.ge [sflag:s10], $0xC800  }
0x73: {  	[sflag:s10] =	ssyncset.done $0x0  }
0x74: {  	[sflag:s10] =	ssyncadd.s32 $0xFFFF3800  }
0x75: {  	[tilespmem:s6], [sflag:$0x1] =	stream.indirect.gather [hbm4b:s2+s5], $0x80, s3, s5, $0xb8;
	[tilespmem:$0x19400] =	vst v63  }
0x76: {  	s21 =	sshll.u32 s21, $0x4;
	_ =	swait.ge [sflag:s9], $0xC800  }
0x77: {  	s12 =	smov.u32 s25;
	s25 =	sadd.s32 $0xE10, s30;
	[sflag:s9] =	ssyncset.done $0x0  }
0x78: {  	s21 =	sadd.s32 s31, s21;
	s22 =	sshrl.u32 s25, $0x3;
	[sflag:s9] =	ssyncadd.s32 $0xFFFF3800  }
0x79: {  	[hbm4b:s21+s3] =	stream.linear.scatter [tilespmem:s8], [sflag:$0x2], $0xC800, $0x38;
	[tilespmem:$0x19400] =	vst v63  }
0x7a: {  	s22 =	sadd.s32 s29, s22  }
0x7b: {  	[tilespmem:s7], [sflag:$0x3] =	stream.linear.gather [hbm4b:s22+s3], $0x190, $0x38;
	[tilespmem:$0x19400] =	vst v63  }
0x7c: {  	_ =	swait.ge [sflag:s4], $0x190  }
0x7d: {  	[sflag:s4] =	ssyncset.done $0x0  }
0x7e: {  	[sflag:s4] =	ssyncadd.s32 $0xFFFFFE70  }
0x7f: {  	_ =	swait.ge [sflag:s10], $0xC800  }
0x80: {  	[sflag:s10] =	ssyncset.done $0x0  }
0x81: {  	[sflag:s10] =	ssyncadd.s32 $0xFFFF3800  }
0x82: {  	[tilespmem:s8], [sflag:$0x1] =	stream.indirect.gather [hbm4b:s2+s5], $0x80, s7, s5, $0xb8;
	[tilespmem:$0x19400] =	vst v63  }
0x83: {  	_ =	swait.ge [sflag:s9], $0xC800  }
0x84: {  	s28 =	sadd.s32 $0xFA0, s30;
	s23 =	sshll.u32 s23, $0x4;
	[sflag:s9] =	ssyncset.done $0x0  }
0x85: {  	s24 =	sshrl.u32 s28, $0x3;
	s23 =	sadd.s32 s31, s23;
	[sflag:s9] =	ssyncadd.s32 $0xFFFF3800  }
0x86: {  	[hbm4b:s23+s3] =	stream.linear.scatter [tilespmem:s6], [sflag:$0x2], $0xC800, $0x38;
	[tilespmem:$0x19400] =	vst v63  }
0x87: {  	s24 =	sadd.s32 s29, s24  }
0x88: {  	[tilespmem:s3], [sflag:$0x3] =	stream.linear.gather [hbm4b:s24+s3], $0x190, $0x38;
	[tilespmem:$0x19400] =	vst v63  }
0x89: {  	_ =	swait.ge [sflag:s4], $0x190  }
0x8a: {  	[sflag:s4] =	ssyncset.done $0x0  }
0x8b: {  	[sflag:s4] =	ssyncadd.s32 $0xFFFFFE70  }
0x8c: {  	_ =	swait.ge [sflag:s10], $0xC800  }
0x8d: {  	[sflag:s10] =	ssyncset.done $0x0  }
0x8e: {  	[sflag:s10] =	ssyncadd.s32 $0xFFFF3800  }
0x8f: {  	[tilespmem:s6], [sflag:$0x1] =	stream.indirect.gather [hbm4b:s2+s5], $0x80, s3, s5, $0xb8;
	[tilespmem:$0x19400] =	vst v63  }
0x90: {  	_ =	swait.ge [sflag:s9], $0xC800  }
0x91: {  	s0 =	sadd.s32 $0x1130, s30;
	s25 =	sshll.u32 s25, $0x4;
	[sflag:s9] =	ssyncset.done $0x0  }
0x92: {  	s26 =	sshrl.u32 s0, $0x3;
	s25 =	sadd.s32 s31, s25;
	[sflag:s9] =	ssyncadd.s32 $0xFFFF3800  }
0x93: {  	[hbm4b:s25+s3] =	stream.linear.scatter [tilespmem:s8], [sflag:$0x2], $0xC800, $0x38;
	[tilespmem:$0x19400] =	vst v63  }
0x94: {  	s26 =	sadd.s32 s29, s26  }
0x95: {  	[tilespmem:s7], [sflag:$0x3] =	stream.linear.gather [hbm4b:s26+s3], $0x190, $0x38;
	[tilespmem:$0x19400] =	vst v63  }
0x96: {  	_ =	swait.ge [sflag:s4], $0x190  }
0x97: {  	[sflag:s4] =	ssyncset.done $0x0  }
0x98: {  	[sflag:s4] =	ssyncadd.s32 $0xFFFFFE70  }
0x99: {  	_ =	swait.ge [sflag:s10], $0xC800  }
0x9a: {  	[sflag:s10] =	ssyncset.done $0x0  }
0x9b: {  	[sflag:s10] =	ssyncadd.s32 $0xFFFF3800  }
0x9c: {  	[tilespmem:s8], [sflag:$0x1] =	stream.indirect.gather [hbm4b:s2+s5], $0x80, s7, s5, $0xb8;
	[tilespmem:$0x19400] =	vst v63  }
0x9d: {  	_ =	swait.ge [sflag:s9], $0xC800  }
0x9e: {  	s11 =	sadd.s32 $0x12C0, s30;
	s28 =	sshll.u32 s28, $0x4;
	[sflag:s9] =	ssyncset.done $0x0  }
0x9f: {  	s28 =	sadd.s32 s31, s28;
	s30 =	sshrl.u32 s11, $0x3;
	[sflag:s9] =	ssyncadd.s32 $0xFFFF3800  }
0xa0: {  	[hbm4b:s28+s3] =	stream.linear.scatter [tilespmem:s6], [sflag:$0x2], $0xC800, $0x38;
	[tilespmem:$0x19400] =	vst v63  }
0xa1: {  	s29 =	sadd.s32 s29, s30  }
0xa2: {  	[tilespmem:s3], [sflag:$0x3] =	stream.linear.gather [hbm4b:s29+s3], $0x190, $0x38;
	[tilespmem:$0x19400] =	vst v63  }
0xa3: {  	_ =	swait.ge [sflag:s4], $0x190  }
0xa4: {  	[sflag:s4] =	ssyncset.done $0x0  }
0xa5: {  	[sflag:s4] =	ssyncadd.s32 $0xFFFFFE70  }
0xa6: {  	_ =	swait.ge [sflag:s10], $0xC800  }
0xa7: {  	[sflag:s10] =	ssyncset.done $0x0  }
0xa8: {  	[sflag:s10] =	ssyncadd.s32 $0xFFFF3800  }
0xa9: {  	[tilespmem:s6], [sflag:$0x1] =	stream.indirect.gather [hbm4b:s2+s5], $0x80, s3, s5, $0xb8;
	[tilespmem:$0x19400] =	vst v63  }
0xaa: {  	_ =	swait.ge [sflag:s9], $0xC800  }
0xab: {  	s1 =	sshll.u32 s0, $0x4;
	[sflag:s9] =	ssyncset.done $0x0  }
0xac: {  	s30 =	sadd.s32 s31, s1;
	[sflag:s9] =	ssyncadd.s32 $0xFFFF3800  }
0xad: {  	[hbm4b:s30+s3] =	stream.linear.scatter [tilespmem:s8], [sflag:$0x2], $0xC800, $0x38;
	[tilespmem:$0x19400] =	vst v63  }
0xae: {  	_ =	swait.ge [sflag:s9], $0xC800  }
0xaf: {  	s0 =	sshll.u32 s11, $0x4;
	[sflag:s9] =	ssyncset.done $0x0;
	s1 =	rddreg [dreg:$0xb]  }
0xb0: {  	s31 =	sadd.s32 s31, s0;
	s0 =	ssub.s32 $0x2, s1;
	[sflag:s9] =	ssyncadd.s32 $0xFFFF3800  }
0xb1: {  	[hbm4b:s31+s3] =	stream.linear.scatter [tilespmem:s6], [sflag:$0x2], $0xC800, $0x38;
	[tilespmem:$0x19400] =	vst v63  }
0xb2: {  	s11 =	sshrl.u32 s0, $0x1  }
0xb3: {  	s0 =	ssub.s32 s0, s11  }
0xb4: {  	s0 =	smax.u32 s0, $0x1  }
0xb5: {  	p0 =	sne.s32 s0, $0x1  }
.Ltmp0:
0xb6: {  	_ =	swait.ge [sflag:s10], $0xC800;
	(pc) =	sbr.rel @!p0 .LBB2_2-.Ltmp0, $4  }
0xb7: {  	[sflag:s10] =	ssyncset.done $0x0  }
0xb8: {  	[sflag:s10] =	ssyncadd.s32 $0xFFFF3800  }
0xb9: {  	_ =	swait.ge [sflag:s10], $0xC800  }
0xba: {  	s1 =	sadd.s32 $0xFFFFFFFF, s0;
	[sflag:s10] =	ssyncset.done $0x0  }
.LBB2_1:
0xbb: {  	s0 =	rddreg [dreg:$0x4];
	[sflag:s10] =	ssyncadd.s32 $0xFFFF3800  }
0xbc: {  	[tilespmem:s3], [sflag:$0x3] =	stream.linear.gather [hbm4b:s0+s3], $0x190, $0x38;
	[tilespmem:$0x19400] =	vst v63  }
0xbd: {  	_ =	swait.ge [sflag:s4], $0x190  }
0xbe: {  	[sflag:s4] =	ssyncset.done $0x0  }
0xbf: {  	[sflag:s4] =	ssyncadd.s32 $0xFFFFFE70  }
0xc0: {  	[tilespmem:s6], [sflag:$0x1] =	stream.indirect.gather [hbm4b:s2+s5], $0x80, s3, s5, $0xb8;
	[tilespmem:$0x19400] =	vst v63  }
0xc1: {  	s11 =	rddreg [dreg:$0x5]  }
0xc2: {  	[tilespmem:s7], [sflag:$0x3] =	stream.linear.gather [hbm4b:s11+s3], $0x190, $0x38;
	[tilespmem:$0x19400] =	vst v63  }
0xc3: {  	_ =	swait.ge [sflag:s4], $0x190  }
0xc4: {  	[sflag:s4] =	ssyncset.done $0x0  }
0xc5: {  	[sflag:s4] =	ssyncadd.s32 $0xFFFFFE70  }
0xc6: {  	[tilespmem:s8], [sflag:$0x1] =	stream.indirect.gather [hbm4b:s2+s5], $0x80, s7, s5, $0xb8;
	[tilespmem:$0x19400] =	vst v63  }
0xc7: {  	_ =	swait.ge [sflag:s9], $0xC800  }
0xc8: {  	[sflag:s9] =	ssyncset.done $0x0  }
0xc9: {  	s0 =	rddreg [dreg:$0x6];
	[sflag:s9] =	ssyncadd.s32 $0xFFFF3800  }
0xca: {  	[hbm4b:s0+s3] =	stream.linear.scatter [tilespmem:s6], [sflag:$0x2], $0xC800, $0x38;
	[tilespmem:$0x19400] =	vst v63  }
0xcb: {  	s11 =	rddreg [dreg:$0x7]  }
0xcc: {  	[tilespmem:s3], [sflag:$0x3] =	stream.linear.gather [hbm4b:s11+s3], $0x190, $0x38;
	[tilespmem:$0x19400] =	vst v63  }
0xcd: {  	_ =	swait.ge [sflag:s4], $0x190  }
0xce: {  	[sflag:s4] =	ssyncset.done $0x0  }
0xcf: {  	[sflag:s4] =	ssyncadd.s32 $0xFFFFFE70  }
0xd0: {  	_ =	swait.ge [sflag:s10], $0xC800  }
0xd1: {  	[sflag:s10] =	ssyncset.done $0x0  }
0xd2: {  	[sflag:s10] =	ssyncadd.s32 $0xFFFF3800  }
0xd3: {  	[tilespmem:s6], [sflag:$0x1] =	stream.indirect.gather [hbm4b:s2+s5], $0x80, s3, s5, $0xb8;
	[tilespmem:$0x19400] =	vst v63  }
0xd4: {  	_ =	swait.ge [sflag:s9], $0xC800  }
0xd5: {  	[sflag:s9] =	ssyncset.done $0x0  }
0xd6: {  	s0 =	rddreg [dreg:$0x8];
	[sflag:s9] =	ssyncadd.s32 $0xFFFF3800  }
0xd7: {  	[hbm4b:s0+s3] =	stream.linear.scatter [tilespmem:s8], [sflag:$0x2], $0xC800, $0x38;
	[tilespmem:$0x19400] =	vst v63  }
0xd8: {  	s11 =	rddreg [dreg:$0x9]  }
0xd9: {  	[tilespmem:s7], [sflag:$0x3] =	stream.linear.gather [hbm4b:s11+s3], $0x190, $0x38;
	[tilespmem:$0x19400] =	vst v63  }
0xda: {  	_ =	swait.ge [sflag:s4], $0x190  }
0xdb: {  	[sflag:s4] =	ssyncset.done $0x0  }
0xdc: {  	[sflag:s4] =	ssyncadd.s32 $0xFFFFFE70  }
0xdd: {  	_ =	swait.ge [sflag:s10], $0xC800  }
0xde: {  	[sflag:s10] =	ssyncset.done $0x0  }
0xdf: {  	[sflag:s10] =	ssyncadd.s32 $0xFFFF3800  }
0xe0: {  	[tilespmem:s8], [sflag:$0x1] =	stream.indirect.gather [hbm4b:s2+s5], $0x80, s7, s5, $0xb8;
	[tilespmem:$0x19400] =	vst v63  }
0xe1: {  	_ =	swait.ge [sflag:s9], $0xC800  }
0xe2: {  	[sflag:s9] =	ssyncset.done $0x0  }
0xe3: {  	s11 =	rddreg [dreg:$0xa];
	[sflag:s9] =	ssyncadd.s32 $0xFFFF3800  }
0xe4: {  	[hbm4b:s11+s3] =	stream.linear.scatter [tilespmem:s6], [sflag:$0x2], $0xC800, $0x38;
	[tilespmem:$0x19400] =	vst v63  }
0xe5: {  	_ = 	snop  }
0xe6: {  	[tilespmem:s3], [sflag:$0x3] =	stream.linear.gather [hbm4b:s12+s3], $0x190, $0x38;
	[tilespmem:$0x19400] =	vst v63  }
0xe7: {  	_ =	swait.ge [sflag:s4], $0x190  }
0xe8: {  	[sflag:s4] =	ssyncset.done $0x0  }
0xe9: {  	[sflag:s4] =	ssyncadd.s32 $0xFFFFFE70  }
0xea: {  	_ =	swait.ge [sflag:s10], $0xC800  }
0xeb: {  	[sflag:s10] =	ssyncset.done $0x0  }
0xec: {  	[sflag:s10] =	ssyncadd.s32 $0xFFFF3800  }
0xed: {  	[tilespmem:s6], [sflag:$0x1] =	stream.indirect.gather [hbm4b:s2+s5], $0x80, s3, s5, $0xb8;
	[tilespmem:$0x19400] =	vst v63  }
0xee: {  	_ =	swait.ge [sflag:s9], $0xC800  }
0xef: {  	[sflag:s9] =	ssyncset.done $0x0  }
0xf0: {  	[sflag:s9] =	ssyncadd.s32 $0xFFFF3800  }
0xf1: {  	[hbm4b:s13+s3] =	stream.linear.scatter [tilespmem:s8], [sflag:$0x2], $0xC800, $0x38;
	[tilespmem:$0x19400] =	vst v63  }
0xf2: {  	_ = 	snop  }
0xf3: {  	[tilespmem:s7], [sflag:$0x3] =	stream.linear.gather [hbm4b:s14+s3], $0x190, $0x38;
	[tilespmem:$0x19400] =	vst v63  }
0xf4: {  	_ =	swait.ge [sflag:s4], $0x190  }
0xf5: {  	[sflag:s4] =	ssyncset.done $0x0  }
0xf6: {  	[sflag:s4] =	ssyncadd.s32 $0xFFFFFE70  }
0xf7: {  	_ =	swait.ge [sflag:s10], $0xC800  }
0xf8: {  	[sflag:s10] =	ssyncset.done $0x0  }
0xf9: {  	[sflag:s10] =	ssyncadd.s32 $0xFFFF3800  }
0xfa: {  	[tilespmem:s8], [sflag:$0x1] =	stream.indirect.gather [hbm4b:s2+s5], $0x80, s7, s5, $0xb8;
	[tilespmem:$0x19400] =	vst v63  }
0xfb: {  	_ =	swait.ge [sflag:s9], $0xC800  }
0xfc: {  	[sflag:s9] =	ssyncset.done $0x0  }
0xfd: {  	[sflag:s9] =	ssyncadd.s32 $0xFFFF3800  }
0xfe: {  	[hbm4b:s15+s3] =	stream.linear.scatter [tilespmem:s6], [sflag:$0x2], $0xC800, $0x38;
	[tilespmem:$0x19400] =	vst v63  }
0xff: {  	_ = 	snop  }
0x100: {  	[tilespmem:s3], [sflag:$0x3] =	stream.linear.gather [hbm4b:s16+s3], $0x190, $0x38;
	[tilespmem:$0x19400] =	vst v63  }
0x101: {  	_ =	swait.ge [sflag:s4], $0x190  }
0x102: {  	[sflag:s4] =	ssyncset.done $0x0  }
0x103: {  	[sflag:s4] =	ssyncadd.s32 $0xFFFFFE70  }
0x104: {  	_ =	swait.ge [sflag:s10], $0xC800  }
0x105: {  	[sflag:s10] =	ssyncset.done $0x0  }
0x106: {  	[sflag:s10] =	ssyncadd.s32 $0xFFFF3800  }
0x107: {  	[tilespmem:s6], [sflag:$0x1] =	stream.indirect.gather [hbm4b:s2+s5], $0x80, s3, s5, $0xb8;
	[tilespmem:$0x19400] =	vst v63  }
0x108: {  	_ =	swait.ge [sflag:s9], $0xC800  }
0x109: {  	[sflag:s9] =	ssyncset.done $0x0  }
0x10a: {  	[sflag:s9] =	ssyncadd.s32 $0xFFFF3800  }
0x10b: {  	[hbm4b:s17+s3] =	stream.linear.scatter [tilespmem:s8], [sflag:$0x2], $0xC800, $0x38;
	[tilespmem:$0x19400] =	vst v63  }
0x10c: {  	_ = 	snop  }
0x10d: {  	[tilespmem:s7], [sflag:$0x3] =	stream.linear.gather [hbm4b:s18+s3], $0x190, $0x38;
	[tilespmem:$0x19400] =	vst v63  }
0x10e: {  	_ =	swait.ge [sflag:s4], $0x190  }
0x10f: {  	[sflag:s4] =	ssyncset.done $0x0  }
0x110: {  	[sflag:s4] =	ssyncadd.s32 $0xFFFFFE70  }
0x111: {  	_ =	swait.ge [sflag:s10], $0xC800  }
0x112: {  	[sflag:s10] =	ssyncset.done $0x0  }
0x113: {  	[sflag:s10] =	ssyncadd.s32 $0xFFFF3800  }
0x114: {  	[tilespmem:s8], [sflag:$0x1] =	stream.indirect.gather [hbm4b:s2+s5], $0x80, s7, s5, $0xb8;
	[tilespmem:$0x19400] =	vst v63  }
0x115: {  	_ =	swait.ge [sflag:s9], $0xC800  }
0x116: {  	[sflag:s9] =	ssyncset.done $0x0  }
0x117: {  	[sflag:s9] =	ssyncadd.s32 $0xFFFF3800  }
0x118: {  	[hbm4b:s19+s3] =	stream.linear.scatter [tilespmem:s6], [sflag:$0x2], $0xC800, $0x38;
	[tilespmem:$0x19400] =	vst v63  }
0x119: {  	_ = 	snop  }
0x11a: {  	[tilespmem:s3], [sflag:$0x3] =	stream.linear.gather [hbm4b:s20+s3], $0x190, $0x38;
	[tilespmem:$0x19400] =	vst v63  }
0x11b: {  	_ =	swait.ge [sflag:s4], $0x190  }
0x11c: {  	[sflag:s4] =	ssyncset.done $0x0  }
0x11d: {  	[sflag:s4] =	ssyncadd.s32 $0xFFFFFE70  }
0x11e: {  	_ =	swait.ge [sflag:s10], $0xC800  }
0x11f: {  	[sflag:s10] =	ssyncset.done $0x0  }
0x120: {  	[sflag:s10] =	ssyncadd.s32 $0xFFFF3800  }
0x121: {  	[tilespmem:s6], [sflag:$0x1] =	stream.indirect.gather [hbm4b:s2+s5], $0x80, s3, s5, $0xb8;
	[tilespmem:$0x19400] =	vst v63  }
0x122: {  	_ =	swait.ge [sflag:s9], $0xC800  }
0x123: {  	[sflag:s9] =	ssyncset.done $0x0  }
0x124: {  	[sflag:s9] =	ssyncadd.s32 $0xFFFF3800  }
0x125: {  	[hbm4b:s21+s3] =	stream.linear.scatter [tilespmem:s8], [sflag:$0x2], $0xC800, $0x38;
	[tilespmem:$0x19400] =	vst v63  }
0x126: {  	_ = 	snop  }
0x127: {  	[tilespmem:s7], [sflag:$0x3] =	stream.linear.gather [hbm4b:s22+s3], $0x190, $0x38;
	[tilespmem:$0x19400] =	vst v63  }
0x128: {  	_ =	swait.ge [sflag:s4], $0x190  }
0x129: {  	[sflag:s4] =	ssyncset.done $0x0  }
0x12a: {  	[sflag:s4] =	ssyncadd.s32 $0xFFFFFE70  }
0x12b: {  	_ =	swait.ge [sflag:s10], $0xC800  }
0x12c: {  	[sflag:s10] =	ssyncset.done $0x0  }
0x12d: {  	[sflag:s10] =	ssyncadd.s32 $0xFFFF3800  }
0x12e: {  	[tilespmem:s8], [sflag:$0x1] =	stream.indirect.gather [hbm4b:s2+s5], $0x80, s7, s5, $0xb8;
	[tilespmem:$0x19400] =	vst v63  }
0x12f: {  	_ =	swait.ge [sflag:s9], $0xC800  }
0x130: {  	[sflag:s9] =	ssyncset.done $0x0  }
0x131: {  	[sflag:s9] =	ssyncadd.s32 $0xFFFF3800  }
0x132: {  	[hbm4b:s23+s3] =	stream.linear.scatter [tilespmem:s6], [sflag:$0x2], $0xC800, $0x38;
	[tilespmem:$0x19400] =	vst v63  }
0x133: {  	_ = 	snop  }
0x134: {  	[tilespmem:s3], [sflag:$0x3] =	stream.linear.gather [hbm4b:s24+s3], $0x190, $0x38;
	[tilespmem:$0x19400] =	vst v63  }
0x135: {  	_ =	swait.ge [sflag:s4], $0x190  }
0x136: {  	[sflag:s4] =	ssyncset.done $0x0  }
0x137: {  	[sflag:s4] =	ssyncadd.s32 $0xFFFFFE70  }
0x138: {  	_ =	swait.ge [sflag:s10], $0xC800  }
0x139: {  	[sflag:s10] =	ssyncset.done $0x0  }
0x13a: {  	[sflag:s10] =	ssyncadd.s32 $0xFFFF3800  }
0x13b: {  	[tilespmem:s6], [sflag:$0x1] =	stream.indirect.gather [hbm4b:s2+s5], $0x80, s3, s5, $0xb8;
	[tilespmem:$0x19400] =	vst v63  }
0x13c: {  	_ =	swait.ge [sflag:s9], $0xC800  }
0x13d: {  	[sflag:s9] =	ssyncset.done $0x0  }
0x13e: {  	[sflag:s9] =	ssyncadd.s32 $0xFFFF3800  }
0x13f: {  	[hbm4b:s25+s3] =	stream.linear.scatter [tilespmem:s8], [sflag:$0x2], $0xC800, $0x38;
	[tilespmem:$0x19400] =	vst v63  }
0x140: {  	_ = 	snop  }
0x141: {  	[tilespmem:s7], [sflag:$0x3] =	stream.linear.gather [hbm4b:s26+s3], $0x190, $0x38;
	[tilespmem:$0x19400] =	vst v63  }
0x142: {  	_ =	swait.ge [sflag:s4], $0x190  }
0x143: {  	[sflag:s4] =	ssyncset.done $0x0  }
0x144: {  	[sflag:s4] =	ssyncadd.s32 $0xFFFFFE70  }
0x145: {  	_ =	swait.ge [sflag:s10], $0xC800  }
0x146: {  	[sflag:s10] =	ssyncset.done $0x0  }
0x147: {  	[sflag:s10] =	ssyncadd.s32 $0xFFFF3800  }
0x148: {  	[tilespmem:s8], [sflag:$0x1] =	stream.indirect.gather [hbm4b:s2+s5], $0x80, s7, s5, $0xb8;
	[tilespmem:$0x19400] =	vst v63  }
0x149: {  	_ =	swait.ge [sflag:s9], $0xC800  }
0x14a: {  	[sflag:s9] =	ssyncset.done $0x0  }
0x14b: {  	[sflag:s9] =	ssyncadd.s32 $0xFFFF3800  }
0x14c: {  	[hbm4b:s28+s3] =	stream.linear.scatter [tilespmem:s6], [sflag:$0x2], $0xC800, $0x38;
	[tilespmem:$0x19400] =	vst v63  }
0x14d: {  	_ = 	snop  }
0x14e: {  	[tilespmem:s3], [sflag:$0x3] =	stream.linear.gather [hbm4b:s29+s3], $0x190, $0x38;
	[tilespmem:$0x19400] =	vst v63  }
0x14f: {  	_ =	swait.ge [sflag:s4], $0x190  }
0x150: {  	[sflag:s4] =	ssyncset.done $0x0  }
0x151: {  	[sflag:s4] =	ssyncadd.s32 $0xFFFFFE70  }
0x152: {  	_ =	swait.ge [sflag:s10], $0xC800  }
0x153: {  	[sflag:s10] =	ssyncset.done $0x0  }
0x154: {  	[sflag:s10] =	ssyncadd.s32 $0xFFFF3800  }
0x155: {  	[tilespmem:s6], [sflag:$0x1] =	stream.indirect.gather [hbm4b:s2+s5], $0x80, s3, s5, $0xb8;
	[tilespmem:$0x19400] =	vst v63  }
0x156: {  	_ =	swait.ge [sflag:s9], $0xC800  }
0x157: {  	[sflag:s9] =	ssyncset.done $0x0  }
0x158: {  	[sflag:s9] =	ssyncadd.s32 $0xFFFF3800  }
0x159: {  	[hbm4b:s30+s3] =	stream.linear.scatter [tilespmem:s8], [sflag:$0x2], $0xC800, $0x38;
	[tilespmem:$0x19400] =	vst v63  }
0x15a: {  	_ =	swait.ge [sflag:s9], $0xC800  }
0x15b: {  	[sflag:s9] =	ssyncset.done $0x0  }
0x15c: {  	p0 =	sne.s32 s1, $0x1;
	[sflag:s9] =	ssyncadd.s32 $0xFFFF3800  }
0x15d: {  	[hbm4b:s31+s3] =	stream.linear.scatter [tilespmem:s6], [sflag:$0x2], $0xC800, $0x38;
	[tilespmem:$0x19400] =	vst v63  }
.Ltmp1:
0x15e: {  	_ =	swait.ge [sflag:s10], $0xC800;
	(pc) =	sbr.rel @p0 .LBB2_1-.Ltmp1, $4  }
0x15f: {  	[sflag:s10] =	ssyncset.done $0x0  }
0x160: {  	[sflag:s10] =	ssyncadd.s32 $0xFFFF3800  }
0x161: {  	_ =	swait.ge [sflag:s10], $0xC800  }
0x162: {  	s1 =	sadd.s32 $0xFFFFFFFF, s1;
	[sflag:s10] =	ssyncset.done $0x0  }
.LBB2_2:
0x163: {  	[sflag:s10] =	ssyncadd.s32 $0xFFFF3800  }
0x164: {  	_ =	sfence.sel $0x180000  }
0x165: {  	[bflag:$0x0] =	sbarrier.arrive $0xFFFF  }
0x166: {  	_ =	strace $0x9000004A  }
0x167: {  	s0 =	stileid.u32;
	[bflag:$0x2] =	sbarrier.arrive $0xFFFF  }
0x168: {  	p0 =	sne.s32 s0, $0x0;
	s0 =	rddreg [dreg:$0x3]  }
0x169: {  	s0 =	sadd.s32 @!p0 $0x100000, s0  }
0x16a: {  	[sflag:s0] =	ssyncadd.tile.s32 @!p0 $0x1;
	_ =	shalt  }
.Lfunc_end2:
_tile_overlayer_lowered:
.L_overlay_start_2:
0x16b: {  	(tag) =	ssettag $0x2  }
0x16c: {  	s0 =	rddreg [dreg:$0x0];
	s2 =	stileid.u32  }
0x16d: {  	s1 =	rddreg [dreg:$0x1];
	p0 =	sne.s32 s2, $0x0  }
0x16e: {  	s3 =	rddreg [dreg:$0x2];
	[bflag:$0x3] =	sbarrier.arrive $0xFFFF;
	s2 =	simm.s32 @!p0 $0x1C03  }
0x16f: {  	[timem:s3], [sflag:s2] =	dma.local @!p0 [hbm:s0], s1  }
0x170: {  	s0 =	simm.s32 @!p0 $0x3  }
0x171: {  	_ =	swait.ge @!p0 [sflag:s0], s1  }
0x172: {  	s1 =	ssub.s32 @!p0 $0x0, s1;
	[sflag:s0] =	ssyncset.done @!p0 $0x0  }
0x173: {  	[sflag:s0] =	ssyncadd.s32 @!p0 s1  }
0x174: {  	[bflag:$0x3] =	sbarrier.arrive $0xFFFF  }
0x175: {  	_ =	shalt  }

</sc_bundles>
